<compile_context>
chip_gen: v7x
topology: tpu7x:2x2x1
jax: 0.10.2.dev20260603
libtpu: 0.0.44.dev20260713+nightly
codegen_flags: <defaults>
</compile_context>

<pallas_src>
import functools

import jax
import jax.numpy as jnp
from jax import lax
from jax.experimental import pallas as pl
from jax.experimental.pallas import tpu as pltpu
from jax.experimental.pallas import tpu_sc as plsc

T, DI, DH, DM, DO, E, K = 2048, 1024, 1024, 1024, 1024, 8, 2
BT = 256
NT = T // BT
BE = 512
NP = T * K
NTILES = NP // BE + E
NTOT = NTILES * BE
LANE = 128
CH = 128
NCH = T // CH
W8 = 8
_NEG = -1e30

_NC, _NS = 2, 16
NW = _NC * _NS

def _proj_router_kern(x_ref, wi_ref, bi_ref, wg_ref, bg_ref, h_ref, idx_ref,
                      prob_ref):
    h = jnp.dot(x_ref[...], wi_ref[...], preferred_element_type=jnp.float32)
    h = h + bi_ref[...]
    h_ref[...] = h
    logits = jnp.dot(h, wg_ref[...], preferred_element_type=jnp.float32)
    logits = logits + bg_ref[...]
    col = jax.lax.broadcasted_iota(jnp.int32, logits.shape, 1)
    v1 = jnp.max(logits, axis=-1, keepdims=True)
    i1 = jnp.min(jnp.where(logits == v1, col, LANE), axis=-1, keepdims=True)
    l2 = jnp.where(col == i1, _NEG, logits)
    v2 = jnp.max(l2, axis=-1, keepdims=True)
    i2 = jnp.min(jnp.where(l2 == v2, col, LANE), axis=-1, keepdims=True)
    p1 = 1.0 / (1.0 + jnp.exp(v2 - v1))
    p2 = 1.0 - p1
    col = jax.lax.broadcasted_iota(jnp.int32, (logits.shape[0], LANE), 1)
    idx_ref[...] = jnp.where(col == 0, i1, jnp.where(col == 1, i2, 0))
    prob_ref[...] = jnp.where(col == 0, p1, jnp.where(col == 1, p2, 0.0))


def _route_kern(idx_ref, sev_ref, sod_ref, info_ref):
    idx = idx_ref[...]
    col = jax.lax.broadcasted_iota(jnp.int32, (T, LANE), 1)
    col8 = jax.lax.broadcasted_iota(jnp.int32, (CH, W8), 1)
    i1 = idx[:, 0:1]
    i2 = idx[:, 1:2]
    oh1 = (col == i1).astype(jnp.float32)
    oh2 = (col == i2).astype(jnp.float32)
    s = oh1 + oh2
    counts = jnp.sum(s, axis=0, keepdims=True)
    padded = jnp.ceil(counts * (1.0 / BE)) * BE
    r = jax.lax.broadcasted_iota(jnp.int32, (LANE, LANE), 0)
    c = jax.lax.broadcasted_iota(jnp.int32, (LANE, LANE), 1)
    tri_strict = (c < r).astype(jnp.float32)
    tri_lanes = (r < c).astype(jnp.float32)
    off = jnp.dot(padded, tri_lanes,
                  preferred_element_type=jnp.float32)
    base = jnp.zeros((1, LANE), jnp.float32)
    for ci in range(NCH):
        rows = slice(ci * CH, (ci + 1) * CH)
        sc = s[rows, :]
        cc = jnp.dot(tri_strict, sc,
                     preferred_element_type=jnp.float32) + base + off
        sev = jnp.sum(jnp.where(col[rows, :] == i1[rows, :], cc, 0.0),
                      axis=-1, keepdims=True)
        sod = jnp.sum(jnp.where(col[rows, :] == i2[rows, :], cc, 0.0),
                      axis=-1, keepdims=True)
        sev_ref[rows, :] = jnp.broadcast_to(sev, (CH, W8)).astype(jnp.int32)
        sod_ref[rows, :] = jnp.broadcast_to(sod, (CH, W8)).astype(jnp.int32)
        base = base + jnp.sum(sc, axis=0, keepdims=True)
    ntiles = padded * (1.0 / BE)
    tri_lanes_incl = (r <= c).astype(jnp.float32)
    tile_cum = jnp.dot(ntiles, tri_lanes_incl,
                       preferred_element_type=jnp.float32)
    ii = jax.lax.broadcasted_iota(jnp.int32, (1, LANE), 1).astype(jnp.float32)
    col1 = jax.lax.broadcasted_iota(jnp.int32, (1, LANE), 1)
    eid = jnp.zeros((1, LANE), jnp.float32)
    for e in range(E):
        ce = jnp.sum(jnp.where(col1 == e, tile_cum, 0.0), axis=-1,
                     keepdims=True)
        eid = eid + (ii >= ce).astype(jnp.float32)
    total = jnp.sum(jnp.where(col1 == E - 1, tile_cum, 0.0), axis=-1,
                    keepdims=True)
    valid = ii < total
    last_e = jnp.max(jnp.where((padded > 0.0) & (col1 < E),
                               col1.astype(jnp.float32), 0.0),
                     axis=-1, keepdims=True)
    eid = jnp.where(valid, jnp.minimum(eid, E - 1), last_e)
    info_ref[0:1, :] = eid.astype(jnp.int32)
    info_ref[1:2, :] = valid.astype(jnp.int32)


@functools.lru_cache(maxsize=None)
def _make_pair_scatter(d):
    per_w = T // NW
    mesh = plsc.VectorSubcoreMesh(core_axis_name="c", subcore_axis_name="s")

    @functools.partial(
        pl.kernel, mesh=mesh,
        out_type=jax.ShapeDtypeStruct((NTOT, d), jnp.float32),
        scratch_types=[
            pltpu.VMEM((per_w,), jnp.int32),
            pltpu.VMEM((per_w,), jnp.int32),
            pltpu.VMEM((per_w, d), jnp.float32),
            pltpu.SemaphoreType.DMA,
        ],
    )
    def scatter_k(h_hbm, sev_hbm, sod_hbm, out_hbm, iev_v, iod_v, rows_v, sem):
        wid = lax.axis_index("s") * _NC + lax.axis_index("c")
        base = pl.multiple_of(wid * per_w, per_w)
        pltpu.sync_copy(sev_hbm.at[pl.ds(base, per_w)], iev_v)
        pltpu.sync_copy(sod_hbm.at[pl.ds(base, per_w)], iod_v)
        pltpu.sync_copy(h_hbm.at[pl.ds(base, per_w)], rows_v)
        a = pltpu.async_copy(rows_v, out_hbm.at[iev_v], sem)
        b = pltpu.async_copy(rows_v, out_hbm.at[iod_v], sem)
        a.wait()
        b.wait()

    return scatter_k


@functools.lru_cache(maxsize=None)
def _make_pair_gather(d):
    per_w = NP // NW
    chunk = per_w // 2
    mesh = plsc.VectorSubcoreMesh(core_axis_name="c", subcore_axis_name="s")

    @functools.partial(
        pl.kernel, mesh=mesh,
        out_type=jax.ShapeDtypeStruct((NP, d), jnp.float32),
        scratch_types=[
            pltpu.VMEM((chunk,), jnp.int32),
            pltpu.VMEM((chunk,), jnp.int32),
            pltpu.VMEM((chunk, d), jnp.float32),
            pltpu.SemaphoreType.DMA,
        ],
    )
    def gather_k(table_hbm, sev_hbm, sod_hbm, out_hbm, ia_v, ib_v, rows_v,
                 sem):
        wid = lax.axis_index("s") * _NC + lax.axis_index("c")
        half = NW // 2
        tokbase = pl.multiple_of((wid % half) * per_w, per_w)
        outbase = pl.multiple_of(wid * per_w, per_w)

        @pl.when(wid < half)
        def _():
            pltpu.sync_copy(sev_hbm.at[pl.ds(tokbase, chunk)], ia_v)
            pltpu.sync_copy(sev_hbm.at[pl.ds(tokbase + chunk, chunk)], ib_v)

        @pl.when(wid >= half)
        def _():
            pltpu.sync_copy(sod_hbm.at[pl.ds(tokbase, chunk)], ia_v)
            pltpu.sync_copy(sod_hbm.at[pl.ds(tokbase + chunk, chunk)], ib_v)

        for ci, idx_v in enumerate((ia_v, ib_v)):
            pltpu.async_copy(table_hbm.at[idx_v], rows_v, sem).wait()
            pltpu.sync_copy(rows_v,
                            out_hbm.at[pl.ds(outbase + ci * chunk, chunk)])

    return gather_k


def _grouped_kern(info_ref, hs_ref, w1_ref, b1_ref, w2_ref, b2_ref, ys_ref):
    i = pl.program_id(0)

    @pl.when(info_ref[1, i] == 1)
    def _():
        h1 = jnp.maximum(
            jnp.dot(hs_ref[...].astype(jnp.bfloat16),
                    w1_ref[0].astype(jnp.bfloat16),
                    preferred_element_type=jnp.float32) + b1_ref[0], 0.0)
        ys_ref[...] = jnp.dot(
            h1.astype(jnp.bfloat16), w2_ref[0].astype(jnp.bfloat16),
            preferred_element_type=jnp.float32) + b2_ref[0]


def _combine_outproj_kern(g1_ref, g2_ref, prob_ref, wo_ref, bo_ref, out_ref):
    prob = prob_ref[...]
    p1 = prob[:, 0:1]
    p2 = prob[:, 1:2]
    moe = p1 * g1_ref[...] + p2 * g2_ref[...]
    out_ref[...] = jnp.dot(
        moe.astype(jnp.bfloat16), wo_ref[...].astype(jnp.bfloat16),
        preferred_element_type=jnp.float32) + bo_ref[...]


def kernel(x, Wi, bi, Wg, bg, W1, b1, W2, b2, Wo, bo):
    h, idx_out, prob_out = pl.pallas_call(
        _proj_router_kern,
        grid=(NT,),
        in_specs=[
            pl.BlockSpec((BT, DI), lambda t: (t, 0)),
            pl.BlockSpec((DI, DH), lambda t: (0, 0)),
            pl.BlockSpec((1, DH), lambda t: (0, 0)),
            pl.BlockSpec((DH, E), lambda t: (0, 0)),
            pl.BlockSpec((1, E), lambda t: (0, 0)),
        ],
        out_specs=[
            pl.BlockSpec((BT, DH), lambda t: (t, 0)),
            pl.BlockSpec((BT, LANE), lambda t: (t, 0)),
            pl.BlockSpec((BT, LANE), lambda t: (t, 0)),
        ],
        out_shape=[
            jax.ShapeDtypeStruct((T, DH), jnp.float32),
            jax.ShapeDtypeStruct((T, LANE), jnp.int32),
            jax.ShapeDtypeStruct((T, LANE), jnp.float32),
        ],
    )(x, Wi, bi.reshape(1, DH), Wg, bg.reshape(1, E))

    sev8, sod8, info = pl.pallas_call(
        _route_kern,
        out_shape=[
            jax.ShapeDtypeStruct((T, W8), jnp.int32),
            jax.ShapeDtypeStruct((T, W8), jnp.int32),
            jax.ShapeDtypeStruct((2, LANE), jnp.int32),
        ],
    )(idx_out)
    sev = sev8[:, 0]
    sod = sod8[:, 0]

    hs = _make_pair_scatter(DH)(h, sev, sod)

    ys = pl.pallas_call(
        _grouped_kern,
        grid_spec=pltpu.PrefetchScalarGridSpec(
            num_scalar_prefetch=1,
            grid=(NTILES,),
            in_specs=[
                pl.BlockSpec((BE, DH), lambda i, info: (info[1, i] * i, 0)),
                pl.BlockSpec((1, DH, DM), lambda i, info: (info[0, i], 0, 0)),
                pl.BlockSpec((1, 1, DM), lambda i, info: (info[0, i], 0, 0)),
                pl.BlockSpec((1, DM, DH), lambda i, info: (info[0, i], 0, 0)),
                pl.BlockSpec((1, 1, DH), lambda i, info: (info[0, i], 0, 0)),
            ],
            out_specs=pl.BlockSpec(
                (BE, DH),
                lambda i, info: (info[1, i] * i
                                 + (1 - info[1, i]) * NTILES, 0)),
        ),
        out_shape=jax.ShapeDtypeStruct(((NTILES + 1) * BE, DH), jnp.float32),
    )(info, hs, W1, b1.reshape(E, 1, DM), W2, b2.reshape(E, 1, DH))

    g = _make_pair_gather(DH)(ys, sev, sod)

    out = pl.pallas_call(
        _combine_outproj_kern,
        grid=(NT,),
        in_specs=[
            pl.BlockSpec((BT, DH), lambda t: (t, 0)),
            pl.BlockSpec((BT, DH), lambda t: (NT + t, 0)),
            pl.BlockSpec((BT, LANE), lambda t: (t, 0)),
            pl.BlockSpec((DH, DO), lambda t: (0, 0)),
            pl.BlockSpec((1, DO), lambda t: (0, 0)),
        ],
        out_specs=pl.BlockSpec((BT, DO), lambda t: (t, 0)),
        out_shape=jax.ShapeDtypeStruct((T, DO), jnp.float32),
    )(g, g, prob_out, Wo, bo.reshape(1, DO))
    return out

# --- scband reference (transcript-rebuilt; emitter-appended) ---
"""Pipeline reference for scband-simple-mo-emodel-52166672777636 (READ-ONLY COPY).

The authoritative reference and input builder live on the scoring server;
editing this copy changes nothing except your own understanding.
"""

import jax, jax.numpy as jnp
import numpy as np

T = 2048
D_IN = 1024
D_HID = 1024
D_MOE = 1024
D_OUT = 1024
E = 8
K = 2


def setup_inputs(seed: int = 0) -> dict:
    key = jax.random.key(seed)
    ks = jax.random.split(key, 12)
    s = 0.02
    return {
        "x": jax.random.normal(ks[0], (T, D_IN), dtype=jnp.float32),
        "Wi": jax.random.normal(ks[1], (D_IN, D_HID), dtype=jnp.float32) * s,
        "bi": jnp.zeros((D_HID,), dtype=jnp.float32),
        "Wg": jax.random.normal(ks[2], (D_HID, E), dtype=jnp.float32) * s,
        "bg": jnp.zeros((E,), dtype=jnp.float32),
        "W1": jax.random.normal(ks[3], (E, D_HID, D_MOE), dtype=jnp.float32) * s,
        "b1": jnp.zeros((E, D_MOE), dtype=jnp.float32),
        "W2": jax.random.normal(ks[4], (E, D_MOE, D_HID), dtype=jnp.float32) * s,
        "b2": jnp.zeros((E, D_HID), dtype=jnp.float32),
        "Wo": jax.random.normal(ks[5], (D_HID, D_OUT), dtype=jnp.float32) * s,
        "bo": jnp.zeros((D_OUT,), dtype=jnp.float32),
    }


def reference(x, Wi, bi, Wg, bg, W1, b1, W2, b2, Wo, bo):
    # input projection
    h = x @ Wi + bi
    # router: top-k gating with softmax over selected logits
    logits = h @ Wg + bg
    topv, topi = jax.lax.top_k(logits, K)
    probs = jax.nn.softmax(topv, axis=-1)
    n_tok = h.shape[0]
    combine = jnp.zeros((n_tok, E), dtype=h.dtype)
    combine = combine.at[jnp.arange(n_tok)[:, None], topi].set(probs)
    # experts: per-expert 2-layer MLP with ReLU, computed densely and combined
    h1 = jax.nn.relu(jnp.einsum('td,edh->teh', h, W1) + b1[None, :, :])
    h2 = jnp.einsum('teh,ehd->ted', h1, W2) + b2[None, :, :]
    moe_out = jnp.einsum('te,ted->td', combine, h2)
    # output projection
    out = moe_out @ Wo + bo
    return out

if __name__ == "__main__":
    import jax
    _d = setup_inputs()
    print(jax.jit(kernel)(*tuple(_d.values())))

</pallas_src>

<mosaic_0001>
#map = affine_map<(d0, d1) -> (0, 0)>
#map1 = affine_map<(d0, d1) -> (0)>
module attributes {stable_mosaic.version = 14 : i64} {
  func.func @gather_k(%arg0: i32, %arg1: i32, %arg2: memref<8704x1024xf32, #tpu.memory_space<hbm>>, %arg3: memref<2048xi32, #tpu.memory_space<hbm>>, %arg4: memref<2048xi32, #tpu.memory_space<hbm>>, %arg5: memref<4096x1024xf32, #tpu.memory_space<hbm>>, %arg6: memref<64xi32, #tpu.memory_space<vmem>>, %arg7: memref<64xi32, #tpu.memory_space<vmem>>, %arg8: memref<64x1024xf32, #tpu.memory_space<vmem>>, %arg9: memref<!tpu.dma_semaphore, #tpu.memory_space<semaphore_mem>>) attributes {dimension_semantics = [#tpu.dimension_semantics<core_parallel>, #tpu.dimension_semantics<subcore_parallel>], iteration_bounds = array<i64: 2, 16>, scalar_prefetch = 0 : i64, scratch_operands = 4 : i64, tpu.core_type = #tpu.core_type<sc_vector_subcore>, window_params = [{transform_indices = #map}, {transform_indices = #map1}, {transform_indices = #map1}, {transform_indices = #map}]} {
    %mul3A = arith.constant 2 : i32
    %mul3A_0 = arith.muli %arg1, %mul3A : i32
    %add3A = arith.addi %mul3A_0, %arg0 : i32
    %jit3A = arith.constant 16 : i32
    %eq3A = arith.constant 0 : i32
    %eq3A_1 = arith.cmpi eq, %jit3A, %eq3A : i32
    %jit3A_2 = arith.constant 1 : i32
    %select_n3A = arith.select %eq3A_1, %jit3A_2, %jit3A : i32
    %rem3A = arith.remsi %add3A, %select_n3A : i32
    %ne3A = arith.constant 0 : i32
    %ne3A_3 = arith.cmpi ne, %rem3A, %ne3A : i32
    %lt3A = arith.constant 0 : i32
    %lt3A_4 = arith.cmpi slt, %rem3A, %lt3A : i32
    %lt3A_5 = arith.constant 0 : i32
    %lt3A_6 = arith.cmpi slt, %select_n3A, %lt3A_5 : i32
    %ne3A_7 = arith.xori %lt3A_4, %lt3A_6 : i1
    %and3A = arith.andi %ne3A_7, %ne3A_3 : i1
    %add3A_8 = arith.addi %rem3A, %select_n3A : i32
    %select_n3A_9 = arith.select %and3A, %add3A_8, %rem3A : i32
    %mul3A_10 = arith.constant 128 : i32
    %mul3A_11 = arith.muli %select_n3A_9, %mul3A_10 : i32
    %multiple_of3A = tpu.assume_multiple %mul3A_11, 128 : i32
    %mul3A_12 = arith.constant 128 : i32
    %mul3A_13 = arith.muli %add3A, %mul3A_12 : i32
    %multiple_of3A_14 = tpu.assume_multiple %mul3A_13, 128 : i32
    %lt3A_15 = arith.constant 16 : i32
    %lt3A_16 = arith.cmpi slt, %add3A, %lt3A_15 : i32
    %convert_element_type3A = arith.extui %lt3A_16 : i1 to i32
    %cond3A = arith.constant 0 : i32
    %cond3A_17 = arith.cmpi ne, %convert_element_type3A, %cond3A : i32
    scf.if %cond3A_17 {
      "tpu.region"() ({
        %run_scoped3A = tpu.sem_alloc : memref<!tpu.dma_semaphore, #tpu.memory_space<semaphore_mem>>
        %dma_start3A_38 = tpu.memref_slice %arg3[%multiple_of3A] : memref<2048xi32, #tpu.memory_space<hbm>> -> memref<64xi32, #tpu.memory_space<hbm>>
        %dma_start3A_39 = tpu.memref_slice %arg3[%multiple_of3A] : memref<2048xi32, #tpu.memory_space<hbm>> -> memref<64xi32, #tpu.memory_space<hbm>>
        tpu.enqueue_dma source(%dma_start3A_39 : memref<64xi32, #tpu.memory_space<hbm>>) target(%arg6 : memref<64xi32, #tpu.memory_space<vmem>>) target_semaphore(%run_scoped3A : memref<!tpu.dma_semaphore, #tpu.memory_space<semaphore_mem>>)
        %dma_wait3A_40 = tpu.memref_slice %arg3[%multiple_of3A] : memref<2048xi32, #tpu.memory_space<hbm>> -> memref<64xi32, #tpu.memory_space<hbm>>
        %dma_wait3A_41 = tpu.memref_slice %arg3[%multiple_of3A] : memref<2048xi32, #tpu.memory_space<hbm>> -> memref<64xi32, #tpu.memory_space<hbm>>
        tpu.wait_dma2 semaphore(%run_scoped3A : memref<!tpu.dma_semaphore, #tpu.memory_space<semaphore_mem>>) src(%dma_wait3A_41 : memref<64xi32, #tpu.memory_space<hbm>>) dst(%arg6 : memref<64xi32, #tpu.memory_space<vmem>>)
        tpu.yield
      }) : () -> ()
      %add3A_36 = arith.constant 64 : i32
      %add3A_37 = arith.addi %multiple_of3A, %add3A_36 : i32
      "tpu.region"() ({
        %run_scoped3A = tpu.sem_alloc : memref<!tpu.dma_semaphore, #tpu.memory_space<semaphore_mem>>
        %dma_start3A_38 = tpu.memref_slice %arg3[%add3A_37] : memref<2048xi32, #tpu.memory_space<hbm>> -> memref<64xi32, #tpu.memory_space<hbm>>
        %dma_start3A_39 = tpu.memref_slice %arg3[%add3A_37] : memref<2048xi32, #tpu.memory_space<hbm>> -> memref<64xi32, #tpu.memory_space<hbm>>
        tpu.enqueue_dma source(%dma_start3A_39 : memref<64xi32, #tpu.memory_space<hbm>>) target(%arg7 : memref<64xi32, #tpu.memory_space<vmem>>) target_semaphore(%run_scoped3A : memref<!tpu.dma_semaphore, #tpu.memory_space<semaphore_mem>>)
        %dma_wait3A_40 = tpu.memref_slice %arg3[%add3A_37] : memref<2048xi32, #tpu.memory_space<hbm>> -> memref<64xi32, #tpu.memory_space<hbm>>
        %dma_wait3A_41 = tpu.memref_slice %arg3[%add3A_37] : memref<2048xi32, #tpu.memory_space<hbm>> -> memref<64xi32, #tpu.memory_space<hbm>>
        tpu.wait_dma2 semaphore(%run_scoped3A : memref<!tpu.dma_semaphore, #tpu.memory_space<semaphore_mem>>) src(%dma_wait3A_41 : memref<64xi32, #tpu.memory_space<hbm>>) dst(%arg7 : memref<64xi32, #tpu.memory_space<vmem>>)
        tpu.yield
      }) : () -> ()
    } else {
    }
    %ge3A = arith.constant 16 : i32
    %ge3A_18 = arith.cmpi sge, %add3A, %ge3A : i32
    %convert_element_type3A_19 = arith.extui %ge3A_18 : i1 to i32
    %cond3A_20 = arith.constant 0 : i32
    %cond3A_21 = arith.cmpi ne, %convert_element_type3A_19, %cond3A_20 : i32
    scf.if %cond3A_21 {
      "tpu.region"() ({
        %run_scoped3A = tpu.sem_alloc : memref<!tpu.dma_semaphore, #tpu.memory_space<semaphore_mem>>
        %dma_start3A_38 = tpu.memref_slice %arg4[%multiple_of3A] : memref<2048xi32, #tpu.memory_space<hbm>> -> memref<64xi32, #tpu.memory_space<hbm>>
        %dma_start3A_39 = tpu.memref_slice %arg4[%multiple_of3A] : memref<2048xi32, #tpu.memory_space<hbm>> -> memref<64xi32, #tpu.memory_space<hbm>>
        tpu.enqueue_dma source(%dma_start3A_39 : memref<64xi32, #tpu.memory_space<hbm>>) target(%arg6 : memref<64xi32, #tpu.memory_space<vmem>>) target_semaphore(%run_scoped3A : memref<!tpu.dma_semaphore, #tpu.memory_space<semaphore_mem>>)
        %dma_wait3A_40 = tpu.memref_slice %arg4[%multiple_of3A] : memref<2048xi32, #tpu.memory_space<hbm>> -> memref<64xi32, #tpu.memory_space<hbm>>
        %dma_wait3A_41 = tpu.memref_slice %arg4[%multiple_of3A] : memref<2048xi32, #tpu.memory_space<hbm>> -> memref<64xi32, #tpu.memory_space<hbm>>
        tpu.wait_dma2 semaphore(%run_scoped3A : memref<!tpu.dma_semaphore, #tpu.memory_space<semaphore_mem>>) src(%dma_wait3A_41 : memref<64xi32, #tpu.memory_space<hbm>>) dst(%arg6 : memref<64xi32, #tpu.memory_space<vmem>>)
        tpu.yield
      }) : () -> ()
      %add3A_36 = arith.constant 64 : i32
      %add3A_37 = arith.addi %multiple_of3A, %add3A_36 : i32
      "tpu.region"() ({
        %run_scoped3A = tpu.sem_alloc : memref<!tpu.dma_semaphore, #tpu.memory_space<semaphore_mem>>
        %dma_start3A_38 = tpu.memref_slice %arg4[%add3A_37] : memref<2048xi32, #tpu.memory_space<hbm>> -> memref<64xi32, #tpu.memory_space<hbm>>
        %dma_start3A_39 = tpu.memref_slice %arg4[%add3A_37] : memref<2048xi32, #tpu.memory_space<hbm>> -> memref<64xi32, #tpu.memory_space<hbm>>
        tpu.enqueue_dma source(%dma_start3A_39 : memref<64xi32, #tpu.memory_space<hbm>>) target(%arg7 : memref<64xi32, #tpu.memory_space<vmem>>) target_semaphore(%run_scoped3A : memref<!tpu.dma_semaphore, #tpu.memory_space<semaphore_mem>>)
        %dma_wait3A_40 = tpu.memref_slice %arg4[%add3A_37] : memref<2048xi32, #tpu.memory_space<hbm>> -> memref<64xi32, #tpu.memory_space<hbm>>
        %dma_wait3A_41 = tpu.memref_slice %arg4[%add3A_37] : memref<2048xi32, #tpu.memory_space<hbm>> -> memref<64xi32, #tpu.memory_space<hbm>>
        tpu.wait_dma2 semaphore(%run_scoped3A : memref<!tpu.dma_semaphore, #tpu.memory_space<semaphore_mem>>) src(%dma_wait3A_41 : memref<64xi32, #tpu.memory_space<hbm>>) dst(%arg7 : memref<64xi32, #tpu.memory_space<vmem>>)
        tpu.yield
      }) : () -> ()
    } else {
    }
    %dma_start3A = arith.constant 0 : i32
    %dma_start3A_22 = arith.constant 0 : i32
    %dma_start3A_23 = tpu.memref_slice %arg2[%dma_start3A, %dma_start3A_22] : memref<8704x1024xf32, #tpu.memory_space<hbm>> -> memref<8704x1024xf32, #tpu.memory_space<hbm>>
    tpu.enqueue_indirect_dma source(%dma_start3A_23 : memref<8704x1024xf32, #tpu.memory_space<hbm>>) target(%arg8 : memref<64x1024xf32, #tpu.memory_space<vmem>>) offsets(%arg6 : memref<64xi32, #tpu.memory_space<vmem>>) semaphore(%arg9 : memref<!tpu.dma_semaphore, #tpu.memory_space<semaphore_mem>>)
    %dma_wait3A = arith.constant 0 : i32
    %dma_wait3A_24 = arith.constant 0 : i32
    %dma_wait3A_25 = tpu.memref_slice %arg2[%dma_wait3A, %dma_wait3A_24] : memref<8704x1024xf32, #tpu.memory_space<hbm>> -> memref<8704x1024xf32, #tpu.memory_space<hbm>>
    tpu.wait_indirect_dma semaphore(%arg9 : memref<!tpu.dma_semaphore, #tpu.memory_space<semaphore_mem>>) src(%dma_wait3A_25 : memref<8704x1024xf32, #tpu.memory_space<hbm>>) dst(%arg8 : memref<64x1024xf32, #tpu.memory_space<vmem>>)
    %add3A_26 = arith.constant 0 : i32
    %add3A_27 = arith.addi %multiple_of3A_14, %add3A_26 : i32
    "tpu.region"() ({
      %run_scoped3A = tpu.sem_alloc : memref<!tpu.dma_semaphore, #tpu.memory_space<semaphore_mem>>
      %dma_start3A_36 = arith.constant 0 : i32
      %dma_start3A_37 = tpu.memref_slice %arg5[%add3A_27, %dma_start3A_36] : memref<4096x1024xf32, #tpu.memory_space<hbm>> -> memref<64x1024xf32, #tpu.memory_space<hbm>>
      %dma_start3A_38 = arith.constant 0 : i32
      %dma_start3A_39 = tpu.memref_slice %arg5[%add3A_27, %dma_start3A_38] : memref<4096x1024xf32, #tpu.memory_space<hbm>> -> memref<64x1024xf32, #tpu.memory_space<hbm>>
      tpu.enqueue_dma source(%arg8 : memref<64x1024xf32, #tpu.memory_space<vmem>>) target(%dma_start3A_39 : memref<64x1024xf32, #tpu.memory_space<hbm>>) target_semaphore(%run_scoped3A : memref<!tpu.dma_semaphore, #tpu.memory_space<semaphore_mem>>)
      %dma_wait3A_40 = arith.constant 0 : i32
      %dma_wait3A_41 = tpu.memref_slice %arg5[%add3A_27, %dma_wait3A_40] : memref<4096x1024xf32, #tpu.memory_space<hbm>> -> memref<64x1024xf32, #tpu.memory_space<hbm>>
      %dma_wait3A_42 = arith.constant 0 : i32
      %dma_wait3A_43 = tpu.memref_slice %arg5[%add3A_27, %dma_wait3A_42] : memref<4096x1024xf32, #tpu.memory_space<hbm>> -> memref<64x1024xf32, #tpu.memory_space<hbm>>
      tpu.wait_dma2 semaphore(%run_scoped3A : memref<!tpu.dma_semaphore, #tpu.memory_space<semaphore_mem>>) src(%arg8 : memref<64x1024xf32, #tpu.memory_space<vmem>>) dst(%dma_wait3A_43 : memref<64x1024xf32, #tpu.memory_space<hbm>>)
      tpu.yield
    }) : () -> ()
    %dma_start3A_28 = arith.constant 0 : i32
    %dma_start3A_29 = arith.constant 0 : i32
    %dma_start3A_30 = tpu.memref_slice %arg2[%dma_start3A_28, %dma_start3A_29] : memref<8704x1024xf32, #tpu.memory_space<hbm>> -> memref<8704x1024xf32, #tpu.memory_space<hbm>>
    tpu.enqueue_indirect_dma source(%dma_start3A_30 : memref<8704x1024xf32, #tpu.memory_space<hbm>>) target(%arg8 : memref<64x1024xf32, #tpu.memory_space<vmem>>) offsets(%arg7 : memref<64xi32, #tpu.memory_space<vmem>>) semaphore(%arg9 : memref<!tpu.dma_semaphore, #tpu.memory_space<semaphore_mem>>)
    %dma_wait3A_31 = arith.constant 0 : i32
    %dma_wait3A_32 = arith.constant 0 : i32
    %dma_wait3A_33 = tpu.memref_slice %arg2[%dma_wait3A_31, %dma_wait3A_32] : memref<8704x1024xf32, #tpu.memory_space<hbm>> -> memref<8704x1024xf32, #tpu.memory_space<hbm>>
    tpu.wait_indirect_dma semaphore(%arg9 : memref<!tpu.dma_semaphore, #tpu.memory_space<semaphore_mem>>) src(%dma_wait3A_33 : memref<8704x1024xf32, #tpu.memory_space<hbm>>) dst(%arg8 : memref<64x1024xf32, #tpu.memory_space<vmem>>)
    %add3A_34 = arith.constant 64 : i32
    %add3A_35 = arith.addi %multiple_of3A_14, %add3A_34 : i32
    "tpu.region"() ({
      %run_scoped3A = tpu.sem_alloc : memref<!tpu.dma_semaphore, #tpu.memory_space<semaphore_mem>>
      %dma_start3A_36 = arith.constant 0 : i32
      %dma_start3A_37 = tpu.memref_slice %arg5[%add3A_35, %dma_start3A_36] : memref<4096x1024xf32, #tpu.memory_space<hbm>> -> memref<64x1024xf32, #tpu.memory_space<hbm>>
      %dma_start3A_38 = arith.constant 0 : i32
      %dma_start3A_39 = tpu.memref_slice %arg5[%add3A_35, %dma_start3A_38] : memref<4096x1024xf32, #tpu.memory_space<hbm>> -> memref<64x1024xf32, #tpu.memory_space<hbm>>
      tpu.enqueue_dma source(%arg8 : memref<64x1024xf32, #tpu.memory_space<vmem>>) target(%dma_start3A_39 : memref<64x1024xf32, #tpu.memory_space<hbm>>) target_semaphore(%run_scoped3A : memref<!tpu.dma_semaphore, #tpu.memory_space<semaphore_mem>>)
      %dma_wait3A_40 = arith.constant 0 : i32
      %dma_wait3A_41 = tpu.memref_slice %arg5[%add3A_35, %dma_wait3A_40] : memref<4096x1024xf32, #tpu.memory_space<hbm>> -> memref<64x1024xf32, #tpu.memory_space<hbm>>
      %dma_wait3A_42 = arith.constant 0 : i32
      %dma_wait3A_43 = tpu.memref_slice %arg5[%add3A_35, %dma_wait3A_42] : memref<4096x1024xf32, #tpu.memory_space<hbm>> -> memref<64x1024xf32, #tpu.memory_space<hbm>>
      tpu.wait_dma2 semaphore(%run_scoped3A : memref<!tpu.dma_semaphore, #tpu.memory_space<semaphore_mem>>) src(%arg8 : memref<64x1024xf32, #tpu.memory_space<vmem>>) dst(%dma_wait3A_43 : memref<64x1024xf32, #tpu.memory_space<hbm>>)
      tpu.yield
    }) : () -> ()
    return
  }
}

#map = affine_map<(d0, d1) -> (0, 0)>
#map1 = affine_map<(d0, d1) -> (0)>
module attributes {stable_mosaic.version = 14 : i64} {
  func.func @scatter_k(%arg0: i32, %arg1: i32, %arg2: memref<2048x1024xf32, #tpu.memory_space<hbm>>, %arg3: memref<2048xi32, #tpu.memory_space<hbm>>, %arg4: memref<2048xi32, #tpu.memory_space<hbm>>, %arg5: memref<8192x1024xf32, #tpu.memory_space<hbm>>, %arg6: memref<64xi32, #tpu.memory_space<vmem>>, %arg7: memref<64xi32, #tpu.memory_space<vmem>>, %arg8: memref<64x1024xf32, #tpu.memory_space<vmem>>, %arg9: memref<!tpu.dma_semaphore, #tpu.memory_space<semaphore_mem>>) attributes {dimension_semantics = [#tpu.dimension_semantics<core_parallel>, #tpu.dimension_semantics<subcore_parallel>], iteration_bounds = array<i64: 2, 16>, scalar_prefetch = 0 : i64, scratch_operands = 4 : i64, tpu.core_type = #tpu.core_type<sc_vector_subcore>, window_params = [{transform_indices = #map}, {transform_indices = #map1}, {transform_indices = #map1}, {transform_indices = #map}]} {
    %mul3A = arith.constant 2 : i32
    %mul3A_0 = arith.muli %arg1, %mul3A : i32
    %add3A = arith.addi %mul3A_0, %arg0 : i32
    %mul3A_1 = arith.constant 64 : i32
    %mul3A_2 = arith.muli %add3A, %mul3A_1 : i32
    %multiple_of3A = tpu.assume_multiple %mul3A_2, 64 : i32
    "tpu.region"() ({
      %run_scoped3A = tpu.sem_alloc : memref<!tpu.dma_semaphore, #tpu.memory_space<semaphore_mem>>
      %dma_start3A_13 = tpu.memref_slice %arg3[%multiple_of3A] : memref<2048xi32, #tpu.memory_space<hbm>> -> memref<64xi32, #tpu.memory_space<hbm>>
      %dma_start3A_14 = tpu.memref_slice %arg3[%multiple_of3A] : memref<2048xi32, #tpu.memory_space<hbm>> -> memref<64xi32, #tpu.memory_space<hbm>>
      tpu.enqueue_dma source(%dma_start3A_14 : memref<64xi32, #tpu.memory_space<hbm>>) target(%arg6 : memref<64xi32, #tpu.memory_space<vmem>>) target_semaphore(%run_scoped3A : memref<!tpu.dma_semaphore, #tpu.memory_space<semaphore_mem>>)
      %dma_wait3A_15 = tpu.memref_slice %arg3[%multiple_of3A] : memref<2048xi32, #tpu.memory_space<hbm>> -> memref<64xi32, #tpu.memory_space<hbm>>
      %dma_wait3A_16 = tpu.memref_slice %arg3[%multiple_of3A] : memref<2048xi32, #tpu.memory_space<hbm>> -> memref<64xi32, #tpu.memory_space<hbm>>
      tpu.wait_dma2 semaphore(%run_scoped3A : memref<!tpu.dma_semaphore, #tpu.memory_space<semaphore_mem>>) src(%dma_wait3A_16 : memref<64xi32, #tpu.memory_space<hbm>>) dst(%arg6 : memref<64xi32, #tpu.memory_space<vmem>>)
      tpu.yield
    }) : () -> ()
    "tpu.region"() ({
      %run_scoped3A = tpu.sem_alloc : memref<!tpu.dma_semaphore, #tpu.memory_space<semaphore_mem>>
      %dma_start3A_13 = tpu.memref_slice %arg4[%multiple_of3A] : memref<2048xi32, #tpu.memory_space<hbm>> -> memref<64xi32, #tpu.memory_space<hbm>>
      %dma_start3A_14 = tpu.memref_slice %arg4[%multiple_of3A] : memref<2048xi32, #tpu.memory_space<hbm>> -> memref<64xi32, #tpu.memory_space<hbm>>
      tpu.enqueue_dma source(%dma_start3A_14 : memref<64xi32, #tpu.memory_space<hbm>>) target(%arg7 : memref<64xi32, #tpu.memory_space<vmem>>) target_semaphore(%run_scoped3A : memref<!tpu.dma_semaphore, #tpu.memory_space<semaphore_mem>>)
      %dma_wait3A_15 = tpu.memref_slice %arg4[%multiple_of3A] : memref<2048xi32, #tpu.memory_space<hbm>> -> memref<64xi32, #tpu.memory_space<hbm>>
      %dma_wait3A_16 = tpu.memref_slice %arg4[%multiple_of3A] : memref<2048xi32, #tpu.memory_space<hbm>> -> memref<64xi32, #tpu.memory_space<hbm>>
      tpu.wait_dma2 semaphore(%run_scoped3A : memref<!tpu.dma_semaphore, #tpu.memory_space<semaphore_mem>>) src(%dma_wait3A_16 : memref<64xi32, #tpu.memory_space<hbm>>) dst(%arg7 : memref<64xi32, #tpu.memory_space<vmem>>)
      tpu.yield
    }) : () -> ()
    "tpu.region"() ({
      %run_scoped3A = tpu.sem_alloc : memref<!tpu.dma_semaphore, #tpu.memory_space<semaphore_mem>>
      %dma_start3A_13 = arith.constant 0 : i32
      %dma_start3A_14 = tpu.memref_slice %arg2[%multiple_of3A, %dma_start3A_13] : memref<2048x1024xf32, #tpu.memory_space<hbm>> -> memref<64x1024xf32, #tpu.memory_space<hbm>>
      %dma_start3A_15 = arith.constant 0 : i32
      %dma_start3A_16 = tpu.memref_slice %arg2[%multiple_of3A, %dma_start3A_15] : memref<2048x1024xf32, #tpu.memory_space<hbm>> -> memref<64x1024xf32, #tpu.memory_space<hbm>>
      tpu.enqueue_dma source(%dma_start3A_16 : memref<64x1024xf32, #tpu.memory_space<hbm>>) target(%arg8 : memref<64x1024xf32, #tpu.memory_space<vmem>>) target_semaphore(%run_scoped3A : memref<!tpu.dma_semaphore, #tpu.memory_space<semaphore_mem>>)
      %dma_wait3A_17 = arith.constant 0 : i32
      %dma_wait3A_18 = tpu.memref_slice %arg2[%multiple_of3A, %dma_wait3A_17] : memref<2048x1024xf32, #tpu.memory_space<hbm>> -> memref<64x1024xf32, #tpu.memory_space<hbm>>
      %dma_wait3A_19 = arith.constant 0 : i32
      %dma_wait3A_20 = tpu.memref_slice %arg2[%multiple_of3A, %dma_wait3A_19] : memref<2048x1024xf32, #tpu.memory_space<hbm>> -> memref<64x1024xf32, #tpu.memory_space<hbm>>
      tpu.wait_dma2 semaphore(%run_scoped3A : memref<!tpu.dma_semaphore, #tpu.memory_space<semaphore_mem>>) src(%dma_wait3A_20 : memref<64x1024xf32, #tpu.memory_space<hbm>>) dst(%arg8 : memref<64x1024xf32, #tpu.memory_space<vmem>>)
      tpu.yield
    }) : () -> ()
    %dma_start3A = arith.constant 0 : i32
    %dma_start3A_3 = arith.constant 0 : i32
    %dma_start3A_4 = tpu.memref_slice %arg5[%dma_start3A, %dma_start3A_3] : memref<8192x1024xf32, #tpu.memory_space<hbm>> -> memref<8192x1024xf32, #tpu.memory_space<hbm>>
    tpu.enqueue_indirect_dma source(%arg8 : memref<64x1024xf32, #tpu.memory_space<vmem>>) target(%dma_start3A_4 : memref<8192x1024xf32, #tpu.memory_space<hbm>>) offsets(%arg6 : memref<64xi32, #tpu.memory_space<vmem>>) semaphore(%arg9 : memref<!tpu.dma_semaphore, #tpu.memory_space<semaphore_mem>>)
    %dma_start3A_5 = arith.constant 0 : i32
    %dma_start3A_6 = arith.constant 0 : i32
    %dma_start3A_7 = tpu.memref_slice %arg5[%dma_start3A_5, %dma_start3A_6] : memref<8192x1024xf32, #tpu.memory_space<hbm>> -> memref<8192x1024xf32, #tpu.memory_space<hbm>>
    tpu.enqueue_indirect_dma source(%arg8 : memref<64x1024xf32, #tpu.memory_space<vmem>>) target(%dma_start3A_7 : memref<8192x1024xf32, #tpu.memory_space<hbm>>) offsets(%arg7 : memref<64xi32, #tpu.memory_space<vmem>>) semaphore(%arg9 : memref<!tpu.dma_semaphore, #tpu.memory_space<semaphore_mem>>)
    %dma_wait3A = arith.constant 0 : i32
    %dma_wait3A_8 = arith.constant 0 : i32
    %dma_wait3A_9 = tpu.memref_slice %arg5[%dma_wait3A, %dma_wait3A_8] : memref<8192x1024xf32, #tpu.memory_space<hbm>> -> memref<8192x1024xf32, #tpu.memory_space<hbm>>
    tpu.wait_indirect_dma semaphore(%arg9 : memref<!tpu.dma_semaphore, #tpu.memory_space<semaphore_mem>>) src(%arg8 : memref<64x1024xf32, #tpu.memory_space<vmem>>) dst(%dma_wait3A_9 : memref<8192x1024xf32, #tpu.memory_space<hbm>>)
    %dma_wait3A_10 = arith.constant 0 : i32
    %dma_wait3A_11 = arith.constant 0 : i32
    %dma_wait3A_12 = tpu.memref_slice %arg5[%dma_wait3A_10, %dma_wait3A_11] : memref<8192x1024xf32, #tpu.memory_space<hbm>> -> memref<8192x1024xf32, #tpu.memory_space<hbm>>
    tpu.wait_indirect_dma semaphore(%arg9 : memref<!tpu.dma_semaphore, #tpu.memory_space<semaphore_mem>>) src(%arg8 : memref<64x1024xf32, #tpu.memory_space<vmem>>) dst(%dma_wait3A_12 : memref<8192x1024xf32, #tpu.memory_space<hbm>>)
    return
  }
}

module attributes {stable_mosaic.version = 14 : i64} {
  func.func @_proj_router_kern(%arg0: i32, %arg1: memref<256x1024xf32, #tpu.memory_space<vmem>>, %arg2: memref<1024x1024xf32, #tpu.memory_space<vmem>>, %arg3: memref<1x1024xf32, #tpu.memory_space<vmem>>, %arg4: memref<1024x8xf32, #tpu.memory_space<vmem>>, %arg5: memref<1x8xf32, #tpu.memory_space<vmem>>, %arg6: memref<256x1024xf32, #tpu.memory_space<vmem>>, %arg7: memref<256x128xi32, #tpu.memory_space<vmem>>, %arg8: memref<256x128xf32, #tpu.memory_space<vmem>>) attributes {dimension_semantics = [#tpu.dimension_semantics<arbitrary>], iteration_bounds = array<i64: 8>, scalar_prefetch = 0 : i64, scratch_operands = 0 : i64, tpu.core_type = #tpu.core_type<tc>, window_params = [{transform_indices = @transform_0, window_bounds = array<i64: 256, 1024>}, {pipeline_mode = #tpu.pipeline_mode<synchronous>, transform_indices = @transform_1, window_bounds = array<i64: 1024, 1024>}, {pipeline_mode = #tpu.pipeline_mode<synchronous>, transform_indices = @transform_2, window_bounds = array<i64: 1, 1024>}, {pipeline_mode = #tpu.pipeline_mode<synchronous>, transform_indices = @transform_3, window_bounds = array<i64: 1024, 8>}, {pipeline_mode = #tpu.pipeline_mode<synchronous>, transform_indices = @transform_4, window_bounds = array<i64: 1, 8>}, {transform_indices = @transform_5, window_bounds = array<i64: 256, 1024>}, {transform_indices = @transform_6, window_bounds = array<i64: 256, 128>}, {transform_indices = @transform_7, window_bounds = array<i64: 256, 128>}]} {
    %get3A = arith.constant 0 : index
    %get3A_0 = arith.constant 0 : index
    %get3A_1 = vector.load %arg1[%get3A, %get3A_0] : memref<256x1024xf32, #tpu.memory_space<vmem>>, vector<256x1024xf32>
    %get3A_2 = arith.constant 0 : index
    %get3A_3 = arith.constant 0 : index
    %get3A_4 = vector.load %arg2[%get3A_2, %get3A_3] : memref<1024x1024xf32, #tpu.memory_space<vmem>>, vector<1024x1024xf32>
    %dot_general3A = arith.constant dense<0.000000e+00> : vector<256x1024xf32>
    %dot_general3A_5 = tpu.matmul %get3A_1, %get3A_4, %dot_general3A {dimension_numbers = #tpu.dot_dimension_numbers<[1], [0], [0], [1], [0, 0, 1, 1], [], []>, transpose_lhs_hint = false} : vector<256x1024xf32>, vector<1024x1024xf32>, vector<256x1024xf32> -> vector<256x1024xf32>
    %get3A_6 = arith.constant 0 : index
    %get3A_7 = arith.constant 0 : index
    %get3A_8 = vector.load %arg3[%get3A_6, %get3A_7] : memref<1x1024xf32, #tpu.memory_space<vmem>>, vector<1x1024xf32>
    %add3A = vector.broadcast %get3A_8 : vector<1x1024xf32> to vector<256x1024xf32>
    %add3A_9 = arith.addf %dot_general3A_5, %add3A : vector<256x1024xf32>
    %swap3A = arith.constant 0 : index
    %swap3A_10 = arith.constant 0 : index
    %swap3A_11 = vector.load %arg6[%swap3A, %swap3A_10] : memref<256x1024xf32, #tpu.memory_space<vmem>>, vector<256x1024xf32>
    tpu.vector_store %arg6[%swap3A, %swap3A_10], %add3A_9 {strides = array<i32>} : memref<256x1024xf32, #tpu.memory_space<vmem>>, vector<256x1024xf32>,
    %get3A_12 = arith.constant 0 : index
    %get3A_13 = arith.constant 0 : index
    %get3A_14 = vector.load %arg4[%get3A_12, %get3A_13] : memref<1024x8xf32, #tpu.memory_space<vmem>>, vector<1024x8xf32>
    %dot_general3A_15 = arith.constant dense<0.000000e+00> : vector<256x8xf32>
    %dot_general3A_16 = tpu.matmul %add3A_9, %get3A_14, %dot_general3A_15 {dimension_numbers = #tpu.dot_dimension_numbers<[1], [0], [0], [1], [0, 0, 1, 1], [], []>, transpose_lhs_hint = false} : vector<256x1024xf32>, vector<1024x8xf32>, vector<256x8xf32> -> vector<256x8xf32>
    %get3A_17 = arith.constant 0 : index
    %get3A_18 = arith.constant 0 : index
    %get3A_19 = vector.load %arg5[%get3A_17, %get3A_18] : memref<1x8xf32, #tpu.memory_space<vmem>>, vector<1x8xf32>
    %add3A_20 = vector.broadcast %get3A_19 : vector<1x8xf32> to vector<256x8xf32>
    %add3A_21 = arith.addf %dot_general3A_16, %add3A_20 : vector<256x8xf32>
    %iota3A = tpu.iota {dimensions = array<i32: 1>} : vector<256x8xi32>
    %reduce_max3A = arith.constant dense<0xFF800000> : vector<256xf32>
    %reduce_max3A_22 = vector.multi_reduction <maximumf>, %add3A_21, %reduce_max3A [1] : vector<256x8xf32> to vector<256xf32>
    %broadcast_in_dim3A = vector.shape_cast %reduce_max3A_22 : vector<256xf32> to vector<256x1xf32>
    %eq3A = vector.broadcast %broadcast_in_dim3A : vector<256x1xf32> to vector<256x8xf32>
    %eq3A_23 = arith.cmpf oeq, %add3A_21, %eq3A : vector<256x8xf32>
    %jit3A = arith.constant 128 : i32
    %broadcast_in_dim3A_24 = vector.broadcast %jit3A : i32 to vector<256x8xi32>
    %select_n3A = arith.select %eq3A_23, %iota3A, %broadcast_in_dim3A_24 : vector<256x8xi1>, vector<256x8xi32>
    %reduce_min3A = arith.constant dense<2147483647> : vector<256xi32>
    %reduce_min3A_25 = vector.multi_reduction <minsi>, %select_n3A, %reduce_min3A [1] : vector<256x8xi32> to vector<256xi32>
    %broadcast_in_dim3A_26 = vector.shape_cast %reduce_min3A_25 : vector<256xi32> to vector<256x1xi32>
    %eq3A_27 = vector.broadcast %broadcast_in_dim3A_26 : vector<256x1xi32> to vector<256x8xi32>
    %eq3A_28 = arith.cmpi eq, %iota3A, %eq3A_27 : vector<256x8xi32>
    %jit3A_29 = arith.constant -1.000000e+30 : f32
    %broadcast_in_dim3A_30 = vector.broadcast %jit3A_29 : f32 to vector<256x8xf32>
    %select_n3A_31 = arith.select %eq3A_28, %broadcast_in_dim3A_30, %add3A_21 : vector<256x8xi1>, vector<256x8xf32>
    %reduce_max3A_32 = arith.constant dense<0xFF800000> : vector<256xf32>
    %reduce_max3A_33 = vector.multi_reduction <maximumf>, %select_n3A_31, %reduce_max3A_32 [1] : vector<256x8xf32> to vector<256xf32>
    %broadcast_in_dim3A_34 = vector.shape_cast %reduce_max3A_33 : vector<256xf32> to vector<256x1xf32>
    %eq3A_35 = vector.broadcast %broadcast_in_dim3A_34 : vector<256x1xf32> to vector<256x8xf32>
    %eq3A_36 = arith.cmpf oeq, %select_n3A_31, %eq3A_35 : vector<256x8xf32>
    %jit3A_37 = arith.constant 128 : i32
    %broadcast_in_dim3A_38 = vector.broadcast %jit3A_37 : i32 to vector<256x8xi32>
    %select_n3A_39 = arith.select %eq3A_36, %iota3A, %broadcast_in_dim3A_38 : vector<256x8xi1>, vector<256x8xi32>
    %reduce_min3A_40 = arith.constant dense<2147483647> : vector<256xi32>
    %reduce_min3A_41 = vector.multi_reduction <minsi>, %select_n3A_39, %reduce_min3A_40 [1] : vector<256x8xi32> to vector<256xi32>
    %broadcast_in_dim3A_42 = vector.shape_cast %reduce_min3A_41 : vector<256xi32> to vector<256x1xi32>
    %sub3A = arith.subf %broadcast_in_dim3A_34, %broadcast_in_dim3A : vector<256x1xf32>
    %exp3A = math.exp %sub3A : vector<256x1xf32>
    %add3A_43 = arith.constant 1.000000e+00 : f32
    %add3A_44 = vector.broadcast %add3A_43 : f32 to vector<256x1xf32>
    %add3A_45 = arith.addf %add3A_44, %exp3A : vector<256x1xf32>
    %div3A = arith.constant 1.000000e+00 : f32
    %div3A_46 = vector.broadcast %div3A : f32 to vector<256x1xf32>
    %div3A_47 = arith.divf %div3A_46, %add3A_45 : vector<256x1xf32>
    %sub3A_48 = arith.constant 1.000000e+00 : f32
    %sub3A_49 = vector.broadcast %sub3A_48 : f32 to vector<256x1xf32>
    %sub3A_50 = arith.subf %sub3A_49, %div3A_47 : vector<256x1xf32>
    %iota3A_51 = tpu.iota {dimensions = array<i32: 1>} : vector<256x128xi32>
    %eq3A_52 = arith.constant 0 : i32
    %eq3A_53 = vector.broadcast %eq3A_52 : i32 to vector<256x128xi32>
    %eq3A_54 = arith.cmpi eq, %iota3A_51, %eq3A_53 : vector<256x128xi32>
    %eq3A_55 = arith.constant 1 : i32
    %eq3A_56 = vector.broadcast %eq3A_55 : i32 to vector<256x128xi32>
    %eq3A_57 = arith.cmpi eq, %iota3A_51, %eq3A_56 : vector<256x128xi32>
    %jit3A_58 = arith.constant 0 : i32
    %broadcast_in_dim3A_59 = vector.shape_cast %broadcast_in_dim3A_42 : vector<256x1xi32> to vector<256x1xi32>
    %broadcast_in_dim3A_60 = vector.broadcast %broadcast_in_dim3A_59 : vector<256x1xi32> to vector<256x128xi32>
    %broadcast_in_dim3A_61 = vector.broadcast %jit3A_58 : i32 to vector<256x128xi32>
    %select_n3A_62 = arith.select %eq3A_57, %broadcast_in_dim3A_60, %broadcast_in_dim3A_61 : vector<256x128xi1>, vector<256x128xi32>
    %broadcast_in_dim3A_63 = vector.shape_cast %broadcast_in_dim3A_26 : vector<256x1xi32> to vector<256x1xi32>
    %broadcast_in_dim3A_64 = vector.broadcast %broadcast_in_dim3A_63 : vector<256x1xi32> to vector<256x128xi32>
    %select_n3A_65 = arith.select %eq3A_54, %broadcast_in_dim3A_64, %select_n3A_62 : vector<256x128xi1>, vector<256x128xi32>
    %swap3A_66 = arith.constant 0 : index
    %swap3A_67 = arith.constant 0 : index
    %swap3A_68 = vector.load %arg7[%swap3A_66, %swap3A_67] : memref<256x128xi32, #tpu.memory_space<vmem>>, vector<256x128xi32>
    tpu.vector_store %arg7[%swap3A_66, %swap3A_67], %select_n3A_65 {strides = array<i32>} : memref<256x128xi32, #tpu.memory_space<vmem>>, vector<256x128xi32>,
    %eq3A_69 = arith.constant 0 : i32
    %eq3A_70 = vector.broadcast %eq3A_69 : i32 to vector<256x128xi32>
    %eq3A_71 = arith.cmpi eq, %iota3A_51, %eq3A_70 : vector<256x128xi32>
    %eq3A_72 = arith.constant 1 : i32
    %eq3A_73 = vector.broadcast %eq3A_72 : i32 to vector<256x128xi32>
    %eq3A_74 = arith.cmpi eq, %iota3A_51, %eq3A_73 : vector<256x128xi32>
    %jit3A_75 = arith.constant 0.000000e+00 : f32
    %broadcast_in_dim3A_76 = vector.shape_cast %sub3A_50 : vector<256x1xf32> to vector<256x1xf32>
    %broadcast_in_dim3A_77 = vector.broadcast %broadcast_in_dim3A_76 : vector<256x1xf32> to vector<256x128xf32>
    %broadcast_in_dim3A_78 = vector.broadcast %jit3A_75 : f32 to vector<256x128xf32>
    %select_n3A_79 = arith.select %eq3A_74, %broadcast_in_dim3A_77, %broadcast_in_dim3A_78 : vector<256x128xi1>, vector<256x128xf32>
    %broadcast_in_dim3A_80 = vector.shape_cast %div3A_47 : vector<256x1xf32> to vector<256x1xf32>
    %broadcast_in_dim3A_81 = vector.broadcast %broadcast_in_dim3A_80 : vector<256x1xf32> to vector<256x128xf32>
    %select_n3A_82 = arith.select %eq3A_71, %broadcast_in_dim3A_81, %select_n3A_79 : vector<256x128xi1>, vector<256x128xf32>
    %swap3A_83 = arith.constant 0 : index
    %swap3A_84 = arith.constant 0 : index
    %swap3A_85 = vector.load %arg8[%swap3A_83, %swap3A_84] : memref<256x128xf32, #tpu.memory_space<vmem>>, vector<256x128xf32>
    tpu.vector_store %arg8[%swap3A_83, %swap3A_84], %select_n3A_82 {strides = array<i32>} : memref<256x128xf32, #tpu.memory_space<vmem>>, vector<256x128xf32>,
    return
  }
  func.func @transform_0(%arg0: i32) -> (i32, i32) {
    %c0_i32 = arith.constant 0 : i32
    %c0_i32_0 = arith.constant 0 : i32
    return %arg0, %c0_i32 : i32, i32
  }
  func.func @transform_1(%arg0: i32) -> (i32, i32) {
    %c0_i32 = arith.constant 0 : i32
    %c0_i32_0 = arith.constant 0 : i32
    %c0_i32_1 = arith.constant 0 : i32
    return %c0_i32, %c0_i32_0 : i32, i32
  }
  func.func @transform_2(%arg0: i32) -> (i32, i32) {
    %c0_i32 = arith.constant 0 : i32
    %c0_i32_0 = arith.constant 0 : i32
    %c0_i32_1 = arith.constant 0 : i32
    return %c0_i32, %c0_i32_0 : i32, i32
  }
  func.func @transform_3(%arg0: i32) -> (i32, i32) {
    %c0_i32 = arith.constant 0 : i32
    %c0_i32_0 = arith.constant 0 : i32
    %c0_i32_1 = arith.constant 0 : i32
    return %c0_i32, %c0_i32_0 : i32, i32
  }
  func.func @transform_4(%arg0: i32) -> (i32, i32) {
    %c0_i32 = arith.constant 0 : i32
    %c0_i32_0 = arith.constant 0 : i32
    %c0_i32_1 = arith.constant 0 : i32
    return %c0_i32, %c0_i32_0 : i32, i32
  }
  func.func @transform_5(%arg0: i32) -> (i32, i32) {
    %c0_i32 = arith.constant 0 : i32
    %c0_i32_0 = arith.constant 0 : i32
    return %arg0, %c0_i32 : i32, i32
  }
  func.func @transform_6(%arg0: i32) -> (i32, i32) {
    %c0_i32 = arith.constant 0 : i32
    %c0_i32_0 = arith.constant 0 : i32
    return %arg0, %c0_i32 : i32, i32
  }
  func.func @transform_7(%arg0: i32) -> (i32, i32) {
    %c0_i32 = arith.constant 0 : i32
    %c0_i32_0 = arith.constant 0 : i32
    return %arg0, %c0_i32 : i32, i32
  }
}

module attributes {stable_mosaic.version = 14 : i64} {
  func.func @_route_kern(%arg0: memref<2048x128xi32, #tpu.memory_space<vmem>>, %arg1: memref<2048x8xi32, #tpu.memory_space<vmem>>, %arg2: memref<2048x8xi32, #tpu.memory_space<vmem>>, %arg3: memref<2x128xi32, #tpu.memory_space<vmem>>) attributes {dimension_semantics = [], scalar_prefetch = 0 : i64, scratch_operands = 0 : i64, tpu.core_type = #tpu.core_type<tc>} {
    %get3A = arith.constant 0 : index
    %get3A_0 = arith.constant 0 : index
    %get3A_1 = vector.load %arg0[%get3A, %get3A_0] : memref<2048x128xi32, #tpu.memory_space<vmem>>, vector<2048x128xi32>
    %iota3A = tpu.iota {dimensions = array<i32: 1>} : vector<2048x128xi32>
    %slice3A = vector.extract_strided_slice %get3A_1 {offsets = [0, 0], sizes = [2048, 1], strides = [1, 1]} : vector<2048x128xi32> to vector<2048x1xi32>
    %slice3A_2 = vector.extract_strided_slice %get3A_1 {offsets = [0, 1], sizes = [2048, 1], strides = [1, 1]} : vector<2048x128xi32> to vector<2048x1xi32>
    %eq3A = vector.broadcast %slice3A : vector<2048x1xi32> to vector<2048x128xi32>
    %eq3A_3 = arith.cmpi eq, %iota3A, %eq3A : vector<2048x128xi32>
    %convert_element_type3A = arith.extui %eq3A_3 : vector<2048x128xi1> to vector<2048x128xi32>
    %convert_element_type3A_4 = arith.sitofp %convert_element_type3A : vector<2048x128xi32> to vector<2048x128xf32>
    %eq3A_5 = vector.broadcast %slice3A_2 : vector<2048x1xi32> to vector<2048x128xi32>
    %eq3A_6 = arith.cmpi eq, %iota3A, %eq3A_5 : vector<2048x128xi32>
    %convert_element_type3A_7 = arith.extui %eq3A_6 : vector<2048x128xi1> to vector<2048x128xi32>
    %convert_element_type3A_8 = arith.sitofp %convert_element_type3A_7 : vector<2048x128xi32> to vector<2048x128xf32>
    %add3A = arith.addf %convert_element_type3A_4, %convert_element_type3A_8 : vector<2048x128xf32>
    %reduce_sum3A = arith.constant dense<0.000000e+00> : vector<128xf32>
    %reduce_sum3A_9 = vector.multi_reduction <add>, %add3A, %reduce_sum3A [0] : vector<2048x128xf32> to vector<128xf32>
    %broadcast_in_dim3A = vector.shape_cast %reduce_sum3A_9 : vector<128xf32> to vector<1x128xf32>
    %mul3A = arith.constant 0.001953125 : f32
    %mul3A_10 = vector.broadcast %mul3A : f32 to vector<1x128xf32>
    %mul3A_11 = arith.mulf %broadcast_in_dim3A, %mul3A_10 : vector<1x128xf32>
    %ceil3A = math.ceil %mul3A_11 : vector<1x128xf32>
    %mul3A_12 = arith.constant 5.120000e+02 : f32
    %mul3A_13 = vector.broadcast %mul3A_12 : f32 to vector<1x128xf32>
    %mul3A_14 = arith.mulf %ceil3A, %mul3A_13 : vector<1x128xf32>
    %iota3A_15 = tpu.iota {dimensions = array<i32: 0>} : vector<128x128xi32>
    %iota3A_16 = tpu.iota {dimensions = array<i32: 1>} : vector<128x128xi32>
    %lt3A = arith.cmpi slt, %iota3A_16, %iota3A_15 : vector<128x128xi32>
    %convert_element_type3A_17 = arith.extui %lt3A : vector<128x128xi1> to vector<128x128xi32>
    %convert_element_type3A_18 = arith.sitofp %convert_element_type3A_17 : vector<128x128xi32> to vector<128x128xf32>
    %lt3A_19 = arith.cmpi slt, %iota3A_15, %iota3A_16 : vector<128x128xi32>
    %convert_element_type3A_20 = arith.extui %lt3A_19 : vector<128x128xi1> to vector<128x128xi32>
    %convert_element_type3A_21 = arith.sitofp %convert_element_type3A_20 : vector<128x128xi32> to vector<128x128xf32>
    %dot_general3A = arith.constant dense<0.000000e+00> : vector<1x128xf32>
    %dot_general3A_22 = tpu.matmul %mul3A_14, %convert_element_type3A_21, %dot_general3A {dimension_numbers = #tpu.dot_dimension_numbers<[1], [0], [0], [1], [0, 0, 1, 1], [], []>, transpose_lhs_hint = false} : vector<1x128xf32>, vector<128x128xf32>, vector<1x128xf32> -> vector<1x128xf32>
    %broadcast_in_dim3A_23 = arith.constant 0.000000e+00 : f32
    %broadcast_in_dim3A_24 = vector.broadcast %broadcast_in_dim3A_23 : f32 to vector<1x128xf32>
    %slice3A_25 = vector.extract_strided_slice %add3A {offsets = [0, 0], sizes = [128, 128], strides = [1, 1]} : vector<2048x128xf32> to vector<128x128xf32>
    %dot_general3A_26 = arith.constant dense<0.000000e+00> : vector<128x128xf32>
    %dot_general3A_27 = tpu.matmul %convert_element_type3A_18, %slice3A_25, %dot_general3A_26 {dimension_numbers = #tpu.dot_dimension_numbers<[1], [0], [0], [1], [0, 0, 1, 1], [], []>, transpose_lhs_hint = false} : vector<128x128xf32>, vector<128x128xf32>, vector<128x128xf32> -> vector<128x128xf32>
    %add3A_28 = vector.broadcast %broadcast_in_dim3A_24 : vector<1x128xf32> to vector<128x128xf32>
    %add3A_29 = arith.addf %dot_general3A_27, %add3A_28 : vector<128x128xf32>
    %add3A_30 = vector.broadcast %dot_general3A_22 : vector<1x128xf32> to vector<128x128xf32>
    %add3A_31 = arith.addf %add3A_29, %add3A_30 : vector<128x128xf32>
    %slice3A_32 = vector.extract_strided_slice %iota3A {offsets = [0, 0], sizes = [128, 128], strides = [1, 1]} : vector<2048x128xi32> to vector<128x128xi32>
    %slice3A_33 = vector.extract_strided_slice %slice3A {offsets = [0, 0], sizes = [128, 1], strides = [1, 1]} : vector<2048x1xi32> to vector<128x1xi32>
    %eq3A_34 = vector.broadcast %slice3A_33 : vector<128x1xi32> to vector<128x128xi32>
    %eq3A_35 = arith.cmpi eq, %slice3A_32, %eq3A_34 : vector<128x128xi32>
    %jit3A = arith.constant 0.000000e+00 : f32
    %broadcast_in_dim3A_36 = vector.broadcast %jit3A : f32 to vector<128x128xf32>
    %select_n3A = arith.select %eq3A_35, %add3A_31, %broadcast_in_dim3A_36 : vector<128x128xi1>, vector<128x128xf32>
    %reduce_sum3A_37 = arith.constant dense<0.000000e+00> : vector<128xf32>
    %reduce_sum3A_38 = vector.multi_reduction <add>, %select_n3A, %reduce_sum3A_37 [1] : vector<128x128xf32> to vector<128xf32>
    %broadcast_in_dim3A_39 = vector.shape_cast %reduce_sum3A_38 : vector<128xf32> to vector<128x1xf32>
    %slice3A_40 = vector.extract_strided_slice %iota3A {offsets = [0, 0], sizes = [128, 128], strides = [1, 1]} : vector<2048x128xi32> to vector<128x128xi32>
    %slice3A_41 = vector.extract_strided_slice %slice3A_2 {offsets = [0, 0], sizes = [128, 1], strides = [1, 1]} : vector<2048x1xi32> to vector<128x1xi32>
    %eq3A_42 = vector.broadcast %slice3A_41 : vector<128x1xi32> to vector<128x128xi32>
    %eq3A_43 = arith.cmpi eq, %slice3A_40, %eq3A_42 : vector<128x128xi32>
    %jit3A_44 = arith.constant 0.000000e+00 : f32
    %broadcast_in_dim3A_45 = vector.broadcast %jit3A_44 : f32 to vector<128x128xf32>
    %select_n3A_46 = arith.select %eq3A_43, %add3A_31, %broadcast_in_dim3A_45 : vector<128x128xi1>, vector<128x128xf32>
    %reduce_sum3A_47 = arith.constant dense<0.000000e+00> : vector<128xf32>
    %reduce_sum3A_48 = vector.multi_reduction <add>, %select_n3A_46, %reduce_sum3A_47 [1] : vector<128x128xf32> to vector<128xf32>
    %broadcast_in_dim3A_49 = vector.shape_cast %reduce_sum3A_48 : vector<128xf32> to vector<128x1xf32>
    %broadcast_in_dim3A_50 = vector.shape_cast %broadcast_in_dim3A_39 : vector<128x1xf32> to vector<128x1xf32>
    %broadcast_in_dim3A_51 = vector.broadcast %broadcast_in_dim3A_50 : vector<128x1xf32> to vector<128x8xf32>
    %convert_element_type3A_52 = arith.fptosi %broadcast_in_dim3A_51 : vector<128x8xf32> to vector<128x8xi32>
    %swap3A = arith.constant 0 : index
    %swap3A_53 = arith.constant 0 : index
    %swap3A_54 = vector.load %arg1[%swap3A, %swap3A_53] : memref<2048x8xi32, #tpu.memory_space<vmem>>, vector<128x8xi32>
    tpu.vector_store %arg1[%swap3A, %swap3A_53], %convert_element_type3A_52 {strides = array<i32>} : memref<2048x8xi32, #tpu.memory_space<vmem>>, vector<128x8xi32>,
    %broadcast_in_dim3A_55 = vector.shape_cast %broadcast_in_dim3A_49 : vector<128x1xf32> to vector<128x1xf32>
    %broadcast_in_dim3A_56 = vector.broadcast %broadcast_in_dim3A_55 : vector<128x1xf32> to vector<128x8xf32>
    %convert_element_type3A_57 = arith.fptosi %broadcast_in_dim3A_56 : vector<128x8xf32> to vector<128x8xi32>
    %swap3A_58 = arith.constant 0 : index
    %swap3A_59 = arith.constant 0 : index
    %swap3A_60 = vector.load %arg2[%swap3A_58, %swap3A_59] : memref<2048x8xi32, #tpu.memory_space<vmem>>, vector<128x8xi32>
    tpu.vector_store %arg2[%swap3A_58, %swap3A_59], %convert_element_type3A_57 {strides = array<i32>} : memref<2048x8xi32, #tpu.memory_space<vmem>>, vector<128x8xi32>,
    %reduce_sum3A_61 = arith.constant dense<0.000000e+00> : vector<128xf32>
    %reduce_sum3A_62 = vector.multi_reduction <add>, %slice3A_25, %reduce_sum3A_61 [0] : vector<128x128xf32> to vector<128xf32>
    %broadcast_in_dim3A_63 = vector.shape_cast %reduce_sum3A_62 : vector<128xf32> to vector<1x128xf32>
    %add3A_64 = arith.addf %broadcast_in_dim3A_24, %broadcast_in_dim3A_63 : vector<1x128xf32>
    %slice3A_65 = vector.extract_strided_slice %add3A {offsets = [128, 0], sizes = [128, 128], strides = [1, 1]} : vector<2048x128xf32> to vector<128x128xf32>
    %dot_general3A_66 = arith.constant dense<0.000000e+00> : vector<128x128xf32>
    %dot_general3A_67 = tpu.matmul %convert_element_type3A_18, %slice3A_65, %dot_general3A_66 {dimension_numbers = #tpu.dot_dimension_numbers<[1], [0], [0], [1], [0, 0, 1, 1], [], []>, transpose_lhs_hint = false} : vector<128x128xf32>, vector<128x128xf32>, vector<128x128xf32> -> vector<128x128xf32>
    %add3A_68 = vector.broadcast %add3A_64 : vector<1x128xf32> to vector<128x128xf32>
    %add3A_69 = arith.addf %dot_general3A_67, %add3A_68 : vector<128x128xf32>
    %add3A_70 = vector.broadcast %dot_general3A_22 : vector<1x128xf32> to vector<128x128xf32>
    %add3A_71 = arith.addf %add3A_69, %add3A_70 : vector<128x128xf32>
    %slice3A_72 = vector.extract_strided_slice %iota3A {offsets = [128, 0], sizes = [128, 128], strides = [1, 1]} : vector<2048x128xi32> to vector<128x128xi32>
    %slice3A_73 = vector.extract_strided_slice %slice3A {offsets = [128, 0], sizes = [128, 1], strides = [1, 1]} : vector<2048x1xi32> to vector<128x1xi32>
    %eq3A_74 = vector.broadcast %slice3A_73 : vector<128x1xi32> to vector<128x128xi32>
    %eq3A_75 = arith.cmpi eq, %slice3A_72, %eq3A_74 : vector<128x128xi32>
    %jit3A_76 = arith.constant 0.000000e+00 : f32
    %broadcast_in_dim3A_77 = vector.broadcast %jit3A_76 : f32 to vector<128x128xf32>
    %select_n3A_78 = arith.select %eq3A_75, %add3A_71, %broadcast_in_dim3A_77 : vector<128x128xi1>, vector<128x128xf32>
    %reduce_sum3A_79 = arith.constant dense<0.000000e+00> : vector<128xf32>
    %reduce_sum3A_80 = vector.multi_reduction <add>, %select_n3A_78, %reduce_sum3A_79 [1] : vector<128x128xf32> to vector<128xf32>
    %broadcast_in_dim3A_81 = vector.shape_cast %reduce_sum3A_80 : vector<128xf32> to vector<128x1xf32>
    %slice3A_82 = vector.extract_strided_slice %iota3A {offsets = [128, 0], sizes = [128, 128], strides = [1, 1]} : vector<2048x128xi32> to vector<128x128xi32>
    %slice3A_83 = vector.extract_strided_slice %slice3A_2 {offsets = [128, 0], sizes = [128, 1], strides = [1, 1]} : vector<2048x1xi32> to vector<128x1xi32>
    %eq3A_84 = vector.broadcast %slice3A_83 : vector<128x1xi32> to vector<128x128xi32>
    %eq3A_85 = arith.cmpi eq, %slice3A_82, %eq3A_84 : vector<128x128xi32>
    %jit3A_86 = arith.constant 0.000000e+00 : f32
    %broadcast_in_dim3A_87 = vector.broadcast %jit3A_86 : f32 to vector<128x128xf32>
    %select_n3A_88 = arith.select %eq3A_85, %add3A_71, %broadcast_in_dim3A_87 : vector<128x128xi1>, vector<128x128xf32>
    %reduce_sum3A_89 = arith.constant dense<0.000000e+00> : vector<128xf32>
    %reduce_sum3A_90 = vector.multi_reduction <add>, %select_n3A_88, %reduce_sum3A_89 [1] : vector<128x128xf32> to vector<128xf32>
    %broadcast_in_dim3A_91 = vector.shape_cast %reduce_sum3A_90 : vector<128xf32> to vector<128x1xf32>
    %broadcast_in_dim3A_92 = vector.shape_cast %broadcast_in_dim3A_81 : vector<128x1xf32> to vector<128x1xf32>
    %broadcast_in_dim3A_93 = vector.broadcast %broadcast_in_dim3A_92 : vector<128x1xf32> to vector<128x8xf32>
    %convert_element_type3A_94 = arith.fptosi %broadcast_in_dim3A_93 : vector<128x8xf32> to vector<128x8xi32>
    %swap3A_95 = arith.constant 128 : index
    %swap3A_96 = arith.constant 0 : index
    %swap3A_97 = vector.load %arg1[%swap3A_95, %swap3A_96] : memref<2048x8xi32, #tpu.memory_space<vmem>>, vector<128x8xi32>
    tpu.vector_store %arg1[%swap3A_95, %swap3A_96], %convert_element_type3A_94 {strides = array<i32>} : memref<2048x8xi32, #tpu.memory_space<vmem>>, vector<128x8xi32>,
    %broadcast_in_dim3A_98 = vector.shape_cast %broadcast_in_dim3A_91 : vector<128x1xf32> to vector<128x1xf32>
    %broadcast_in_dim3A_99 = vector.broadcast %broadcast_in_dim3A_98 : vector<128x1xf32> to vector<128x8xf32>
    %convert_element_type3A_100 = arith.fptosi %broadcast_in_dim3A_99 : vector<128x8xf32> to vector<128x8xi32>
    %swap3A_101 = arith.constant 128 : index
    %swap3A_102 = arith.constant 0 : index
    %swap3A_103 = vector.load %arg2[%swap3A_101, %swap3A_102] : memref<2048x8xi32, #tpu.memory_space<vmem>>, vector<128x8xi32>
    tpu.vector_store %arg2[%swap3A_101, %swap3A_102], %convert_element_type3A_100 {strides = array<i32>} : memref<2048x8xi32, #tpu.memory_space<vmem>>, vector<128x8xi32>,
    %reduce_sum3A_104 = arith.constant dense<0.000000e+00> : vector<128xf32>
    %reduce_sum3A_105 = vector.multi_reduction <add>, %slice3A_65, %reduce_sum3A_104 [0] : vector<128x128xf32> to vector<128xf32>
    %broadcast_in_dim3A_106 = vector.shape_cast %reduce_sum3A_105 : vector<128xf32> to vector<1x128xf32>
    %add3A_107 = arith.addf %add3A_64, %broadcast_in_dim3A_106 : vector<1x128xf32>
    %slice3A_108 = vector.extract_strided_slice %add3A {offsets = [256, 0], sizes = [128, 128], strides = [1, 1]} : vector<2048x128xf32> to vector<128x128xf32>
    %dot_general3A_109 = arith.constant dense<0.000000e+00> : vector<128x128xf32>
    %dot_general3A_110 = tpu.matmul %convert_element_type3A_18, %slice3A_108, %dot_general3A_109 {dimension_numbers = #tpu.dot_dimension_numbers<[1], [0], [0], [1], [0, 0, 1, 1], [], []>, transpose_lhs_hint = false} : vector<128x128xf32>, vector<128x128xf32>, vector<128x128xf32> -> vector<128x128xf32>
    %add3A_111 = vector.broadcast %add3A_107 : vector<1x128xf32> to vector<128x128xf32>
    %add3A_112 = arith.addf %dot_general3A_110, %add3A_111 : vector<128x128xf32>
    %add3A_113 = vector.broadcast %dot_general3A_22 : vector<1x128xf32> to vector<128x128xf32>
    %add3A_114 = arith.addf %add3A_112, %add3A_113 : vector<128x128xf32>
    %slice3A_115 = vector.extract_strided_slice %iota3A {offsets = [256, 0], sizes = [128, 128], strides = [1, 1]} : vector<2048x128xi32> to vector<128x128xi32>
    %slice3A_116 = vector.extract_strided_slice %slice3A {offsets = [256, 0], sizes = [128, 1], strides = [1, 1]} : vector<2048x1xi32> to vector<128x1xi32>
    %eq3A_117 = vector.broadcast %slice3A_116 : vector<128x1xi32> to vector<128x128xi32>
    %eq3A_118 = arith.cmpi eq, %slice3A_115, %eq3A_117 : vector<128x128xi32>
    %jit3A_119 = arith.constant 0.000000e+00 : f32
    %broadcast_in_dim3A_120 = vector.broadcast %jit3A_119 : f32 to vector<128x128xf32>
    %select_n3A_121 = arith.select %eq3A_118, %add3A_114, %broadcast_in_dim3A_120 : vector<128x128xi1>, vector<128x128xf32>
    %reduce_sum3A_122 = arith.constant dense<0.000000e+00> : vector<128xf32>
    %reduce_sum3A_123 = vector.multi_reduction <add>, %select_n3A_121, %reduce_sum3A_122 [1] : vector<128x128xf32> to vector<128xf32>
    %broadcast_in_dim3A_124 = vector.shape_cast %reduce_sum3A_123 : vector<128xf32> to vector<128x1xf32>
    %slice3A_125 = vector.extract_strided_slice %iota3A {offsets = [256, 0], sizes = [128, 128], strides = [1, 1]} : vector<2048x128xi32> to vector<128x128xi32>
    %slice3A_126 = vector.extract_strided_slice %slice3A_2 {offsets = [256, 0], sizes = [128, 1], strides = [1, 1]} : vector<2048x1xi32> to vector<128x1xi32>
    %eq3A_127 = vector.broadcast %slice3A_126 : vector<128x1xi32> to vector<128x128xi32>
    %eq3A_128 = arith.cmpi eq, %slice3A_125, %eq3A_127 : vector<128x128xi32>
    %jit3A_129 = arith.constant 0.000000e+00 : f32
    %broadcast_in_dim3A_130 = vector.broadcast %jit3A_129 : f32 to vector<128x128xf32>
    %select_n3A_131 = arith.select %eq3A_128, %add3A_114, %broadcast_in_dim3A_130 : vector<128x128xi1>, vector<128x128xf32>
    %reduce_sum3A_132 = arith.constant dense<0.000000e+00> : vector<128xf32>
    %reduce_sum3A_133 = vector.multi_reduction <add>, %select_n3A_131, %reduce_sum3A_132 [1] : vector<128x128xf32> to vector<128xf32>
    %broadcast_in_dim3A_134 = vector.shape_cast %reduce_sum3A_133 : vector<128xf32> to vector<128x1xf32>
    %broadcast_in_dim3A_135 = vector.shape_cast %broadcast_in_dim3A_124 : vector<128x1xf32> to vector<128x1xf32>
    %broadcast_in_dim3A_136 = vector.broadcast %broadcast_in_dim3A_135 : vector<128x1xf32> to vector<128x8xf32>
    %convert_element_type3A_137 = arith.fptosi %broadcast_in_dim3A_136 : vector<128x8xf32> to vector<128x8xi32>
    %swap3A_138 = arith.constant 256 : index
    %swap3A_139 = arith.constant 0 : index
    %swap3A_140 = vector.load %arg1[%swap3A_138, %swap3A_139] : memref<2048x8xi32, #tpu.memory_space<vmem>>, vector<128x8xi32>
    tpu.vector_store %arg1[%swap3A_138, %swap3A_139], %convert_element_type3A_137 {strides = array<i32>} : memref<2048x8xi32, #tpu.memory_space<vmem>>, vector<128x8xi32>,
    %broadcast_in_dim3A_141 = vector.shape_cast %broadcast_in_dim3A_134 : vector<128x1xf32> to vector<128x1xf32>
    %broadcast_in_dim3A_142 = vector.broadcast %broadcast_in_dim3A_141 : vector<128x1xf32> to vector<128x8xf32>
    %convert_element_type3A_143 = arith.fptosi %broadcast_in_dim3A_142 : vector<128x8xf32> to vector<128x8xi32>
    %swap3A_144 = arith.constant 256 : index
    %swap3A_145 = arith.constant 0 : index
    %swap3A_146 = vector.load %arg2[%swap3A_144, %swap3A_145] : memref<2048x8xi32, #tpu.memory_space<vmem>>, vector<128x8xi32>
    tpu.vector_store %arg2[%swap3A_144, %swap3A_145], %convert_element_type3A_143 {strides = array<i32>} : memref<2048x8xi32, #tpu.memory_space<vmem>>, vector<128x8xi32>,
    %reduce_sum3A_147 = arith.constant dense<0.000000e+00> : vector<128xf32>
    %reduce_sum3A_148 = vector.multi_reduction <add>, %slice3A_108, %reduce_sum3A_147 [0] : vector<128x128xf32> to vector<128xf32>
    %broadcast_in_dim3A_149 = vector.shape_cast %reduce_sum3A_148 : vector<128xf32> to vector<1x128xf32>
    %add3A_150 = arith.addf %add3A_107, %broadcast_in_dim3A_149 : vector<1x128xf32>
    %slice3A_151 = vector.extract_strided_slice %add3A {offsets = [384, 0], sizes = [128, 128], strides = [1, 1]} : vector<2048x128xf32> to vector<128x128xf32>
    %dot_general3A_152 = arith.constant dense<0.000000e+00> : vector<128x128xf32>
    %dot_general3A_153 = tpu.matmul %convert_element_type3A_18, %slice3A_151, %dot_general3A_152 {dimension_numbers = #tpu.dot_dimension_numbers<[1], [0], [0], [1], [0, 0, 1, 1], [], []>, transpose_lhs_hint = false} : vector<128x128xf32>, vector<128x128xf32>, vector<128x128xf32> -> vector<128x128xf32>
    %add3A_154 = vector.broadcast %add3A_150 : vector<1x128xf32> to vector<128x128xf32>
    %add3A_155 = arith.addf %dot_general3A_153, %add3A_154 : vector<128x128xf32>
    %add3A_156 = vector.broadcast %dot_general3A_22 : vector<1x128xf32> to vector<128x128xf32>
    %add3A_157 = arith.addf %add3A_155, %add3A_156 : vector<128x128xf32>
    %slice3A_158 = vector.extract_strided_slice %iota3A {offsets = [384, 0], sizes = [128, 128], strides = [1, 1]} : vector<2048x128xi32> to vector<128x128xi32>
    %slice3A_159 = vector.extract_strided_slice %slice3A {offsets = [384, 0], sizes = [128, 1], strides = [1, 1]} : vector<2048x1xi32> to vector<128x1xi32>
    %eq3A_160 = vector.broadcast %slice3A_159 : vector<128x1xi32> to vector<128x128xi32>
    %eq3A_161 = arith.cmpi eq, %slice3A_158, %eq3A_160 : vector<128x128xi32>
    %jit3A_162 = arith.constant 0.000000e+00 : f32
    %broadcast_in_dim3A_163 = vector.broadcast %jit3A_162 : f32 to vector<128x128xf32>
    %select_n3A_164 = arith.select %eq3A_161, %add3A_157, %broadcast_in_dim3A_163 : vector<128x128xi1>, vector<128x128xf32>
    %reduce_sum3A_165 = arith.constant dense<0.000000e+00> : vector<128xf32>
    %reduce_sum3A_166 = vector.multi_reduction <add>, %select_n3A_164, %reduce_sum3A_165 [1] : vector<128x128xf32> to vector<128xf32>
    %broadcast_in_dim3A_167 = vector.shape_cast %reduce_sum3A_166 : vector<128xf32> to vector<128x1xf32>
    %slice3A_168 = vector.extract_strided_slice %iota3A {offsets = [384, 0], sizes = [128, 128], strides = [1, 1]} : vector<2048x128xi32> to vector<128x128xi32>
    %slice3A_169 = vector.extract_strided_slice %slice3A_2 {offsets = [384, 0], sizes = [128, 1], strides = [1, 1]} : vector<2048x1xi32> to vector<128x1xi32>
    %eq3A_170 = vector.broadcast %slice3A_169 : vector<128x1xi32> to vector<128x128xi32>
    %eq3A_171 = arith.cmpi eq, %slice3A_168, %eq3A_170 : vector<128x128xi32>
    %jit3A_172 = arith.constant 0.000000e+00 : f32
    %broadcast_in_dim3A_173 = vector.broadcast %jit3A_172 : f32 to vector<128x128xf32>
    %select_n3A_174 = arith.select %eq3A_171, %add3A_157, %broadcast_in_dim3A_173 : vector<128x128xi1>, vector<128x128xf32>
    %reduce_sum3A_175 = arith.constant dense<0.000000e+00> : vector<128xf32>
    %reduce_sum3A_176 = vector.multi_reduction <add>, %select_n3A_174, %reduce_sum3A_175 [1] : vector<128x128xf32> to vector<128xf32>
    %broadcast_in_dim3A_177 = vector.shape_cast %reduce_sum3A_176 : vector<128xf32> to vector<128x1xf32>
    %broadcast_in_dim3A_178 = vector.shape_cast %broadcast_in_dim3A_167 : vector<128x1xf32> to vector<128x1xf32>
    %broadcast_in_dim3A_179 = vector.broadcast %broadcast_in_dim3A_178 : vector<128x1xf32> to vector<128x8xf32>
    %convert_element_type3A_180 = arith.fptosi %broadcast_in_dim3A_179 : vector<128x8xf32> to vector<128x8xi32>
    %swap3A_181 = arith.constant 384 : index
    %swap3A_182 = arith.constant 0 : index
    %swap3A_183 = vector.load %arg1[%swap3A_181, %swap3A_182] : memref<2048x8xi32, #tpu.memory_space<vmem>>, vector<128x8xi32>
    tpu.vector_store %arg1[%swap3A_181, %swap3A_182], %convert_element_type3A_180 {strides = array<i32>} : memref<2048x8xi32, #tpu.memory_space<vmem>>, vector<128x8xi32>,
    %broadcast_in_dim3A_184 = vector.shape_cast %broadcast_in_dim3A_177 : vector<128x1xf32> to vector<128x1xf32>
    %broadcast_in_dim3A_185 = vector.broadcast %broadcast_in_dim3A_184 : vector<128x1xf32> to vector<128x8xf32>
    %convert_element_type3A_186 = arith.fptosi %broadcast_in_dim3A_185 : vector<128x8xf32> to vector<128x8xi32>
    %swap3A_187 = arith.constant 384 : index
    %swap3A_188 = arith.constant 0 : index
    %swap3A_189 = vector.load %arg2[%swap3A_187, %swap3A_188] : memref<2048x8xi32, #tpu.memory_space<vmem>>, vector<128x8xi32>
    tpu.vector_store %arg2[%swap3A_187, %swap3A_188], %convert_element_type3A_186 {strides = array<i32>} : memref<2048x8xi32, #tpu.memory_space<vmem>>, vector<128x8xi32>,
    %reduce_sum3A_190 = arith.constant dense<0.000000e+00> : vector<128xf32>
    %reduce_sum3A_191 = vector.multi_reduction <add>, %slice3A_151, %reduce_sum3A_190 [0] : vector<128x128xf32> to vector<128xf32>
    %broadcast_in_dim3A_192 = vector.shape_cast %reduce_sum3A_191 : vector<128xf32> to vector<1x128xf32>
    %add3A_193 = arith.addf %add3A_150, %broadcast_in_dim3A_192 : vector<1x128xf32>
    %slice3A_194 = vector.extract_strided_slice %add3A {offsets = [512, 0], sizes = [128, 128], strides = [1, 1]} : vector<2048x128xf32> to vector<128x128xf32>
    %dot_general3A_195 = arith.constant dense<0.000000e+00> : vector<128x128xf32>
    %dot_general3A_196 = tpu.matmul %convert_element_type3A_18, %slice3A_194, %dot_general3A_195 {dimension_numbers = #tpu.dot_dimension_numbers<[1], [0], [0], [1], [0, 0, 1, 1], [], []>, transpose_lhs_hint = false} : vector<128x128xf32>, vector<128x128xf32>, vector<128x128xf32> -> vector<128x128xf32>
    %add3A_197 = vector.broadcast %add3A_193 : vector<1x128xf32> to vector<128x128xf32>
    %add3A_198 = arith.addf %dot_general3A_196, %add3A_197 : vector<128x128xf32>
    %add3A_199 = vector.broadcast %dot_general3A_22 : vector<1x128xf32> to vector<128x128xf32>
    %add3A_200 = arith.addf %add3A_198, %add3A_199 : vector<128x128xf32>
    %slice3A_201 = vector.extract_strided_slice %iota3A {offsets = [512, 0], sizes = [128, 128], strides = [1, 1]} : vector<2048x128xi32> to vector<128x128xi32>
    %slice3A_202 = vector.extract_strided_slice %slice3A {offsets = [512, 0], sizes = [128, 1], strides = [1, 1]} : vector<2048x1xi32> to vector<128x1xi32>
    %eq3A_203 = vector.broadcast %slice3A_202 : vector<128x1xi32> to vector<128x128xi32>
    %eq3A_204 = arith.cmpi eq, %slice3A_201, %eq3A_203 : vector<128x128xi32>
    %jit3A_205 = arith.constant 0.000000e+00 : f32
    %broadcast_in_dim3A_206 = vector.broadcast %jit3A_205 : f32 to vector<128x128xf32>
    %select_n3A_207 = arith.select %eq3A_204, %add3A_200, %broadcast_in_dim3A_206 : vector<128x128xi1>, vector<128x128xf32>
    %reduce_sum3A_208 = arith.constant dense<0.000000e+00> : vector<128xf32>
    %reduce_sum3A_209 = vector.multi_reduction <add>, %select_n3A_207, %reduce_sum3A_208 [1] : vector<128x128xf32> to vector<128xf32>
    %broadcast_in_dim3A_210 = vector.shape_cast %reduce_sum3A_209 : vector<128xf32> to vector<128x1xf32>
    %slice3A_211 = vector.extract_strided_slice %iota3A {offsets = [512, 0], sizes = [128, 128], strides = [1, 1]} : vector<2048x128xi32> to vector<128x128xi32>
    %slice3A_212 = vector.extract_strided_slice %slice3A_2 {offsets = [512, 0], sizes = [128, 1], strides = [1, 1]} : vector<2048x1xi32> to vector<128x1xi32>
    %eq3A_213 = vector.broadcast %slice3A_212 : vector<128x1xi32> to vector<128x128xi32>
    %eq3A_214 = arith.cmpi eq, %slice3A_211, %eq3A_213 : vector<128x128xi32>
    %jit3A_215 = arith.constant 0.000000e+00 : f32
    %broadcast_in_dim3A_216 = vector.broadcast %jit3A_215 : f32 to vector<128x128xf32>
    %select_n3A_217 = arith.select %eq3A_214, %add3A_200, %broadcast_in_dim3A_216 : vector<128x128xi1>, vector<128x128xf32>
    %reduce_sum3A_218 = arith.constant dense<0.000000e+00> : vector<128xf32>
    %reduce_sum3A_219 = vector.multi_reduction <add>, %select_n3A_217, %reduce_sum3A_218 [1] : vector<128x128xf32> to vector<128xf32>
    %broadcast_in_dim3A_220 = vector.shape_cast %reduce_sum3A_219 : vector<128xf32> to vector<128x1xf32>
    %broadcast_in_dim3A_221 = vector.shape_cast %broadcast_in_dim3A_210 : vector<128x1xf32> to vector<128x1xf32>
    %broadcast_in_dim3A_222 = vector.broadcast %broadcast_in_dim3A_221 : vector<128x1xf32> to vector<128x8xf32>
    %convert_element_type3A_223 = arith.fptosi %broadcast_in_dim3A_222 : vector<128x8xf32> to vector<128x8xi32>
    %swap3A_224 = arith.constant 512 : index
    %swap3A_225 = arith.constant 0 : index
    %swap3A_226 = vector.load %arg1[%swap3A_224, %swap3A_225] : memref<2048x8xi32, #tpu.memory_space<vmem>>, vector<128x8xi32>
    tpu.vector_store %arg1[%swap3A_224, %swap3A_225], %convert_element_type3A_223 {strides = array<i32>} : memref<2048x8xi32, #tpu.memory_space<vmem>>, vector<128x8xi32>,
    %broadcast_in_dim3A_227 = vector.shape_cast %broadcast_in_dim3A_220 : vector<128x1xf32> to vector<128x1xf32>
    %broadcast_in_dim3A_228 = vector.broadcast %broadcast_in_dim3A_227 : vector<128x1xf32> to vector<128x8xf32>
    %convert_element_type3A_229 = arith.fptosi %broadcast_in_dim3A_228 : vector<128x8xf32> to vector<128x8xi32>
    %swap3A_230 = arith.constant 512 : index
    %swap3A_231 = arith.constant 0 : index
    %swap3A_232 = vector.load %arg2[%swap3A_230, %swap3A_231] : memref<2048x8xi32, #tpu.memory_space<vmem>>, vector<128x8xi32>
    tpu.vector_store %arg2[%swap3A_230, %swap3A_231], %convert_element_type3A_229 {strides = array<i32>} : memref<2048x8xi32, #tpu.memory_space<vmem>>, vector<128x8xi32>,
    %reduce_sum3A_233 = arith.constant dense<0.000000e+00> : vector<128xf32>
    %reduce_sum3A_234 = vector.multi_reduction <add>, %slice3A_194, %reduce_sum3A_233 [0] : vector<128x128xf32> to vector<128xf32>
    %broadcast_in_dim3A_235 = vector.shape_cast %reduce_sum3A_234 : vector<128xf32> to vector<1x128xf32>
    %add3A_236 = arith.addf %add3A_193, %broadcast_in_dim3A_235 : vector<1x128xf32>
    %slice3A_237 = vector.extract_strided_slice %add3A {offsets = [640, 0], sizes = [128, 128], strides = [1, 1]} : vector<2048x128xf32> to vector<128x128xf32>
    %dot_general3A_238 = arith.constant dense<0.000000e+00> : vector<128x128xf32>
    %dot_general3A_239 = tpu.matmul %convert_element_type3A_18, %slice3A_237, %dot_general3A_238 {dimension_numbers = #tpu.dot_dimension_numbers<[1], [0], [0], [1], [0, 0, 1, 1], [], []>, transpose_lhs_hint = false} : vector<128x128xf32>, vector<128x128xf32>, vector<128x128xf32> -> vector<128x128xf32>
    %add3A_240 = vector.broadcast %add3A_236 : vector<1x128xf32> to vector<128x128xf32>
    %add3A_241 = arith.addf %dot_general3A_239, %add3A_240 : vector<128x128xf32>
    %add3A_242 = vector.broadcast %dot_general3A_22 : vector<1x128xf32> to vector<128x128xf32>
    %add3A_243 = arith.addf %add3A_241, %add3A_242 : vector<128x128xf32>
    %slice3A_244 = vector.extract_strided_slice %iota3A {offsets = [640, 0], sizes = [128, 128], strides = [1, 1]} : vector<2048x128xi32> to vector<128x128xi32>
    %slice3A_245 = vector.extract_strided_slice %slice3A {offsets = [640, 0], sizes = [128, 1], strides = [1, 1]} : vector<2048x1xi32> to vector<128x1xi32>
    %eq3A_246 = vector.broadcast %slice3A_245 : vector<128x1xi32> to vector<128x128xi32>
    %eq3A_247 = arith.cmpi eq, %slice3A_244, %eq3A_246 : vector<128x128xi32>
    %jit3A_248 = arith.constant 0.000000e+00 : f32
    %broadcast_in_dim3A_249 = vector.broadcast %jit3A_248 : f32 to vector<128x128xf32>
    %select_n3A_250 = arith.select %eq3A_247, %add3A_243, %broadcast_in_dim3A_249 : vector<128x128xi1>, vector<128x128xf32>
    %reduce_sum3A_251 = arith.constant dense<0.000000e+00> : vector<128xf32>
    %reduce_sum3A_252 = vector.multi_reduction <add>, %select_n3A_250, %reduce_sum3A_251 [1] : vector<128x128xf32> to vector<128xf32>
    %broadcast_in_dim3A_253 = vector.shape_cast %reduce_sum3A_252 : vector<128xf32> to vector<128x1xf32>
    %slice3A_254 = vector.extract_strided_slice %iota3A {offsets = [640, 0], sizes = [128, 128], strides = [1, 1]} : vector<2048x128xi32> to vector<128x128xi32>
    %slice3A_255 = vector.extract_strided_slice %slice3A_2 {offsets = [640, 0], sizes = [128, 1], strides = [1, 1]} : vector<2048x1xi32> to vector<128x1xi32>
    %eq3A_256 = vector.broadcast %slice3A_255 : vector<128x1xi32> to vector<128x128xi32>
    %eq3A_257 = arith.cmpi eq, %slice3A_254, %eq3A_256 : vector<128x128xi32>
    %jit3A_258 = arith.constant 0.000000e+00 : f32
    %broadcast_in_dim3A_259 = vector.broadcast %jit3A_258 : f32 to vector<128x128xf32>
    %select_n3A_260 = arith.select %eq3A_257, %add3A_243, %broadcast_in_dim3A_259 : vector<128x128xi1>, vector<128x128xf32>
    %reduce_sum3A_261 = arith.constant dense<0.000000e+00> : vector<128xf32>
    %reduce_sum3A_262 = vector.multi_reduction <add>, %select_n3A_260, %reduce_sum3A_261 [1] : vector<128x128xf32> to vector<128xf32>
    %broadcast_in_dim3A_263 = vector.shape_cast %reduce_sum3A_262 : vector<128xf32> to vector<128x1xf32>
    %broadcast_in_dim3A_264 = vector.shape_cast %broadcast_in_dim3A_253 : vector<128x1xf32> to vector<128x1xf32>
    %broadcast_in_dim3A_265 = vector.broadcast %broadcast_in_dim3A_264 : vector<128x1xf32> to vector<128x8xf32>
    %convert_element_type3A_266 = arith.fptosi %broadcast_in_dim3A_265 : vector<128x8xf32> to vector<128x8xi32>
    %swap3A_267 = arith.constant 640 : index
    %swap3A_268 = arith.constant 0 : index
    %swap3A_269 = vector.load %arg1[%swap3A_267, %swap3A_268] : memref<2048x8xi32, #tpu.memory_space<vmem>>, vector<128x8xi32>
    tpu.vector_store %arg1[%swap3A_267, %swap3A_268], %convert_element_type3A_266 {strides = array<i32>} : memref<2048x8xi32, #tpu.memory_space<vmem>>, vector<128x8xi32>,
    %broadcast_in_dim3A_270 = vector.shape_cast %broadcast_in_dim3A_263 : vector<128x1xf32> to vector<128x1xf32>
    %broadcast_in_dim3A_271 = vector.broadcast %broadcast_in_dim3A_270 : vector<128x1xf32> to vector<128x8xf32>
    %convert_element_type3A_272 = arith.fptosi %broadcast_in_dim3A_271 : vector<128x8xf32> to vector<128x8xi32>
    %swap3A_273 = arith.constant 640 : index
    %swap3A_274 = arith.constant 0 : index
    %swap3A_275 = vector.load %arg2[%swap3A_273, %swap3A_274] : memref<2048x8xi32, #tpu.memory_space<vmem>>, vector<128x8xi32>
    tpu.vector_store %arg2[%swap3A_273, %swap3A_274], %convert_element_type3A_272 {strides = array<i32>} : memref<2048x8xi32, #tpu.memory_space<vmem>>, vector<128x8xi32>,
    %reduce_sum3A_276 = arith.constant dense<0.000000e+00> : vector<128xf32>
    %reduce_sum3A_277 = vector.multi_reduction <add>, %slice3A_237, %reduce_sum3A_276 [0] : vector<128x128xf32> to vector<128xf32>
    %broadcast_in_dim3A_278 = vector.shape_cast %reduce_sum3A_277 : vector<128xf32> to vector<1x128xf32>
    %add3A_279 = arith.addf %add3A_236, %broadcast_in_dim3A_278 : vector<1x128xf32>
    %slice3A_280 = vector.extract_strided_slice %add3A {offsets = [768, 0], sizes = [128, 128], strides = [1, 1]} : vector<2048x128xf32> to vector<128x128xf32>
    %dot_general3A_281 = arith.constant dense<0.000000e+00> : vector<128x128xf32>
    %dot_general3A_282 = tpu.matmul %convert_element_type3A_18, %slice3A_280, %dot_general3A_281 {dimension_numbers = #tpu.dot_dimension_numbers<[1], [0], [0], [1], [0, 0, 1, 1], [], []>, transpose_lhs_hint = false} : vector<128x128xf32>, vector<128x128xf32>, vector<128x128xf32> -> vector<128x128xf32>
    %add3A_283 = vector.broadcast %add3A_279 : vector<1x128xf32> to vector<128x128xf32>
    %add3A_284 = arith.addf %dot_general3A_282, %add3A_283 : vector<128x128xf32>
    %add3A_285 = vector.broadcast %dot_general3A_22 : vector<1x128xf32> to vector<128x128xf32>
    %add3A_286 = arith.addf %add3A_284, %add3A_285 : vector<128x128xf32>
    %slice3A_287 = vector.extract_strided_slice %iota3A {offsets = [768, 0], sizes = [128, 128], strides = [1, 1]} : vector<2048x128xi32> to vector<128x128xi32>
    %slice3A_288 = vector.extract_strided_slice %slice3A {offsets = [768, 0], sizes = [128, 1], strides = [1, 1]} : vector<2048x1xi32> to vector<128x1xi32>
    %eq3A_289 = vector.broadcast %slice3A_288 : vector<128x1xi32> to vector<128x128xi32>
    %eq3A_290 = arith.cmpi eq, %slice3A_287, %eq3A_289 : vector<128x128xi32>
    %jit3A_291 = arith.constant 0.000000e+00 : f32
    %broadcast_in_dim3A_292 = vector.broadcast %jit3A_291 : f32 to vector<128x128xf32>
    %select_n3A_293 = arith.select %eq3A_290, %add3A_286, %broadcast_in_dim3A_292 : vector<128x128xi1>, vector<128x128xf32>
    %reduce_sum3A_294 = arith.constant dense<0.000000e+00> : vector<128xf32>
    %reduce_sum3A_295 = vector.multi_reduction <add>, %select_n3A_293, %reduce_sum3A_294 [1] : vector<128x128xf32> to vector<128xf32>
    %broadcast_in_dim3A_296 = vector.shape_cast %reduce_sum3A_295 : vector<128xf32> to vector<128x1xf32>
    %slice3A_297 = vector.extract_strided_slice %iota3A {offsets = [768, 0], sizes = [128, 128], strides = [1, 1]} : vector<2048x128xi32> to vector<128x128xi32>
    %slice3A_298 = vector.extract_strided_slice %slice3A_2 {offsets = [768, 0], sizes = [128, 1], strides = [1, 1]} : vector<2048x1xi32> to vector<128x1xi32>
    %eq3A_299 = vector.broadcast %slice3A_298 : vector<128x1xi32> to vector<128x128xi32>
    %eq3A_300 = arith.cmpi eq, %slice3A_297, %eq3A_299 : vector<128x128xi32>
    %jit3A_301 = arith.constant 0.000000e+00 : f32
    %broadcast_in_dim3A_302 = vector.broadcast %jit3A_301 : f32 to vector<128x128xf32>
    %select_n3A_303 = arith.select %eq3A_300, %add3A_286, %broadcast_in_dim3A_302 : vector<128x128xi1>, vector<128x128xf32>
    %reduce_sum3A_304 = arith.constant dense<0.000000e+00> : vector<128xf32>
    %reduce_sum3A_305 = vector.multi_reduction <add>, %select_n3A_303, %reduce_sum3A_304 [1] : vector<128x128xf32> to vector<128xf32>
    %broadcast_in_dim3A_306 = vector.shape_cast %reduce_sum3A_305 : vector<128xf32> to vector<128x1xf32>
    %broadcast_in_dim3A_307 = vector.shape_cast %broadcast_in_dim3A_296 : vector<128x1xf32> to vector<128x1xf32>
    %broadcast_in_dim3A_308 = vector.broadcast %broadcast_in_dim3A_307 : vector<128x1xf32> to vector<128x8xf32>
    %convert_element_type3A_309 = arith.fptosi %broadcast_in_dim3A_308 : vector<128x8xf32> to vector<128x8xi32>
    %swap3A_310 = arith.constant 768 : index
    %swap3A_311 = arith.constant 0 : index
    %swap3A_312 = vector.load %arg1[%swap3A_310, %swap3A_311] : memref<2048x8xi32, #tpu.memory_space<vmem>>, vector<128x8xi32>
    tpu.vector_store %arg1[%swap3A_310, %swap3A_311], %convert_element_type3A_309 {strides = array<i32>} : memref<2048x8xi32, #tpu.memory_space<vmem>>, vector<128x8xi32>,
    %broadcast_in_dim3A_313 = vector.shape_cast %broadcast_in_dim3A_306 : vector<128x1xf32> to vector<128x1xf32>
    %broadcast_in_dim3A_314 = vector.broadcast %broadcast_in_dim3A_313 : vector<128x1xf32> to vector<128x8xf32>
    %convert_element_type3A_315 = arith.fptosi %broadcast_in_dim3A_314 : vector<128x8xf32> to vector<128x8xi32>
    %swap3A_316 = arith.constant 768 : index
    %swap3A_317 = arith.constant 0 : index
    %swap3A_318 = vector.load %arg2[%swap3A_316, %swap3A_317] : memref<2048x8xi32, #tpu.memory_space<vmem>>, vector<128x8xi32>
    tpu.vector_store %arg2[%swap3A_316, %swap3A_317], %convert_element_type3A_315 {strides = array<i32>} : memref<2048x8xi32, #tpu.memory_space<vmem>>, vector<128x8xi32>,
    %reduce_sum3A_319 = arith.constant dense<0.000000e+00> : vector<128xf32>
    %reduce_sum3A_320 = vector.multi_reduction <add>, %slice3A_280, %reduce_sum3A_319 [0] : vector<128x128xf32> to vector<128xf32>
    %broadcast_in_dim3A_321 = vector.shape_cast %reduce_sum3A_320 : vector<128xf32> to vector<1x128xf32>
    %add3A_322 = arith.addf %add3A_279, %broadcast_in_dim3A_321 : vector<1x128xf32>
    %slice3A_323 = vector.extract_strided_slice %add3A {offsets = [896, 0], sizes = [128, 128], strides = [1, 1]} : vector<2048x128xf32> to vector<128x128xf32>
    %dot_general3A_324 = arith.constant dense<0.000000e+00> : vector<128x128xf32>
    %dot_general3A_325 = tpu.matmul %convert_element_type3A_18, %slice3A_323, %dot_general3A_324 {dimension_numbers = #tpu.dot_dimension_numbers<[1], [0], [0], [1], [0, 0, 1, 1], [], []>, transpose_lhs_hint = false} : vector<128x128xf32>, vector<128x128xf32>, vector<128x128xf32> -> vector<128x128xf32>
    %add3A_326 = vector.broadcast %add3A_322 : vector<1x128xf32> to vector<128x128xf32>
    %add3A_327 = arith.addf %dot_general3A_325, %add3A_326 : vector<128x128xf32>
    %add3A_328 = vector.broadcast %dot_general3A_22 : vector<1x128xf32> to vector<128x128xf32>
    %add3A_329 = arith.addf %add3A_327, %add3A_328 : vector<128x128xf32>
    %slice3A_330 = vector.extract_strided_slice %iota3A {offsets = [896, 0], sizes = [128, 128], strides = [1, 1]} : vector<2048x128xi32> to vector<128x128xi32>
    %slice3A_331 = vector.extract_strided_slice %slice3A {offsets = [896, 0], sizes = [128, 1], strides = [1, 1]} : vector<2048x1xi32> to vector<128x1xi32>
    %eq3A_332 = vector.broadcast %slice3A_331 : vector<128x1xi32> to vector<128x128xi32>
    %eq3A_333 = arith.cmpi eq, %slice3A_330, %eq3A_332 : vector<128x128xi32>
    %jit3A_334 = arith.constant 0.000000e+00 : f32
    %broadcast_in_dim3A_335 = vector.broadcast %jit3A_334 : f32 to vector<128x128xf32>
    %select_n3A_336 = arith.select %eq3A_333, %add3A_329, %broadcast_in_dim3A_335 : vector<128x128xi1>, vector<128x128xf32>
    %reduce_sum3A_337 = arith.constant dense<0.000000e+00> : vector<128xf32>
    %reduce_sum3A_338 = vector.multi_reduction <add>, %select_n3A_336, %reduce_sum3A_337 [1] : vector<128x128xf32> to vector<128xf32>
    %broadcast_in_dim3A_339 = vector.shape_cast %reduce_sum3A_338 : vector<128xf32> to vector<128x1xf32>
    %slice3A_340 = vector.extract_strided_slice %iota3A {offsets = [896, 0], sizes = [128, 128], strides = [1, 1]} : vector<2048x128xi32> to vector<128x128xi32>
    %slice3A_341 = vector.extract_strided_slice %slice3A_2 {offsets = [896, 0], sizes = [128, 1], strides = [1, 1]} : vector<2048x1xi32> to vector<128x1xi32>
    %eq3A_342 = vector.broadcast %slice3A_341 : vector<128x1xi32> to vector<128x128xi32>
    %eq3A_343 = arith.cmpi eq, %slice3A_340, %eq3A_342 : vector<128x128xi32>
    %jit3A_344 = arith.constant 0.000000e+00 : f32
    %broadcast_in_dim3A_345 = vector.broadcast %jit3A_344 : f32 to vector<128x128xf32>
    %select_n3A_346 = arith.select %eq3A_343, %add3A_329, %broadcast_in_dim3A_345 : vector<128x128xi1>, vector<128x128xf32>
    %reduce_sum3A_347 = arith.constant dense<0.000000e+00> : vector<128xf32>
    %reduce_sum3A_348 = vector.multi_reduction <add>, %select_n3A_346, %reduce_sum3A_347 [1] : vector<128x128xf32> to vector<128xf32>
    %broadcast_in_dim3A_349 = vector.shape_cast %reduce_sum3A_348 : vector<128xf32> to vector<128x1xf32>
    %broadcast_in_dim3A_350 = vector.shape_cast %broadcast_in_dim3A_339 : vector<128x1xf32> to vector<128x1xf32>
    %broadcast_in_dim3A_351 = vector.broadcast %broadcast_in_dim3A_350 : vector<128x1xf32> to vector<128x8xf32>
    %convert_element_type3A_352 = arith.fptosi %broadcast_in_dim3A_351 : vector<128x8xf32> to vector<128x8xi32>
    %swap3A_353 = arith.constant 896 : index
    %swap3A_354 = arith.constant 0 : index
    %swap3A_355 = vector.load %arg1[%swap3A_353, %swap3A_354] : memref<2048x8xi32, #tpu.memory_space<vmem>>, vector<128x8xi32>
    tpu.vector_store %arg1[%swap3A_353, %swap3A_354], %convert_element_type3A_352 {strides = array<i32>} : memref<2048x8xi32, #tpu.memory_space<vmem>>, vector<128x8xi32>,
    %broadcast_in_dim3A_356 = vector.shape_cast %broadcast_in_dim3A_349 : vector<128x1xf32> to vector<128x1xf32>
    %broadcast_in_dim3A_357 = vector.broadcast %broadcast_in_dim3A_356 : vector<128x1xf32> to vector<128x8xf32>
    %convert_element_type3A_358 = arith.fptosi %broadcast_in_dim3A_357 : vector<128x8xf32> to vector<128x8xi32>
    %swap3A_359 = arith.constant 896 : index
    %swap3A_360 = arith.constant 0 : index
    %swap3A_361 = vector.load %arg2[%swap3A_359, %swap3A_360] : memref<2048x8xi32, #tpu.memory_space<vmem>>, vector<128x8xi32>
    tpu.vector_store %arg2[%swap3A_359, %swap3A_360], %convert_element_type3A_358 {strides = array<i32>} : memref<2048x8xi32, #tpu.memory_space<vmem>>, vector<128x8xi32>,
    %reduce_sum3A_362 = arith.constant dense<0.000000e+00> : vector<128xf32>
    %reduce_sum3A_363 = vector.multi_reduction <add>, %slice3A_323, %reduce_sum3A_362 [0] : vector<128x128xf32> to vector<128xf32>
    %broadcast_in_dim3A_364 = vector.shape_cast %reduce_sum3A_363 : vector<128xf32> to vector<1x128xf32>
    %add3A_365 = arith.addf %add3A_322, %broadcast_in_dim3A_364 : vector<1x128xf32>
    %slice3A_366 = vector.extract_strided_slice %add3A {offsets = [1024, 0], sizes = [128, 128], strides = [1, 1]} : vector<2048x128xf32> to vector<128x128xf32>
    %dot_general3A_367 = arith.constant dense<0.000000e+00> : vector<128x128xf32>
    %dot_general3A_368 = tpu.matmul %convert_element_type3A_18, %slice3A_366, %dot_general3A_367 {dimension_numbers = #tpu.dot_dimension_numbers<[1], [0], [0], [1], [0, 0, 1, 1], [], []>, transpose_lhs_hint = false} : vector<128x128xf32>, vector<128x128xf32>, vector<128x128xf32> -> vector<128x128xf32>
    %add3A_369 = vector.broadcast %add3A_365 : vector<1x128xf32> to vector<128x128xf32>
    %add3A_370 = arith.addf %dot_general3A_368, %add3A_369 : vector<128x128xf32>
    %add3A_371 = vector.broadcast %dot_general3A_22 : vector<1x128xf32> to vector<128x128xf32>
    %add3A_372 = arith.addf %add3A_370, %add3A_371 : vector<128x128xf32>
    %slice3A_373 = vector.extract_strided_slice %iota3A {offsets = [1024, 0], sizes = [128, 128], strides = [1, 1]} : vector<2048x128xi32> to vector<128x128xi32>
    %slice3A_374 = vector.extract_strided_slice %slice3A {offsets = [1024, 0], sizes = [128, 1], strides = [1, 1]} : vector<2048x1xi32> to vector<128x1xi32>
    %eq3A_375 = vector.broadcast %slice3A_374 : vector<128x1xi32> to vector<128x128xi32>
    %eq3A_376 = arith.cmpi eq, %slice3A_373, %eq3A_375 : vector<128x128xi32>
    %jit3A_377 = arith.constant 0.000000e+00 : f32
    %broadcast_in_dim3A_378 = vector.broadcast %jit3A_377 : f32 to vector<128x128xf32>
    %select_n3A_379 = arith.select %eq3A_376, %add3A_372, %broadcast_in_dim3A_378 : vector<128x128xi1>, vector<128x128xf32>
    %reduce_sum3A_380 = arith.constant dense<0.000000e+00> : vector<128xf32>
    %reduce_sum3A_381 = vector.multi_reduction <add>, %select_n3A_379, %reduce_sum3A_380 [1] : vector<128x128xf32> to vector<128xf32>
    %broadcast_in_dim3A_382 = vector.shape_cast %reduce_sum3A_381 : vector<128xf32> to vector<128x1xf32>
    %slice3A_383 = vector.extract_strided_slice %iota3A {offsets = [1024, 0], sizes = [128, 128], strides = [1, 1]} : vector<2048x128xi32> to vector<128x128xi32>
    %slice3A_384 = vector.extract_strided_slice %slice3A_2 {offsets = [1024, 0], sizes = [128, 1], strides = [1, 1]} : vector<2048x1xi32> to vector<128x1xi32>
    %eq3A_385 = vector.broadcast %slice3A_384 : vector<128x1xi32> to vector<128x128xi32>
    %eq3A_386 = arith.cmpi eq, %slice3A_383, %eq3A_385 : vector<128x128xi32>
    %jit3A_387 = arith.constant 0.000000e+00 : f32
    %broadcast_in_dim3A_388 = vector.broadcast %jit3A_387 : f32 to vector<128x128xf32>
    %select_n3A_389 = arith.select %eq3A_386, %add3A_372, %broadcast_in_dim3A_388 : vector<128x128xi1>, vector<128x128xf32>
    %reduce_sum3A_390 = arith.constant dense<0.000000e+00> : vector<128xf32>
    %reduce_sum3A_391 = vector.multi_reduction <add>, %select_n3A_389, %reduce_sum3A_390 [1] : vector<128x128xf32> to vector<128xf32>
    %broadcast_in_dim3A_392 = vector.shape_cast %reduce_sum3A_391 : vector<128xf32> to vector<128x1xf32>
    %broadcast_in_dim3A_393 = vector.shape_cast %broadcast_in_dim3A_382 : vector<128x1xf32> to vector<128x1xf32>
    %broadcast_in_dim3A_394 = vector.broadcast %broadcast_in_dim3A_393 : vector<128x1xf32> to vector<128x8xf32>
    %convert_element_type3A_395 = arith.fptosi %broadcast_in_dim3A_394 : vector<128x8xf32> to vector<128x8xi32>
    %swap3A_396 = arith.constant 1024 : index
    %swap3A_397 = arith.constant 0 : index
    %swap3A_398 = vector.load %arg1[%swap3A_396, %swap3A_397] : memref<2048x8xi32, #tpu.memory_space<vmem>>, vector<128x8xi32>
    tpu.vector_store %arg1[%swap3A_396, %swap3A_397], %convert_element_type3A_395 {strides = array<i32>} : memref<2048x8xi32, #tpu.memory_space<vmem>>, vector<128x8xi32>,
    %broadcast_in_dim3A_399 = vector.shape_cast %broadcast_in_dim3A_392 : vector<128x1xf32> to vector<128x1xf32>
    %broadcast_in_dim3A_400 = vector.broadcast %broadcast_in_dim3A_399 : vector<128x1xf32> to vector<128x8xf32>
    %convert_element_type3A_401 = arith.fptosi %broadcast_in_dim3A_400 : vector<128x8xf32> to vector<128x8xi32>
    %swap3A_402 = arith.constant 1024 : index
    %swap3A_403 = arith.constant 0 : index
    %swap3A_404 = vector.load %arg2[%swap3A_402, %swap3A_403] : memref<2048x8xi32, #tpu.memory_space<vmem>>, vector<128x8xi32>
    tpu.vector_store %arg2[%swap3A_402, %swap3A_403], %convert_element_type3A_401 {strides = array<i32>} : memref<2048x8xi32, #tpu.memory_space<vmem>>, vector<128x8xi32>,
    %reduce_sum3A_405 = arith.constant dense<0.000000e+00> : vector<128xf32>
    %reduce_sum3A_406 = vector.multi_reduction <add>, %slice3A_366, %reduce_sum3A_405 [0] : vector<128x128xf32> to vector<128xf32>
    %broadcast_in_dim3A_407 = vector.shape_cast %reduce_sum3A_406 : vector<128xf32> to vector<1x128xf32>
    %add3A_408 = arith.addf %add3A_365, %broadcast_in_dim3A_407 : vector<1x128xf32>
    %slice3A_409 = vector.extract_strided_slice %add3A {offsets = [1152, 0], sizes = [128, 128], strides = [1, 1]} : vector<2048x128xf32> to vector<128x128xf32>
    %dot_general3A_410 = arith.constant dense<0.000000e+00> : vector<128x128xf32>
    %dot_general3A_411 = tpu.matmul %convert_element_type3A_18, %slice3A_409, %dot_general3A_410 {dimension_numbers = #tpu.dot_dimension_numbers<[1], [0], [0], [1], [0, 0, 1, 1], [], []>, transpose_lhs_hint = false} : vector<128x128xf32>, vector<128x128xf32>, vector<128x128xf32> -> vector<128x128xf32>
    %add3A_412 = vector.broadcast %add3A_408 : vector<1x128xf32> to vector<128x128xf32>
    %add3A_413 = arith.addf %dot_general3A_411, %add3A_412 : vector<128x128xf32>
    %add3A_414 = vector.broadcast %dot_general3A_22 : vector<1x128xf32> to vector<128x128xf32>
    %add3A_415 = arith.addf %add3A_413, %add3A_414 : vector<128x128xf32>
    %slice3A_416 = vector.extract_strided_slice %iota3A {offsets = [1152, 0], sizes = [128, 128], strides = [1, 1]} : vector<2048x128xi32> to vector<128x128xi32>
    %slice3A_417 = vector.extract_strided_slice %slice3A {offsets = [1152, 0], sizes = [128, 1], strides = [1, 1]} : vector<2048x1xi32> to vector<128x1xi32>
    %eq3A_418 = vector.broadcast %slice3A_417 : vector<128x1xi32> to vector<128x128xi32>
    %eq3A_419 = arith.cmpi eq, %slice3A_416, %eq3A_418 : vector<128x128xi32>
    %jit3A_420 = arith.constant 0.000000e+00 : f32
    %broadcast_in_dim3A_421 = vector.broadcast %jit3A_420 : f32 to vector<128x128xf32>
    %select_n3A_422 = arith.select %eq3A_419, %add3A_415, %broadcast_in_dim3A_421 : vector<128x128xi1>, vector<128x128xf32>
    %reduce_sum3A_423 = arith.constant dense<0.000000e+00> : vector<128xf32>
    %reduce_sum3A_424 = vector.multi_reduction <add>, %select_n3A_422, %reduce_sum3A_423 [1] : vector<128x128xf32> to vector<128xf32>
    %broadcast_in_dim3A_425 = vector.shape_cast %reduce_sum3A_424 : vector<128xf32> to vector<128x1xf32>
    %slice3A_426 = vector.extract_strided_slice %iota3A {offsets = [1152, 0], sizes = [128, 128], strides = [1, 1]} : vector<2048x128xi32> to vector<128x128xi32>
    %slice3A_427 = vector.extract_strided_slice %slice3A_2 {offsets = [1152, 0], sizes = [128, 1], strides = [1, 1]} : vector<2048x1xi32> to vector<128x1xi32>
    %eq3A_428 = vector.broadcast %slice3A_427 : vector<128x1xi32> to vector<128x128xi32>
    %eq3A_429 = arith.cmpi eq, %slice3A_426, %eq3A_428 : vector<128x128xi32>
    %jit3A_430 = arith.constant 0.000000e+00 : f32
    %broadcast_in_dim3A_431 = vector.broadcast %jit3A_430 : f32 to vector<128x128xf32>
    %select_n3A_432 = arith.select %eq3A_429, %add3A_415, %broadcast_in_dim3A_431 : vector<128x128xi1>, vector<128x128xf32>
    %reduce_sum3A_433 = arith.constant dense<0.000000e+00> : vector<128xf32>
    %reduce_sum3A_434 = vector.multi_reduction <add>, %select_n3A_432, %reduce_sum3A_433 [1] : vector<128x128xf32> to vector<128xf32>
    %broadcast_in_dim3A_435 = vector.shape_cast %reduce_sum3A_434 : vector<128xf32> to vector<128x1xf32>
    %broadcast_in_dim3A_436 = vector.shape_cast %broadcast_in_dim3A_425 : vector<128x1xf32> to vector<128x1xf32>
    %broadcast_in_dim3A_437 = vector.broadcast %broadcast_in_dim3A_436 : vector<128x1xf32> to vector<128x8xf32>
    %convert_element_type3A_438 = arith.fptosi %broadcast_in_dim3A_437 : vector<128x8xf32> to vector<128x8xi32>
    %swap3A_439 = arith.constant 1152 : index
    %swap3A_440 = arith.constant 0 : index
    %swap3A_441 = vector.load %arg1[%swap3A_439, %swap3A_440] : memref<2048x8xi32, #tpu.memory_space<vmem>>, vector<128x8xi32>
    tpu.vector_store %arg1[%swap3A_439, %swap3A_440], %convert_element_type3A_438 {strides = array<i32>} : memref<2048x8xi32, #tpu.memory_space<vmem>>, vector<128x8xi32>,
    %broadcast_in_dim3A_442 = vector.shape_cast %broadcast_in_dim3A_435 : vector<128x1xf32> to vector<128x1xf32>
    %broadcast_in_dim3A_443 = vector.broadcast %broadcast_in_dim3A_442 : vector<128x1xf32> to vector<128x8xf32>
    %convert_element_type3A_444 = arith.fptosi %broadcast_in_dim3A_443 : vector<128x8xf32> to vector<128x8xi32>
    %swap3A_445 = arith.constant 1152 : index
    %swap3A_446 = arith.constant 0 : index
    %swap3A_447 = vector.load %arg2[%swap3A_445, %swap3A_446] : memref<2048x8xi32, #tpu.memory_space<vmem>>, vector<128x8xi32>
    tpu.vector_store %arg2[%swap3A_445, %swap3A_446], %convert_element_type3A_444 {strides = array<i32>} : memref<2048x8xi32, #tpu.memory_space<vmem>>, vector<128x8xi32>,
    %reduce_sum3A_448 = arith.constant dense<0.000000e+00> : vector<128xf32>
    %reduce_sum3A_449 = vector.multi_reduction <add>, %slice3A_409, %reduce_sum3A_448 [0] : vector<128x128xf32> to vector<128xf32>
    %broadcast_in_dim3A_450 = vector.shape_cast %reduce_sum3A_449 : vector<128xf32> to vector<1x128xf32>
    %add3A_451 = arith.addf %add3A_408, %broadcast_in_dim3A_450 : vector<1x128xf32>
    %slice3A_452 = vector.extract_strided_slice %add3A {offsets = [1280, 0], sizes = [128, 128], strides = [1, 1]} : vector<2048x128xf32> to vector<128x128xf32>
    %dot_general3A_453 = arith.constant dense<0.000000e+00> : vector<128x128xf32>
    %dot_general3A_454 = tpu.matmul %convert_element_type3A_18, %slice3A_452, %dot_general3A_453 {dimension_numbers = #tpu.dot_dimension_numbers<[1], [0], [0], [1], [0, 0, 1, 1], [], []>, transpose_lhs_hint = false} : vector<128x128xf32>, vector<128x128xf32>, vector<128x128xf32> -> vector<128x128xf32>
    %add3A_455 = vector.broadcast %add3A_451 : vector<1x128xf32> to vector<128x128xf32>
    %add3A_456 = arith.addf %dot_general3A_454, %add3A_455 : vector<128x128xf32>
    %add3A_457 = vector.broadcast %dot_general3A_22 : vector<1x128xf32> to vector<128x128xf32>
    %add3A_458 = arith.addf %add3A_456, %add3A_457 : vector<128x128xf32>
    %slice3A_459 = vector.extract_strided_slice %iota3A {offsets = [1280, 0], sizes = [128, 128], strides = [1, 1]} : vector<2048x128xi32> to vector<128x128xi32>
    %slice3A_460 = vector.extract_strided_slice %slice3A {offsets = [1280, 0], sizes = [128, 1], strides = [1, 1]} : vector<2048x1xi32> to vector<128x1xi32>
    %eq3A_461 = vector.broadcast %slice3A_460 : vector<128x1xi32> to vector<128x128xi32>
    %eq3A_462 = arith.cmpi eq, %slice3A_459, %eq3A_461 : vector<128x128xi32>
    %jit3A_463 = arith.constant 0.000000e+00 : f32
    %broadcast_in_dim3A_464 = vector.broadcast %jit3A_463 : f32 to vector<128x128xf32>
    %select_n3A_465 = arith.select %eq3A_462, %add3A_458, %broadcast_in_dim3A_464 : vector<128x128xi1>, vector<128x128xf32>
    %reduce_sum3A_466 = arith.constant dense<0.000000e+00> : vector<128xf32>
    %reduce_sum3A_467 = vector.multi_reduction <add>, %select_n3A_465, %reduce_sum3A_466 [1] : vector<128x128xf32> to vector<128xf32>
    %broadcast_in_dim3A_468 = vector.shape_cast %reduce_sum3A_467 : vector<128xf32> to vector<128x1xf32>
    %slice3A_469 = vector.extract_strided_slice %iota3A {offsets = [1280, 0], sizes = [128, 128], strides = [1, 1]} : vector<2048x128xi32> to vector<128x128xi32>
    %slice3A_470 = vector.extract_strided_slice %slice3A_2 {offsets = [1280, 0], sizes = [128, 1], strides = [1, 1]} : vector<2048x1xi32> to vector<128x1xi32>
    %eq3A_471 = vector.broadcast %slice3A_470 : vector<128x1xi32> to vector<128x128xi32>
    %eq3A_472 = arith.cmpi eq, %slice3A_469, %eq3A_471 : vector<128x128xi32>
    %jit3A_473 = arith.constant 0.000000e+00 : f32
    %broadcast_in_dim3A_474 = vector.broadcast %jit3A_473 : f32 to vector<128x128xf32>
    %select_n3A_475 = arith.select %eq3A_472, %add3A_458, %broadcast_in_dim3A_474 : vector<128x128xi1>, vector<128x128xf32>
    %reduce_sum3A_476 = arith.constant dense<0.000000e+00> : vector<128xf32>
    %reduce_sum3A_477 = vector.multi_reduction <add>, %select_n3A_475, %reduce_sum3A_476 [1] : vector<128x128xf32> to vector<128xf32>
    %broadcast_in_dim3A_478 = vector.shape_cast %reduce_sum3A_477 : vector<128xf32> to vector<128x1xf32>
    %broadcast_in_dim3A_479 = vector.shape_cast %broadcast_in_dim3A_468 : vector<128x1xf32> to vector<128x1xf32>
    %broadcast_in_dim3A_480 = vector.broadcast %broadcast_in_dim3A_479 : vector<128x1xf32> to vector<128x8xf32>
    %convert_element_type3A_481 = arith.fptosi %broadcast_in_dim3A_480 : vector<128x8xf32> to vector<128x8xi32>
    %swap3A_482 = arith.constant 1280 : index
    %swap3A_483 = arith.constant 0 : index
    %swap3A_484 = vector.load %arg1[%swap3A_482, %swap3A_483] : memref<2048x8xi32, #tpu.memory_space<vmem>>, vector<128x8xi32>
    tpu.vector_store %arg1[%swap3A_482, %swap3A_483], %convert_element_type3A_481 {strides = array<i32>} : memref<2048x8xi32, #tpu.memory_space<vmem>>, vector<128x8xi32>,
    %broadcast_in_dim3A_485 = vector.shape_cast %broadcast_in_dim3A_478 : vector<128x1xf32> to vector<128x1xf32>
    %broadcast_in_dim3A_486 = vector.broadcast %broadcast_in_dim3A_485 : vector<128x1xf32> to vector<128x8xf32>
    %convert_element_type3A_487 = arith.fptosi %broadcast_in_dim3A_486 : vector<128x8xf32> to vector<128x8xi32>
    %swap3A_488 = arith.constant 1280 : index
    %swap3A_489 = arith.constant 0 : index
    %swap3A_490 = vector.load %arg2[%swap3A_488, %swap3A_489] : memref<2048x8xi32, #tpu.memory_space<vmem>>, vector<128x8xi32>
    tpu.vector_store %arg2[%swap3A_488, %swap3A_489], %convert_element_type3A_487 {strides = array<i32>} : memref<2048x8xi32, #tpu.memory_space<vmem>>, vector<128x8xi32>,
    %reduce_sum3A_491 = arith.constant dense<0.000000e+00> : vector<128xf32>
    %reduce_sum3A_492 = vector.multi_reduction <add>, %slice3A_452, %reduce_sum3A_491 [0] : vector<128x128xf32> to vector<128xf32>
    %broadcast_in_dim3A_493 = vector.shape_cast %reduce_sum3A_492 : vector<128xf32> to vector<1x128xf32>
    %add3A_494 = arith.addf %add3A_451, %broadcast_in_dim3A_493 : vector<1x128xf32>
    %slice3A_495 = vector.extract_strided_slice %add3A {offsets = [1408, 0], sizes = [128, 128], strides = [1, 1]} : vector<2048x128xf32> to vector<128x128xf32>
    %dot_general3A_496 = arith.constant dense<0.000000e+00> : vector<128x128xf32>
    %dot_general3A_497 = tpu.matmul %convert_element_type3A_18, %slice3A_495, %dot_general3A_496 {dimension_numbers = #tpu.dot_dimension_numbers<[1], [0], [0], [1], [0, 0, 1, 1], [], []>, transpose_lhs_hint = false} : vector<128x128xf32>, vector<128x128xf32>, vector<128x128xf32> -> vector<128x128xf32>
    %add3A_498 = vector.broadcast %add3A_494 : vector<1x128xf32> to vector<128x128xf32>
    %add3A_499 = arith.addf %dot_general3A_497, %add3A_498 : vector<128x128xf32>
    %add3A_500 = vector.broadcast %dot_general3A_22 : vector<1x128xf32> to vector<128x128xf32>
    %add3A_501 = arith.addf %add3A_499, %add3A_500 : vector<128x128xf32>
    %slice3A_502 = vector.extract_strided_slice %iota3A {offsets = [1408, 0], sizes = [128, 128], strides = [1, 1]} : vector<2048x128xi32> to vector<128x128xi32>
    %slice3A_503 = vector.extract_strided_slice %slice3A {offsets = [1408, 0], sizes = [128, 1], strides = [1, 1]} : vector<2048x1xi32> to vector<128x1xi32>
    %eq3A_504 = vector.broadcast %slice3A_503 : vector<128x1xi32> to vector<128x128xi32>
    %eq3A_505 = arith.cmpi eq, %slice3A_502, %eq3A_504 : vector<128x128xi32>
    %jit3A_506 = arith.constant 0.000000e+00 : f32
    %broadcast_in_dim3A_507 = vector.broadcast %jit3A_506 : f32 to vector<128x128xf32>
    %select_n3A_508 = arith.select %eq3A_505, %add3A_501, %broadcast_in_dim3A_507 : vector<128x128xi1>, vector<128x128xf32>
    %reduce_sum3A_509 = arith.constant dense<0.000000e+00> : vector<128xf32>
    %reduce_sum3A_510 = vector.multi_reduction <add>, %select_n3A_508, %reduce_sum3A_509 [1] : vector<128x128xf32> to vector<128xf32>
    %broadcast_in_dim3A_511 = vector.shape_cast %reduce_sum3A_510 : vector<128xf32> to vector<128x1xf32>
    %slice3A_512 = vector.extract_strided_slice %iota3A {offsets = [1408, 0], sizes = [128, 128], strides = [1, 1]} : vector<2048x128xi32> to vector<128x128xi32>
    %slice3A_513 = vector.extract_strided_slice %slice3A_2 {offsets = [1408, 0], sizes = [128, 1], strides = [1, 1]} : vector<2048x1xi32> to vector<128x1xi32>
    %eq3A_514 = vector.broadcast %slice3A_513 : vector<128x1xi32> to vector<128x128xi32>
    %eq3A_515 = arith.cmpi eq, %slice3A_512, %eq3A_514 : vector<128x128xi32>
    %jit3A_516 = arith.constant 0.000000e+00 : f32
    %broadcast_in_dim3A_517 = vector.broadcast %jit3A_516 : f32 to vector<128x128xf32>
    %select_n3A_518 = arith.select %eq3A_515, %add3A_501, %broadcast_in_dim3A_517 : vector<128x128xi1>, vector<128x128xf32>
    %reduce_sum3A_519 = arith.constant dense<0.000000e+00> : vector<128xf32>
    %reduce_sum3A_520 = vector.multi_reduction <add>, %select_n3A_518, %reduce_sum3A_519 [1] : vector<128x128xf32> to vector<128xf32>
    %broadcast_in_dim3A_521 = vector.shape_cast %reduce_sum3A_520 : vector<128xf32> to vector<128x1xf32>
    %broadcast_in_dim3A_522 = vector.shape_cast %broadcast_in_dim3A_511 : vector<128x1xf32> to vector<128x1xf32>
    %broadcast_in_dim3A_523 = vector.broadcast %broadcast_in_dim3A_522 : vector<128x1xf32> to vector<128x8xf32>
    %convert_element_type3A_524 = arith.fptosi %broadcast_in_dim3A_523 : vector<128x8xf32> to vector<128x8xi32>
    %swap3A_525 = arith.constant 1408 : index
    %swap3A_526 = arith.constant 0 : index
    %swap3A_527 = vector.load %arg1[%swap3A_525, %swap3A_526] : memref<2048x8xi32, #tpu.memory_space<vmem>>, vector<128x8xi32>
    tpu.vector_store %arg1[%swap3A_525, %swap3A_526], %convert_element_type3A_524 {strides = array<i32>} : memref<2048x8xi32, #tpu.memory_space<vmem>>, vector<128x8xi32>,
    %broadcast_in_dim3A_528 = vector.shape_cast %broadcast_in_dim3A_521 : vector<128x1xf32> to vector<128x1xf32>
    %broadcast_in_dim3A_529 = vector.broadcast %broadcast_in_dim3A_528 : vector<128x1xf32> to vector<128x8xf32>
    %convert_element_type3A_530 = arith.fptosi %broadcast_in_dim3A_529 : vector<128x8xf32> to vector<128x8xi32>
    %swap3A_531 = arith.constant 1408 : index
    %swap3A_532 = arith.constant 0 : index
    %swap3A_533 = vector.load %arg2[%swap3A_531, %swap3A_532] : memref<2048x8xi32, #tpu.memory_space<vmem>>, vector<128x8xi32>
    tpu.vector_store %arg2[%swap3A_531, %swap3A_532], %convert_element_type3A_530 {strides = array<i32>} : memref<2048x8xi32, #tpu.memory_space<vmem>>, vector<128x8xi32>,
    %reduce_sum3A_534 = arith.constant dense<0.000000e+00> : vector<128xf32>
    %reduce_sum3A_535 = vector.multi_reduction <add>, %slice3A_495, %reduce_sum3A_534 [0] : vector<128x128xf32> to vector<128xf32>
    %broadcast_in_dim3A_536 = vector.shape_cast %reduce_sum3A_535 : vector<128xf32> to vector<1x128xf32>
    %add3A_537 = arith.addf %add3A_494, %broadcast_in_dim3A_536 : vector<1x128xf32>
    %slice3A_538 = vector.extract_strided_slice %add3A {offsets = [1536, 0], sizes = [128, 128], strides = [1, 1]} : vector<2048x128xf32> to vector<128x128xf32>
    %dot_general3A_539 = arith.constant dense<0.000000e+00> : vector<128x128xf32>
    %dot_general3A_540 = tpu.matmul %convert_element_type3A_18, %slice3A_538, %dot_general3A_539 {dimension_numbers = #tpu.dot_dimension_numbers<[1], [0], [0], [1], [0, 0, 1, 1], [], []>, transpose_lhs_hint = false} : vector<128x128xf32>, vector<128x128xf32>, vector<128x128xf32> -> vector<128x128xf32>
    %add3A_541 = vector.broadcast %add3A_537 : vector<1x128xf32> to vector<128x128xf32>
    %add3A_542 = arith.addf %dot_general3A_540, %add3A_541 : vector<128x128xf32>
    %add3A_543 = vector.broadcast %dot_general3A_22 : vector<1x128xf32> to vector<128x128xf32>
    %add3A_544 = arith.addf %add3A_542, %add3A_543 : vector<128x128xf32>
    %slice3A_545 = vector.extract_strided_slice %iota3A {offsets = [1536, 0], sizes = [128, 128], strides = [1, 1]} : vector<2048x128xi32> to vector<128x128xi32>
    %slice3A_546 = vector.extract_strided_slice %slice3A {offsets = [1536, 0], sizes = [128, 1], strides = [1, 1]} : vector<2048x1xi32> to vector<128x1xi32>
    %eq3A_547 = vector.broadcast %slice3A_546 : vector<128x1xi32> to vector<128x128xi32>
    %eq3A_548 = arith.cmpi eq, %slice3A_545, %eq3A_547 : vector<128x128xi32>
    %jit3A_549 = arith.constant 0.000000e+00 : f32
    %broadcast_in_dim3A_550 = vector.broadcast %jit3A_549 : f32 to vector<128x128xf32>
    %select_n3A_551 = arith.select %eq3A_548, %add3A_544, %broadcast_in_dim3A_550 : vector<128x128xi1>, vector<128x128xf32>
    %reduce_sum3A_552 = arith.constant dense<0.000000e+00> : vector<128xf32>
    %reduce_sum3A_553 = vector.multi_reduction <add>, %select_n3A_551, %reduce_sum3A_552 [1] : vector<128x128xf32> to vector<128xf32>
    %broadcast_in_dim3A_554 = vector.shape_cast %reduce_sum3A_553 : vector<128xf32> to vector<128x1xf32>
    %slice3A_555 = vector.extract_strided_slice %iota3A {offsets = [1536, 0], sizes = [128, 128], strides = [1, 1]} : vector<2048x128xi32> to vector<128x128xi32>
    %slice3A_556 = vector.extract_strided_slice %slice3A_2 {offsets = [1536, 0], sizes = [128, 1], strides = [1, 1]} : vector<2048x1xi32> to vector<128x1xi32>
    %eq3A_557 = vector.broadcast %slice3A_556 : vector<128x1xi32> to vector<128x128xi32>
    %eq3A_558 = arith.cmpi eq, %slice3A_555, %eq3A_557 : vector<128x128xi32>
    %jit3A_559 = arith.constant 0.000000e+00 : f32
    %broadcast_in_dim3A_560 = vector.broadcast %jit3A_559 : f32 to vector<128x128xf32>
    %select_n3A_561 = arith.select %eq3A_558, %add3A_544, %broadcast_in_dim3A_560 : vector<128x128xi1>, vector<128x128xf32>
    %reduce_sum3A_562 = arith.constant dense<0.000000e+00> : vector<128xf32>
    %reduce_sum3A_563 = vector.multi_reduction <add>, %select_n3A_561, %reduce_sum3A_562 [1] : vector<128x128xf32> to vector<128xf32>
    %broadcast_in_dim3A_564 = vector.shape_cast %reduce_sum3A_563 : vector<128xf32> to vector<128x1xf32>
    %broadcast_in_dim3A_565 = vector.shape_cast %broadcast_in_dim3A_554 : vector<128x1xf32> to vector<128x1xf32>
    %broadcast_in_dim3A_566 = vector.broadcast %broadcast_in_dim3A_565 : vector<128x1xf32> to vector<128x8xf32>
    %convert_element_type3A_567 = arith.fptosi %broadcast_in_dim3A_566 : vector<128x8xf32> to vector<128x8xi32>
    %swap3A_568 = arith.constant 1536 : index
    %swap3A_569 = arith.constant 0 : index
    %swap3A_570 = vector.load %arg1[%swap3A_568, %swap3A_569] : memref<2048x8xi32, #tpu.memory_space<vmem>>, vector<128x8xi32>
    tpu.vector_store %arg1[%swap3A_568, %swap3A_569], %convert_element_type3A_567 {strides = array<i32>} : memref<2048x8xi32, #tpu.memory_space<vmem>>, vector<128x8xi32>,
    %broadcast_in_dim3A_571 = vector.shape_cast %broadcast_in_dim3A_564 : vector<128x1xf32> to vector<128x1xf32>
    %broadcast_in_dim3A_572 = vector.broadcast %broadcast_in_dim3A_571 : vector<128x1xf32> to vector<128x8xf32>
    %convert_element_type3A_573 = arith.fptosi %broadcast_in_dim3A_572 : vector<128x8xf32> to vector<128x8xi32>
    %swap3A_574 = arith.constant 1536 : index
    %swap3A_575 = arith.constant 0 : index
    %swap3A_576 = vector.load %arg2[%swap3A_574, %swap3A_575] : memref<2048x8xi32, #tpu.memory_space<vmem>>, vector<128x8xi32>
    tpu.vector_store %arg2[%swap3A_574, %swap3A_575], %convert_element_type3A_573 {strides = array<i32>} : memref<2048x8xi32, #tpu.memory_space<vmem>>, vector<128x8xi32>,
    %reduce_sum3A_577 = arith.constant dense<0.000000e+00> : vector<128xf32>
    %reduce_sum3A_578 = vector.multi_reduction <add>, %slice3A_538, %reduce_sum3A_577 [0] : vector<128x128xf32> to vector<128xf32>
    %broadcast_in_dim3A_579 = vector.shape_cast %reduce_sum3A_578 : vector<128xf32> to vector<1x128xf32>
    %add3A_580 = arith.addf %add3A_537, %broadcast_in_dim3A_579 : vector<1x128xf32>
    %slice3A_581 = vector.extract_strided_slice %add3A {offsets = [1664, 0], sizes = [128, 128], strides = [1, 1]} : vector<2048x128xf32> to vector<128x128xf32>
    %dot_general3A_582 = arith.constant dense<0.000000e+00> : vector<128x128xf32>
    %dot_general3A_583 = tpu.matmul %convert_element_type3A_18, %slice3A_581, %dot_general3A_582 {dimension_numbers = #tpu.dot_dimension_numbers<[1], [0], [0], [1], [0, 0, 1, 1], [], []>, transpose_lhs_hint = false} : vector<128x128xf32>, vector<128x128xf32>, vector<128x128xf32> -> vector<128x128xf32>
    %add3A_584 = vector.broadcast %add3A_580 : vector<1x128xf32> to vector<128x128xf32>
    %add3A_585 = arith.addf %dot_general3A_583, %add3A_584 : vector<128x128xf32>
    %add3A_586 = vector.broadcast %dot_general3A_22 : vector<1x128xf32> to vector<128x128xf32>
    %add3A_587 = arith.addf %add3A_585, %add3A_586 : vector<128x128xf32>
    %slice3A_588 = vector.extract_strided_slice %iota3A {offsets = [1664, 0], sizes = [128, 128], strides = [1, 1]} : vector<2048x128xi32> to vector<128x128xi32>
    %slice3A_589 = vector.extract_strided_slice %slice3A {offsets = [1664, 0], sizes = [128, 1], strides = [1, 1]} : vector<2048x1xi32> to vector<128x1xi32>
    %eq3A_590 = vector.broadcast %slice3A_589 : vector<128x1xi32> to vector<128x128xi32>
    %eq3A_591 = arith.cmpi eq, %slice3A_588, %eq3A_590 : vector<128x128xi32>
    %jit3A_592 = arith.constant 0.000000e+00 : f32
    %broadcast_in_dim3A_593 = vector.broadcast %jit3A_592 : f32 to vector<128x128xf32>
    %select_n3A_594 = arith.select %eq3A_591, %add3A_587, %broadcast_in_dim3A_593 : vector<128x128xi1>, vector<128x128xf32>
    %reduce_sum3A_595 = arith.constant dense<0.000000e+00> : vector<128xf32>
    %reduce_sum3A_596 = vector.multi_reduction <add>, %select_n3A_594, %reduce_sum3A_595 [1] : vector<128x128xf32> to vector<128xf32>
    %broadcast_in_dim3A_597 = vector.shape_cast %reduce_sum3A_596 : vector<128xf32> to vector<128x1xf32>
    %slice3A_598 = vector.extract_strided_slice %iota3A {offsets = [1664, 0], sizes = [128, 128], strides = [1, 1]} : vector<2048x128xi32> to vector<128x128xi32>
    %slice3A_599 = vector.extract_strided_slice %slice3A_2 {offsets = [1664, 0], sizes = [128, 1], strides = [1, 1]} : vector<2048x1xi32> to vector<128x1xi32>
    %eq3A_600 = vector.broadcast %slice3A_599 : vector<128x1xi32> to vector<128x128xi32>
    %eq3A_601 = arith.cmpi eq, %slice3A_598, %eq3A_600 : vector<128x128xi32>
    %jit3A_602 = arith.constant 0.000000e+00 : f32
    %broadcast_in_dim3A_603 = vector.broadcast %jit3A_602 : f32 to vector<128x128xf32>
    %select_n3A_604 = arith.select %eq3A_601, %add3A_587, %broadcast_in_dim3A_603 : vector<128x128xi1>, vector<128x128xf32>
    %reduce_sum3A_605 = arith.constant dense<0.000000e+00> : vector<128xf32>
    %reduce_sum3A_606 = vector.multi_reduction <add>, %select_n3A_604, %reduce_sum3A_605 [1] : vector<128x128xf32> to vector<128xf32>
    %broadcast_in_dim3A_607 = vector.shape_cast %reduce_sum3A_606 : vector<128xf32> to vector<128x1xf32>
    %broadcast_in_dim3A_608 = vector.shape_cast %broadcast_in_dim3A_597 : vector<128x1xf32> to vector<128x1xf32>
    %broadcast_in_dim3A_609 = vector.broadcast %broadcast_in_dim3A_608 : vector<128x1xf32> to vector<128x8xf32>
    %convert_element_type3A_610 = arith.fptosi %broadcast_in_dim3A_609 : vector<128x8xf32> to vector<128x8xi32>
    %swap3A_611 = arith.constant 1664 : index
    %swap3A_612 = arith.constant 0 : index
    %swap3A_613 = vector.load %arg1[%swap3A_611, %swap3A_612] : memref<2048x8xi32, #tpu.memory_space<vmem>>, vector<128x8xi32>
    tpu.vector_store %arg1[%swap3A_611, %swap3A_612], %convert_element_type3A_610 {strides = array<i32>} : memref<2048x8xi32, #tpu.memory_space<vmem>>, vector<128x8xi32>,
    %broadcast_in_dim3A_614 = vector.shape_cast %broadcast_in_dim3A_607 : vector<128x1xf32> to vector<128x1xf32>
    %broadcast_in_dim3A_615 = vector.broadcast %broadcast_in_dim3A_614 : vector<128x1xf32> to vector<128x8xf32>
    %convert_element_type3A_616 = arith.fptosi %broadcast_in_dim3A_615 : vector<128x8xf32> to vector<128x8xi32>
    %swap3A_617 = arith.constant 1664 : index
    %swap3A_618 = arith.constant 0 : index
    %swap3A_619 = vector.load %arg2[%swap3A_617, %swap3A_618] : memref<2048x8xi32, #tpu.memory_space<vmem>>, vector<128x8xi32>
    tpu.vector_store %arg2[%swap3A_617, %swap3A_618], %convert_element_type3A_616 {strides = array<i32>} : memref<2048x8xi32, #tpu.memory_space<vmem>>, vector<128x8xi32>,
    %reduce_sum3A_620 = arith.constant dense<0.000000e+00> : vector<128xf32>
    %reduce_sum3A_621 = vector.multi_reduction <add>, %slice3A_581, %reduce_sum3A_620 [0] : vector<128x128xf32> to vector<128xf32>
    %broadcast_in_dim3A_622 = vector.shape_cast %reduce_sum3A_621 : vector<128xf32> to vector<1x128xf32>
    %add3A_623 = arith.addf %add3A_580, %broadcast_in_dim3A_622 : vector<1x128xf32>
    %slice3A_624 = vector.extract_strided_slice %add3A {offsets = [1792, 0], sizes = [128, 128], strides = [1, 1]} : vector<2048x128xf32> to vector<128x128xf32>
    %dot_general3A_625 = arith.constant dense<0.000000e+00> : vector<128x128xf32>
    %dot_general3A_626 = tpu.matmul %convert_element_type3A_18, %slice3A_624, %dot_general3A_625 {dimension_numbers = #tpu.dot_dimension_numbers<[1], [0], [0], [1], [0, 0, 1, 1], [], []>, transpose_lhs_hint = false} : vector<128x128xf32>, vector<128x128xf32>, vector<128x128xf32> -> vector<128x128xf32>
    %add3A_627 = vector.broadcast %add3A_623 : vector<1x128xf32> to vector<128x128xf32>
    %add3A_628 = arith.addf %dot_general3A_626, %add3A_627 : vector<128x128xf32>
    %add3A_629 = vector.broadcast %dot_general3A_22 : vector<1x128xf32> to vector<128x128xf32>
    %add3A_630 = arith.addf %add3A_628, %add3A_629 : vector<128x128xf32>
    %slice3A_631 = vector.extract_strided_slice %iota3A {offsets = [1792, 0], sizes = [128, 128], strides = [1, 1]} : vector<2048x128xi32> to vector<128x128xi32>
    %slice3A_632 = vector.extract_strided_slice %slice3A {offsets = [1792, 0], sizes = [128, 1], strides = [1, 1]} : vector<2048x1xi32> to vector<128x1xi32>
    %eq3A_633 = vector.broadcast %slice3A_632 : vector<128x1xi32> to vector<128x128xi32>
    %eq3A_634 = arith.cmpi eq, %slice3A_631, %eq3A_633 : vector<128x128xi32>
    %jit3A_635 = arith.constant 0.000000e+00 : f32
    %broadcast_in_dim3A_636 = vector.broadcast %jit3A_635 : f32 to vector<128x128xf32>
    %select_n3A_637 = arith.select %eq3A_634, %add3A_630, %broadcast_in_dim3A_636 : vector<128x128xi1>, vector<128x128xf32>
    %reduce_sum3A_638 = arith.constant dense<0.000000e+00> : vector<128xf32>
    %reduce_sum3A_639 = vector.multi_reduction <add>, %select_n3A_637, %reduce_sum3A_638 [1] : vector<128x128xf32> to vector<128xf32>
    %broadcast_in_dim3A_640 = vector.shape_cast %reduce_sum3A_639 : vector<128xf32> to vector<128x1xf32>
    %slice3A_641 = vector.extract_strided_slice %iota3A {offsets = [1792, 0], sizes = [128, 128], strides = [1, 1]} : vector<2048x128xi32> to vector<128x128xi32>
    %slice3A_642 = vector.extract_strided_slice %slice3A_2 {offsets = [1792, 0], sizes = [128, 1], strides = [1, 1]} : vector<2048x1xi32> to vector<128x1xi32>
    %eq3A_643 = vector.broadcast %slice3A_642 : vector<128x1xi32> to vector<128x128xi32>
    %eq3A_644 = arith.cmpi eq, %slice3A_641, %eq3A_643 : vector<128x128xi32>
    %jit3A_645 = arith.constant 0.000000e+00 : f32
    %broadcast_in_dim3A_646 = vector.broadcast %jit3A_645 : f32 to vector<128x128xf32>
    %select_n3A_647 = arith.select %eq3A_644, %add3A_630, %broadcast_in_dim3A_646 : vector<128x128xi1>, vector<128x128xf32>
    %reduce_sum3A_648 = arith.constant dense<0.000000e+00> : vector<128xf32>
    %reduce_sum3A_649 = vector.multi_reduction <add>, %select_n3A_647, %reduce_sum3A_648 [1] : vector<128x128xf32> to vector<128xf32>
    %broadcast_in_dim3A_650 = vector.shape_cast %reduce_sum3A_649 : vector<128xf32> to vector<128x1xf32>
    %broadcast_in_dim3A_651 = vector.shape_cast %broadcast_in_dim3A_640 : vector<128x1xf32> to vector<128x1xf32>
    %broadcast_in_dim3A_652 = vector.broadcast %broadcast_in_dim3A_651 : vector<128x1xf32> to vector<128x8xf32>
    %convert_element_type3A_653 = arith.fptosi %broadcast_in_dim3A_652 : vector<128x8xf32> to vector<128x8xi32>
    %swap3A_654 = arith.constant 1792 : index
    %swap3A_655 = arith.constant 0 : index
    %swap3A_656 = vector.load %arg1[%swap3A_654, %swap3A_655] : memref<2048x8xi32, #tpu.memory_space<vmem>>, vector<128x8xi32>
    tpu.vector_store %arg1[%swap3A_654, %swap3A_655], %convert_element_type3A_653 {strides = array<i32>} : memref<2048x8xi32, #tpu.memory_space<vmem>>, vector<128x8xi32>,
    %broadcast_in_dim3A_657 = vector.shape_cast %broadcast_in_dim3A_650 : vector<128x1xf32> to vector<128x1xf32>
    %broadcast_in_dim3A_658 = vector.broadcast %broadcast_in_dim3A_657 : vector<128x1xf32> to vector<128x8xf32>
    %convert_element_type3A_659 = arith.fptosi %broadcast_in_dim3A_658 : vector<128x8xf32> to vector<128x8xi32>
    %swap3A_660 = arith.constant 1792 : index
    %swap3A_661 = arith.constant 0 : index
    %swap3A_662 = vector.load %arg2[%swap3A_660, %swap3A_661] : memref<2048x8xi32, #tpu.memory_space<vmem>>, vector<128x8xi32>
    tpu.vector_store %arg2[%swap3A_660, %swap3A_661], %convert_element_type3A_659 {strides = array<i32>} : memref<2048x8xi32, #tpu.memory_space<vmem>>, vector<128x8xi32>,
    %reduce_sum3A_663 = arith.constant dense<0.000000e+00> : vector<128xf32>
    %reduce_sum3A_664 = vector.multi_reduction <add>, %slice3A_624, %reduce_sum3A_663 [0] : vector<128x128xf32> to vector<128xf32>
    %broadcast_in_dim3A_665 = vector.shape_cast %reduce_sum3A_664 : vector<128xf32> to vector<1x128xf32>
    %add3A_666 = arith.addf %add3A_623, %broadcast_in_dim3A_665 : vector<1x128xf32>
    %slice3A_667 = vector.extract_strided_slice %add3A {offsets = [1920, 0], sizes = [128, 128], strides = [1, 1]} : vector<2048x128xf32> to vector<128x128xf32>
    %dot_general3A_668 = arith.constant dense<0.000000e+00> : vector<128x128xf32>
    %dot_general3A_669 = tpu.matmul %convert_element_type3A_18, %slice3A_667, %dot_general3A_668 {dimension_numbers = #tpu.dot_dimension_numbers<[1], [0], [0], [1], [0, 0, 1, 1], [], []>, transpose_lhs_hint = false} : vector<128x128xf32>, vector<128x128xf32>, vector<128x128xf32> -> vector<128x128xf32>
    %add3A_670 = vector.broadcast %add3A_666 : vector<1x128xf32> to vector<128x128xf32>
    %add3A_671 = arith.addf %dot_general3A_669, %add3A_670 : vector<128x128xf32>
    %add3A_672 = vector.broadcast %dot_general3A_22 : vector<1x128xf32> to vector<128x128xf32>
    %add3A_673 = arith.addf %add3A_671, %add3A_672 : vector<128x128xf32>
    %slice3A_674 = vector.extract_strided_slice %iota3A {offsets = [1920, 0], sizes = [128, 128], strides = [1, 1]} : vector<2048x128xi32> to vector<128x128xi32>
    %slice3A_675 = vector.extract_strided_slice %slice3A {offsets = [1920, 0], sizes = [128, 1], strides = [1, 1]} : vector<2048x1xi32> to vector<128x1xi32>
    %eq3A_676 = vector.broadcast %slice3A_675 : vector<128x1xi32> to vector<128x128xi32>
    %eq3A_677 = arith.cmpi eq, %slice3A_674, %eq3A_676 : vector<128x128xi32>
    %jit3A_678 = arith.constant 0.000000e+00 : f32
    %broadcast_in_dim3A_679 = vector.broadcast %jit3A_678 : f32 to vector<128x128xf32>
    %select_n3A_680 = arith.select %eq3A_677, %add3A_673, %broadcast_in_dim3A_679 : vector<128x128xi1>, vector<128x128xf32>
    %reduce_sum3A_681 = arith.constant dense<0.000000e+00> : vector<128xf32>
    %reduce_sum3A_682 = vector.multi_reduction <add>, %select_n3A_680, %reduce_sum3A_681 [1] : vector<128x128xf32> to vector<128xf32>
    %broadcast_in_dim3A_683 = vector.shape_cast %reduce_sum3A_682 : vector<128xf32> to vector<128x1xf32>
    %slice3A_684 = vector.extract_strided_slice %iota3A {offsets = [1920, 0], sizes = [128, 128], strides = [1, 1]} : vector<2048x128xi32> to vector<128x128xi32>
    %slice3A_685 = vector.extract_strided_slice %slice3A_2 {offsets = [1920, 0], sizes = [128, 1], strides = [1, 1]} : vector<2048x1xi32> to vector<128x1xi32>
    %eq3A_686 = vector.broadcast %slice3A_685 : vector<128x1xi32> to vector<128x128xi32>
    %eq3A_687 = arith.cmpi eq, %slice3A_684, %eq3A_686 : vector<128x128xi32>
    %jit3A_688 = arith.constant 0.000000e+00 : f32
    %broadcast_in_dim3A_689 = vector.broadcast %jit3A_688 : f32 to vector<128x128xf32>
    %select_n3A_690 = arith.select %eq3A_687, %add3A_673, %broadcast_in_dim3A_689 : vector<128x128xi1>, vector<128x128xf32>
    %reduce_sum3A_691 = arith.constant dense<0.000000e+00> : vector<128xf32>
    %reduce_sum3A_692 = vector.multi_reduction <add>, %select_n3A_690, %reduce_sum3A_691 [1] : vector<128x128xf32> to vector<128xf32>
    %broadcast_in_dim3A_693 = vector.shape_cast %reduce_sum3A_692 : vector<128xf32> to vector<128x1xf32>
    %broadcast_in_dim3A_694 = vector.shape_cast %broadcast_in_dim3A_683 : vector<128x1xf32> to vector<128x1xf32>
    %broadcast_in_dim3A_695 = vector.broadcast %broadcast_in_dim3A_694 : vector<128x1xf32> to vector<128x8xf32>
    %convert_element_type3A_696 = arith.fptosi %broadcast_in_dim3A_695 : vector<128x8xf32> to vector<128x8xi32>
    %swap3A_697 = arith.constant 1920 : index
    %swap3A_698 = arith.constant 0 : index
    %swap3A_699 = vector.load %arg1[%swap3A_697, %swap3A_698] : memref<2048x8xi32, #tpu.memory_space<vmem>>, vector<128x8xi32>
    tpu.vector_store %arg1[%swap3A_697, %swap3A_698], %convert_element_type3A_696 {strides = array<i32>} : memref<2048x8xi32, #tpu.memory_space<vmem>>, vector<128x8xi32>,
    %broadcast_in_dim3A_700 = vector.shape_cast %broadcast_in_dim3A_693 : vector<128x1xf32> to vector<128x1xf32>
    %broadcast_in_dim3A_701 = vector.broadcast %broadcast_in_dim3A_700 : vector<128x1xf32> to vector<128x8xf32>
    %convert_element_type3A_702 = arith.fptosi %broadcast_in_dim3A_701 : vector<128x8xf32> to vector<128x8xi32>
    %swap3A_703 = arith.constant 1920 : index
    %swap3A_704 = arith.constant 0 : index
    %swap3A_705 = vector.load %arg2[%swap3A_703, %swap3A_704] : memref<2048x8xi32, #tpu.memory_space<vmem>>, vector<128x8xi32>
    tpu.vector_store %arg2[%swap3A_703, %swap3A_704], %convert_element_type3A_702 {strides = array<i32>} : memref<2048x8xi32, #tpu.memory_space<vmem>>, vector<128x8xi32>,
    %mul3A_706 = arith.constant 0.001953125 : f32
    %mul3A_707 = vector.broadcast %mul3A_706 : f32 to vector<1x128xf32>
    %mul3A_708 = arith.mulf %mul3A_14, %mul3A_707 : vector<1x128xf32>
    %le3A = arith.cmpi sle, %iota3A_15, %iota3A_16 : vector<128x128xi32>
    %convert_element_type3A_709 = arith.extui %le3A : vector<128x128xi1> to vector<128x128xi32>
    %convert_element_type3A_710 = arith.sitofp %convert_element_type3A_709 : vector<128x128xi32> to vector<128x128xf32>
    %dot_general3A_711 = arith.constant dense<0.000000e+00> : vector<1x128xf32>
    %dot_general3A_712 = tpu.matmul %mul3A_708, %convert_element_type3A_710, %dot_general3A_711 {dimension_numbers = #tpu.dot_dimension_numbers<[1], [0], [0], [1], [0, 0, 1, 1], [], []>, transpose_lhs_hint = false} : vector<1x128xf32>, vector<128x128xf32>, vector<1x128xf32> -> vector<1x128xf32>
    %iota3A_713 = tpu.iota {dimensions = array<i32: 1>} : vector<1x128xi32>
    %convert_element_type3A_714 = arith.sitofp %iota3A_713 : vector<1x128xi32> to vector<1x128xf32>
    %iota3A_715 = tpu.iota {dimensions = array<i32: 1>} : vector<1x128xi32>
    %broadcast_in_dim3A_716 = arith.constant 0.000000e+00 : f32
    %broadcast_in_dim3A_717 = vector.broadcast %broadcast_in_dim3A_716 : f32 to vector<1x128xf32>
    %eq3A_718 = arith.constant 0 : i32
    %eq3A_719 = vector.broadcast %eq3A_718 : i32 to vector<1x128xi32>
    %eq3A_720 = arith.cmpi eq, %iota3A_715, %eq3A_719 : vector<1x128xi32>
    %jit3A_721 = arith.constant 0.000000e+00 : f32
    %broadcast_in_dim3A_722 = vector.broadcast %jit3A_721 : f32 to vector<1x128xf32>
    %select_n3A_723 = arith.select %eq3A_720, %dot_general3A_712, %broadcast_in_dim3A_722 : vector<1x128xi1>, vector<1x128xf32>
    %reduce_sum3A_724 = arith.constant dense<0.000000e+00> : vector<1xf32>
    %reduce_sum3A_725 = vector.multi_reduction <add>, %select_n3A_723, %reduce_sum3A_724 [1] : vector<1x128xf32> to vector<1xf32>
    %broadcast_in_dim3A_726 = vector.shape_cast %reduce_sum3A_725 : vector<1xf32> to vector<1x1xf32>
    %ge3A = vector.broadcast %broadcast_in_dim3A_726 : vector<1x1xf32> to vector<1x128xf32>
    %ge3A_727 = arith.cmpf oge, %convert_element_type3A_714, %ge3A : vector<1x128xf32>
    %convert_element_type3A_728 = arith.extui %ge3A_727 : vector<1x128xi1> to vector<1x128xi32>
    %convert_element_type3A_729 = arith.sitofp %convert_element_type3A_728 : vector<1x128xi32> to vector<1x128xf32>
    %add3A_730 = arith.addf %broadcast_in_dim3A_717, %convert_element_type3A_729 : vector<1x128xf32>
    %eq3A_731 = arith.constant 1 : i32
    %eq3A_732 = vector.broadcast %eq3A_731 : i32 to vector<1x128xi32>
    %eq3A_733 = arith.cmpi eq, %iota3A_715, %eq3A_732 : vector<1x128xi32>
    %jit3A_734 = arith.constant 0.000000e+00 : f32
    %broadcast_in_dim3A_735 = vector.broadcast %jit3A_734 : f32 to vector<1x128xf32>
    %select_n3A_736 = arith.select %eq3A_733, %dot_general3A_712, %broadcast_in_dim3A_735 : vector<1x128xi1>, vector<1x128xf32>
    %reduce_sum3A_737 = arith.constant dense<0.000000e+00> : vector<1xf32>
    %reduce_sum3A_738 = vector.multi_reduction <add>, %select_n3A_736, %reduce_sum3A_737 [1] : vector<1x128xf32> to vector<1xf32>
    %broadcast_in_dim3A_739 = vector.shape_cast %reduce_sum3A_738 : vector<1xf32> to vector<1x1xf32>
    %ge3A_740 = vector.broadcast %broadcast_in_dim3A_739 : vector<1x1xf32> to vector<1x128xf32>
    %ge3A_741 = arith.cmpf oge, %convert_element_type3A_714, %ge3A_740 : vector<1x128xf32>
    %convert_element_type3A_742 = arith.extui %ge3A_741 : vector<1x128xi1> to vector<1x128xi32>
    %convert_element_type3A_743 = arith.sitofp %convert_element_type3A_742 : vector<1x128xi32> to vector<1x128xf32>
    %add3A_744 = arith.addf %add3A_730, %convert_element_type3A_743 : vector<1x128xf32>
    %eq3A_745 = arith.constant 2 : i32
    %eq3A_746 = vector.broadcast %eq3A_745 : i32 to vector<1x128xi32>
    %eq3A_747 = arith.cmpi eq, %iota3A_715, %eq3A_746 : vector<1x128xi32>
    %jit3A_748 = arith.constant 0.000000e+00 : f32
    %broadcast_in_dim3A_749 = vector.broadcast %jit3A_748 : f32 to vector<1x128xf32>
    %select_n3A_750 = arith.select %eq3A_747, %dot_general3A_712, %broadcast_in_dim3A_749 : vector<1x128xi1>, vector<1x128xf32>
    %reduce_sum3A_751 = arith.constant dense<0.000000e+00> : vector<1xf32>
    %reduce_sum3A_752 = vector.multi_reduction <add>, %select_n3A_750, %reduce_sum3A_751 [1] : vector<1x128xf32> to vector<1xf32>
    %broadcast_in_dim3A_753 = vector.shape_cast %reduce_sum3A_752 : vector<1xf32> to vector<1x1xf32>
    %ge3A_754 = vector.broadcast %broadcast_in_dim3A_753 : vector<1x1xf32> to vector<1x128xf32>
    %ge3A_755 = arith.cmpf oge, %convert_element_type3A_714, %ge3A_754 : vector<1x128xf32>
    %convert_element_type3A_756 = arith.extui %ge3A_755 : vector<1x128xi1> to vector<1x128xi32>
    %convert_element_type3A_757 = arith.sitofp %convert_element_type3A_756 : vector<1x128xi32> to vector<1x128xf32>
    %add3A_758 = arith.addf %add3A_744, %convert_element_type3A_757 : vector<1x128xf32>
    %eq3A_759 = arith.constant 3 : i32
    %eq3A_760 = vector.broadcast %eq3A_759 : i32 to vector<1x128xi32>
    %eq3A_761 = arith.cmpi eq, %iota3A_715, %eq3A_760 : vector<1x128xi32>
    %jit3A_762 = arith.constant 0.000000e+00 : f32
    %broadcast_in_dim3A_763 = vector.broadcast %jit3A_762 : f32 to vector<1x128xf32>
    %select_n3A_764 = arith.select %eq3A_761, %dot_general3A_712, %broadcast_in_dim3A_763 : vector<1x128xi1>, vector<1x128xf32>
    %reduce_sum3A_765 = arith.constant dense<0.000000e+00> : vector<1xf32>
    %reduce_sum3A_766 = vector.multi_reduction <add>, %select_n3A_764, %reduce_sum3A_765 [1] : vector<1x128xf32> to vector<1xf32>
    %broadcast_in_dim3A_767 = vector.shape_cast %reduce_sum3A_766 : vector<1xf32> to vector<1x1xf32>
    %ge3A_768 = vector.broadcast %broadcast_in_dim3A_767 : vector<1x1xf32> to vector<1x128xf32>
    %ge3A_769 = arith.cmpf oge, %convert_element_type3A_714, %ge3A_768 : vector<1x128xf32>
    %convert_element_type3A_770 = arith.extui %ge3A_769 : vector<1x128xi1> to vector<1x128xi32>
    %convert_element_type3A_771 = arith.sitofp %convert_element_type3A_770 : vector<1x128xi32> to vector<1x128xf32>
    %add3A_772 = arith.addf %add3A_758, %convert_element_type3A_771 : vector<1x128xf32>
    %eq3A_773 = arith.constant 4 : i32
    %eq3A_774 = vector.broadcast %eq3A_773 : i32 to vector<1x128xi32>
    %eq3A_775 = arith.cmpi eq, %iota3A_715, %eq3A_774 : vector<1x128xi32>
    %jit3A_776 = arith.constant 0.000000e+00 : f32
    %broadcast_in_dim3A_777 = vector.broadcast %jit3A_776 : f32 to vector<1x128xf32>
    %select_n3A_778 = arith.select %eq3A_775, %dot_general3A_712, %broadcast_in_dim3A_777 : vector<1x128xi1>, vector<1x128xf32>
    %reduce_sum3A_779 = arith.constant dense<0.000000e+00> : vector<1xf32>
    %reduce_sum3A_780 = vector.multi_reduction <add>, %select_n3A_778, %reduce_sum3A_779 [1] : vector<1x128xf32> to vector<1xf32>
    %broadcast_in_dim3A_781 = vector.shape_cast %reduce_sum3A_780 : vector<1xf32> to vector<1x1xf32>
    %ge3A_782 = vector.broadcast %broadcast_in_dim3A_781 : vector<1x1xf32> to vector<1x128xf32>
    %ge3A_783 = arith.cmpf oge, %convert_element_type3A_714, %ge3A_782 : vector<1x128xf32>
    %convert_element_type3A_784 = arith.extui %ge3A_783 : vector<1x128xi1> to vector<1x128xi32>
    %convert_element_type3A_785 = arith.sitofp %convert_element_type3A_784 : vector<1x128xi32> to vector<1x128xf32>
    %add3A_786 = arith.addf %add3A_772, %convert_element_type3A_785 : vector<1x128xf32>
    %eq3A_787 = arith.constant 5 : i32
    %eq3A_788 = vector.broadcast %eq3A_787 : i32 to vector<1x128xi32>
    %eq3A_789 = arith.cmpi eq, %iota3A_715, %eq3A_788 : vector<1x128xi32>
    %jit3A_790 = arith.constant 0.000000e+00 : f32
    %broadcast_in_dim3A_791 = vector.broadcast %jit3A_790 : f32 to vector<1x128xf32>
    %select_n3A_792 = arith.select %eq3A_789, %dot_general3A_712, %broadcast_in_dim3A_791 : vector<1x128xi1>, vector<1x128xf32>
    %reduce_sum3A_793 = arith.constant dense<0.000000e+00> : vector<1xf32>
    %reduce_sum3A_794 = vector.multi_reduction <add>, %select_n3A_792, %reduce_sum3A_793 [1] : vector<1x128xf32> to vector<1xf32>
    %broadcast_in_dim3A_795 = vector.shape_cast %reduce_sum3A_794 : vector<1xf32> to vector<1x1xf32>
    %ge3A_796 = vector.broadcast %broadcast_in_dim3A_795 : vector<1x1xf32> to vector<1x128xf32>
    %ge3A_797 = arith.cmpf oge, %convert_element_type3A_714, %ge3A_796 : vector<1x128xf32>
    %convert_element_type3A_798 = arith.extui %ge3A_797 : vector<1x128xi1> to vector<1x128xi32>
    %convert_element_type3A_799 = arith.sitofp %convert_element_type3A_798 : vector<1x128xi32> to vector<1x128xf32>
    %add3A_800 = arith.addf %add3A_786, %convert_element_type3A_799 : vector<1x128xf32>
    %eq3A_801 = arith.constant 6 : i32
    %eq3A_802 = vector.broadcast %eq3A_801 : i32 to vector<1x128xi32>
    %eq3A_803 = arith.cmpi eq, %iota3A_715, %eq3A_802 : vector<1x128xi32>
    %jit3A_804 = arith.constant 0.000000e+00 : f32
    %broadcast_in_dim3A_805 = vector.broadcast %jit3A_804 : f32 to vector<1x128xf32>
    %select_n3A_806 = arith.select %eq3A_803, %dot_general3A_712, %broadcast_in_dim3A_805 : vector<1x128xi1>, vector<1x128xf32>
    %reduce_sum3A_807 = arith.constant dense<0.000000e+00> : vector<1xf32>
    %reduce_sum3A_808 = vector.multi_reduction <add>, %select_n3A_806, %reduce_sum3A_807 [1] : vector<1x128xf32> to vector<1xf32>
    %broadcast_in_dim3A_809 = vector.shape_cast %reduce_sum3A_808 : vector<1xf32> to vector<1x1xf32>
    %ge3A_810 = vector.broadcast %broadcast_in_dim3A_809 : vector<1x1xf32> to vector<1x128xf32>
    %ge3A_811 = arith.cmpf oge, %convert_element_type3A_714, %ge3A_810 : vector<1x128xf32>
    %convert_element_type3A_812 = arith.extui %ge3A_811 : vector<1x128xi1> to vector<1x128xi32>
    %convert_element_type3A_813 = arith.sitofp %convert_element_type3A_812 : vector<1x128xi32> to vector<1x128xf32>
    %add3A_814 = arith.addf %add3A_800, %convert_element_type3A_813 : vector<1x128xf32>
    %eq3A_815 = arith.constant 7 : i32
    %eq3A_816 = vector.broadcast %eq3A_815 : i32 to vector<1x128xi32>
    %eq3A_817 = arith.cmpi eq, %iota3A_715, %eq3A_816 : vector<1x128xi32>
    %jit3A_818 = arith.constant 0.000000e+00 : f32
    %broadcast_in_dim3A_819 = vector.broadcast %jit3A_818 : f32 to vector<1x128xf32>
    %select_n3A_820 = arith.select %eq3A_817, %dot_general3A_712, %broadcast_in_dim3A_819 : vector<1x128xi1>, vector<1x128xf32>
    %reduce_sum3A_821 = arith.constant dense<0.000000e+00> : vector<1xf32>
    %reduce_sum3A_822 = vector.multi_reduction <add>, %select_n3A_820, %reduce_sum3A_821 [1] : vector<1x128xf32> to vector<1xf32>
    %broadcast_in_dim3A_823 = vector.shape_cast %reduce_sum3A_822 : vector<1xf32> to vector<1x1xf32>
    %ge3A_824 = vector.broadcast %broadcast_in_dim3A_823 : vector<1x1xf32> to vector<1x128xf32>
    %ge3A_825 = arith.cmpf oge, %convert_element_type3A_714, %ge3A_824 : vector<1x128xf32>
    %convert_element_type3A_826 = arith.extui %ge3A_825 : vector<1x128xi1> to vector<1x128xi32>
    %convert_element_type3A_827 = arith.sitofp %convert_element_type3A_826 : vector<1x128xi32> to vector<1x128xf32>
    %add3A_828 = arith.addf %add3A_814, %convert_element_type3A_827 : vector<1x128xf32>
    %eq3A_829 = arith.constant 7 : i32
    %eq3A_830 = vector.broadcast %eq3A_829 : i32 to vector<1x128xi32>
    %eq3A_831 = arith.cmpi eq, %iota3A_715, %eq3A_830 : vector<1x128xi32>
    %jit3A_832 = arith.constant 0.000000e+00 : f32
    %broadcast_in_dim3A_833 = vector.broadcast %jit3A_832 : f32 to vector<1x128xf32>
    %select_n3A_834 = arith.select %eq3A_831, %dot_general3A_712, %broadcast_in_dim3A_833 : vector<1x128xi1>, vector<1x128xf32>
    %reduce_sum3A_835 = arith.constant dense<0.000000e+00> : vector<1xf32>
    %reduce_sum3A_836 = vector.multi_reduction <add>, %select_n3A_834, %reduce_sum3A_835 [1] : vector<1x128xf32> to vector<1xf32>
    %broadcast_in_dim3A_837 = vector.shape_cast %reduce_sum3A_836 : vector<1xf32> to vector<1x1xf32>
    %lt3A_838 = vector.broadcast %broadcast_in_dim3A_837 : vector<1x1xf32> to vector<1x128xf32>
    %lt3A_839 = arith.cmpf olt, %convert_element_type3A_714, %lt3A_838 : vector<1x128xf32>
    %gt3A = arith.constant 0.000000e+00 : f32
    %gt3A_840 = vector.broadcast %gt3A : f32 to vector<1x128xf32>
    %gt3A_841 = arith.cmpf ogt, %mul3A_14, %gt3A_840 : vector<1x128xf32>
    %lt3A_842 = arith.constant 8 : i32
    %lt3A_843 = vector.broadcast %lt3A_842 : i32 to vector<1x128xi32>
    %lt3A_844 = arith.cmpi slt, %iota3A_715, %lt3A_843 : vector<1x128xi32>
    %and3A = arith.andi %gt3A_841, %lt3A_844 : vector<1x128xi1>
    %convert_element_type3A_845 = arith.sitofp %iota3A_715 : vector<1x128xi32> to vector<1x128xf32>
    %jit3A_846 = arith.constant 0.000000e+00 : f32
    %broadcast_in_dim3A_847 = vector.broadcast %jit3A_846 : f32 to vector<1x128xf32>
    %select_n3A_848 = arith.select %and3A, %convert_element_type3A_845, %broadcast_in_dim3A_847 : vector<1x128xi1>, vector<1x128xf32>
    %reduce_max3A = arith.constant dense<0xFF800000> : vector<1xf32>
    %reduce_max3A_849 = vector.multi_reduction <maximumf>, %select_n3A_848, %reduce_max3A [1] : vector<1x128xf32> to vector<1xf32>
    %broadcast_in_dim3A_850 = vector.shape_cast %reduce_max3A_849 : vector<1xf32> to vector<1x1xf32>
    %min3A = arith.constant 7.000000e+00 : f32
    %min3A_851 = vector.broadcast %min3A : f32 to vector<1x128xf32>
    %min3A_852 = arith.minimumf %add3A_828, %min3A_851 : vector<1x128xf32>
    %broadcast_in_dim3A_853 = vector.shape_cast %broadcast_in_dim3A_850 : vector<1x1xf32> to vector<1x1xf32>
    %broadcast_in_dim3A_854 = vector.broadcast %broadcast_in_dim3A_853 : vector<1x1xf32> to vector<1x128xf32>
    %select_n3A_855 = arith.select %lt3A_839, %min3A_852, %broadcast_in_dim3A_854 : vector<1x128xi1>, vector<1x128xf32>
    %convert_element_type3A_856 = arith.fptosi %select_n3A_855 : vector<1x128xf32> to vector<1x128xi32>
    %swap3A_857 = arith.constant 0 : index
    %swap3A_858 = arith.constant 0 : index
    %swap3A_859 = vector.load %arg3[%swap3A_857, %swap3A_858] : memref<2x128xi32, #tpu.memory_space<vmem>>, vector<1x128xi32>
    tpu.vector_store %arg3[%swap3A_857, %swap3A_858], %convert_element_type3A_856 {strides = array<i32>} : memref<2x128xi32, #tpu.memory_space<vmem>>, vector<1x128xi32>,
    %convert_element_type3A_860 = arith.extui %lt3A_839 : vector<1x128xi1> to vector<1x128xi32>
    %swap3A_861 = arith.constant 1 : index
    %swap3A_862 = arith.constant 0 : index
    %swap3A_863 = vector.load %arg3[%swap3A_861, %swap3A_862] : memref<2x128xi32, #tpu.memory_space<vmem>>, vector<1x128xi32>
    tpu.vector_store %arg3[%swap3A_861, %swap3A_862], %convert_element_type3A_860 {strides = array<i32>} : memref<2x128xi32, #tpu.memory_space<vmem>>, vector<1x128xi32>,
    return
  }
}

module attributes {stable_mosaic.version = 14 : i64} {
  func.func @_grouped_kern(%arg0: i32, %arg1: memref<2x128xi32, #tpu.memory_space<smem>>, %arg2: memref<512x1024xf32, #tpu.memory_space<vmem>>, %arg3: memref<1x1024x1024xf32, #tpu.memory_space<vmem>>, %arg4: memref<1x1x1024xf32, #tpu.memory_space<vmem>>, %arg5: memref<1x1024x1024xf32, #tpu.memory_space<vmem>>, %arg6: memref<1x1x1024xf32, #tpu.memory_space<vmem>>, %arg7: memref<512x1024xf32, #tpu.memory_space<vmem>>) attributes {dimension_semantics = [#tpu.dimension_semantics<arbitrary>], iteration_bounds = array<i64: 16>, scalar_prefetch = 1 : i64, scratch_operands = 0 : i64, tpu.core_type = #tpu.core_type<tc>, window_params = [{transform_indices = @transform_0, window_bounds = array<i64: 512, 1024>}, {transform_indices = @transform_1, window_bounds = array<i64: 1, 1024, 1024>}, {transform_indices = @transform_2, window_bounds = array<i64: 1, 1, 1024>}, {transform_indices = @transform_3, window_bounds = array<i64: 1, 1024, 1024>}, {transform_indices = @transform_4, window_bounds = array<i64: 1, 1, 1024>}, {transform_indices = @transform_5, window_bounds = array<i64: 512, 1024>}]} {
    %get3A = arith.constant 1 : index
    %get3A_0 = arith.index_cast %arg0 : i32 to index
    %get3A_1 = memref.load %arg1[%get3A, %get3A_0] : memref<2x128xi32, #tpu.memory_space<smem>>
    %eq3A = arith.constant 1 : i32
    %eq3A_2 = arith.cmpi eq, %get3A_1, %eq3A : i32
    %convert_element_type3A = arith.extui %eq3A_2 : i1 to i32
    %cond3A = arith.constant 0 : i32
    %cond3A_3 = arith.cmpi ne, %convert_element_type3A, %cond3A : i32
    scf.if %cond3A_3 {
      %get3A_4 = arith.constant 0 : index
      %get3A_5 = arith.constant 0 : index
      %get3A_6 = vector.load %arg2[%get3A_4, %get3A_5] : memref<512x1024xf32, #tpu.memory_space<vmem>>, vector<512x1024xf32>
      %convert_element_type3A_7 = arith.truncf %get3A_6 : vector<512x1024xf32> to vector<512x1024xbf16>
      %get3A_8 = arith.constant 0 : index
      %get3A_9 = arith.constant 0 : index
      %get3A_10 = arith.constant 0 : index
      %get3A_11 = vector.load %arg3[%get3A_8, %get3A_9, %get3A_10] : memref<1x1024x1024xf32, #tpu.memory_space<vmem>>, vector<1x1024x1024xf32>
      %get3A_12 = vector.shape_cast %get3A_11 : vector<1x1024x1024xf32> to vector<1024x1024xf32>
      %convert_element_type3A_13 = arith.truncf %get3A_12 : vector<1024x1024xf32> to vector<1024x1024xbf16>
      %dot_general3A = arith.constant dense<0.000000e+00> : vector<512x1024xf32>
      %dot_general3A_14 = tpu.matmul %convert_element_type3A_7, %convert_element_type3A_13, %dot_general3A {dimension_numbers = #tpu.dot_dimension_numbers<[1], [0], [0], [1], [0, 0, 1, 1], [], []>, transpose_lhs_hint = false} : vector<512x1024xbf16>, vector<1024x1024xbf16>, vector<512x1024xf32> -> vector<512x1024xf32>
      %get3A_15 = arith.constant 0 : index
      %get3A_16 = arith.constant 0 : index
      %get3A_17 = arith.constant 0 : index
      %get3A_18 = vector.load %arg4[%get3A_15, %get3A_16, %get3A_17] : memref<1x1x1024xf32, #tpu.memory_space<vmem>>, vector<1x1x1024xf32>
      %get3A_19 = vector.shape_cast %get3A_18 : vector<1x1x1024xf32> to vector<1x1024xf32>
      %add3A = vector.broadcast %get3A_19 : vector<1x1024xf32> to vector<512x1024xf32>
      %add3A_20 = arith.addf %dot_general3A_14, %add3A : vector<512x1024xf32>
      %max3A = arith.constant 0.000000e+00 : f32
      %max3A_21 = vector.broadcast %max3A : f32 to vector<512x1024xf32>
      %max3A_22 = arith.maximumf %add3A_20, %max3A_21 : vector<512x1024xf32>
      %convert_element_type3A_23 = arith.truncf %max3A_22 : vector<512x1024xf32> to vector<512x1024xbf16>
      %get3A_24 = arith.constant 0 : index
      %get3A_25 = arith.constant 0 : index
      %get3A_26 = arith.constant 0 : index
      %get3A_27 = vector.load %arg5[%get3A_24, %get3A_25, %get3A_26] : memref<1x1024x1024xf32, #tpu.memory_space<vmem>>, vector<1x1024x1024xf32>
      %get3A_28 = vector.shape_cast %get3A_27 : vector<1x1024x1024xf32> to vector<1024x1024xf32>
      %convert_element_type3A_29 = arith.truncf %get3A_28 : vector<1024x1024xf32> to vector<1024x1024xbf16>
      %dot_general3A_30 = arith.constant dense<0.000000e+00> : vector<512x1024xf32>
      %dot_general3A_31 = tpu.matmul %convert_element_type3A_23, %convert_element_type3A_29, %dot_general3A_30 {dimension_numbers = #tpu.dot_dimension_numbers<[1], [0], [0], [1], [0, 0, 1, 1], [], []>, transpose_lhs_hint = false} : vector<512x1024xbf16>, vector<1024x1024xbf16>, vector<512x1024xf32> -> vector<512x1024xf32>
      %get3A_32 = arith.constant 0 : index
      %get3A_33 = arith.constant 0 : index
      %get3A_34 = arith.constant 0 : index
      %get3A_35 = vector.load %arg6[%get3A_32, %get3A_33, %get3A_34] : memref<1x1x1024xf32, #tpu.memory_space<vmem>>, vector<1x1x1024xf32>
      %get3A_36 = vector.shape_cast %get3A_35 : vector<1x1x1024xf32> to vector<1x1024xf32>
      %add3A_37 = vector.broadcast %get3A_36 : vector<1x1024xf32> to vector<512x1024xf32>
      %add3A_38 = arith.addf %dot_general3A_31, %add3A_37 : vector<512x1024xf32>
      %swap3A = arith.constant 0 : index
      %swap3A_39 = arith.constant 0 : index
      %swap3A_40 = vector.load %arg7[%swap3A, %swap3A_39] : memref<512x1024xf32, #tpu.memory_space<vmem>>, vector<512x1024xf32>
      tpu.vector_store %arg7[%swap3A, %swap3A_39], %add3A_38 {strides = array<i32>} : memref<512x1024xf32, #tpu.memory_space<vmem>>, vector<512x1024xf32>,
    } else {
    }
    return
  }
  func.func @transform_0(%arg0: i32, %arg1: memref<2x128xi32, #tpu.memory_space<smem>>) -> (i32, i32) {
    %get3A = arith.constant 1 : index
    %get3A_0 = arith.index_cast %arg0 : i32 to index
    %get3A_1 = memref.load %arg1[%get3A, %get3A_0] : memref<2x128xi32, #tpu.memory_space<smem>>
    %mul3A = arith.muli %get3A_1, %arg0 : i32
    %c0_i32 = arith.constant 0 : i32
    %c0_i32_2 = arith.constant 0 : i32
    return %mul3A, %c0_i32 : i32, i32
  }
  func.func @transform_1(%arg0: i32, %arg1: memref<2x128xi32, #tpu.memory_space<smem>>) -> (i32, i32, i32) {
    %get3A = arith.constant 0 : index
    %get3A_0 = arith.index_cast %arg0 : i32 to index
    %get3A_1 = memref.load %arg1[%get3A, %get3A_0] : memref<2x128xi32, #tpu.memory_space<smem>>
    %c0_i32 = arith.constant 0 : i32
    %c0_i32_2 = arith.constant 0 : i32
    %c0_i32_3 = arith.constant 0 : i32
    return %get3A_1, %c0_i32, %c0_i32_2 : i32, i32, i32
  }
  func.func @transform_2(%arg0: i32, %arg1: memref<2x128xi32, #tpu.memory_space<smem>>) -> (i32, i32, i32) {
    %get3A = arith.constant 0 : index
    %get3A_0 = arith.index_cast %arg0 : i32 to index
    %get3A_1 = memref.load %arg1[%get3A, %get3A_0] : memref<2x128xi32, #tpu.memory_space<smem>>
    %c0_i32 = arith.constant 0 : i32
    %c0_i32_2 = arith.constant 0 : i32
    %c0_i32_3 = arith.constant 0 : i32
    return %get3A_1, %c0_i32, %c0_i32_2 : i32, i32, i32
  }
  func.func @transform_3(%arg0: i32, %arg1: memref<2x128xi32, #tpu.memory_space<smem>>) -> (i32, i32, i32) {
    %get3A = arith.constant 0 : index
    %get3A_0 = arith.index_cast %arg0 : i32 to index
    %get3A_1 = memref.load %arg1[%get3A, %get3A_0] : memref<2x128xi32, #tpu.memory_space<smem>>
    %c0_i32 = arith.constant 0 : i32
    %c0_i32_2 = arith.constant 0 : i32
    %c0_i32_3 = arith.constant 0 : i32
    return %get3A_1, %c0_i32, %c0_i32_2 : i32, i32, i32
  }
  func.func @transform_4(%arg0: i32, %arg1: memref<2x128xi32, #tpu.memory_space<smem>>) -> (i32, i32, i32) {
    %get3A = arith.constant 0 : index
    %get3A_0 = arith.index_cast %arg0 : i32 to index
    %get3A_1 = memref.load %arg1[%get3A, %get3A_0] : memref<2x128xi32, #tpu.memory_space<smem>>
    %c0_i32 = arith.constant 0 : i32
    %c0_i32_2 = arith.constant 0 : i32
    %c0_i32_3 = arith.constant 0 : i32
    return %get3A_1, %c0_i32, %c0_i32_2 : i32, i32, i32
  }
  func.func @transform_5(%arg0: i32, %arg1: memref<2x128xi32, #tpu.memory_space<smem>>) -> (i32, i32) {
    %get3A = arith.constant 1 : index
    %get3A_0 = arith.index_cast %arg0 : i32 to index
    %get3A_1 = memref.load %arg1[%get3A, %get3A_0] : memref<2x128xi32, #tpu.memory_space<smem>>
    %mul3A = arith.muli %get3A_1, %arg0 : i32
    %get3A_2 = arith.constant 1 : index
    %get3A_3 = arith.index_cast %arg0 : i32 to index
    %get3A_4 = memref.load %arg1[%get3A_2, %get3A_3] : memref<2x128xi32, #tpu.memory_space<smem>>
    %sub3A = arith.constant 1 : i32
    %sub3A_5 = arith.subi %sub3A, %get3A_4 : i32
    %mul3A_6 = arith.constant 16 : i32
    %mul3A_7 = arith.muli %sub3A_5, %mul3A_6 : i32
    %add3A = arith.addi %mul3A, %mul3A_7 : i32
    %c0_i32 = arith.constant 0 : i32
    %c0_i32_8 = arith.constant 0 : i32
    return %add3A, %c0_i32 : i32, i32
  }
}

module attributes {stable_mosaic.version = 14 : i64} {
  func.func @_combine_outproj_kern(%arg0: i32, %arg1: memref<256x1024xf32, #tpu.memory_space<vmem>>, %arg2: memref<256x1024xf32, #tpu.memory_space<vmem>>, %arg3: memref<256x128xf32, #tpu.memory_space<vmem>>, %arg4: memref<1024x1024xf32, #tpu.memory_space<vmem>>, %arg5: memref<1x1024xf32, #tpu.memory_space<vmem>>, %arg6: memref<256x1024xf32, #tpu.memory_space<vmem>>) attributes {dimension_semantics = [#tpu.dimension_semantics<arbitrary>], iteration_bounds = array<i64: 8>, scalar_prefetch = 0 : i64, scratch_operands = 0 : i64, tpu.core_type = #tpu.core_type<tc>, window_params = [{transform_indices = @transform_0, window_bounds = array<i64: 256, 1024>}, {transform_indices = @transform_1, window_bounds = array<i64: 256, 1024>}, {transform_indices = @transform_2, window_bounds = array<i64: 256, 128>}, {pipeline_mode = #tpu.pipeline_mode<synchronous>, transform_indices = @transform_3, window_bounds = array<i64: 1024, 1024>}, {pipeline_mode = #tpu.pipeline_mode<synchronous>, transform_indices = @transform_4, window_bounds = array<i64: 1, 1024>}, {transform_indices = @transform_5, window_bounds = array<i64: 256, 1024>}]} {
    %get3A = arith.constant 0 : index
    %get3A_0 = arith.constant 0 : index
    %get3A_1 = vector.load %arg3[%get3A, %get3A_0] : memref<256x128xf32, #tpu.memory_space<vmem>>, vector<256x128xf32>
    %slice3A = vector.extract_strided_slice %get3A_1 {offsets = [0, 0], sizes = [256, 1], strides = [1, 1]} : vector<256x128xf32> to vector<256x1xf32>
    %slice3A_2 = vector.extract_strided_slice %get3A_1 {offsets = [0, 1], sizes = [256, 1], strides = [1, 1]} : vector<256x128xf32> to vector<256x1xf32>
    %get3A_3 = arith.constant 0 : index
    %get3A_4 = arith.constant 0 : index
    %get3A_5 = vector.load %arg1[%get3A_3, %get3A_4] : memref<256x1024xf32, #tpu.memory_space<vmem>>, vector<256x1024xf32>
    %mul3A = vector.broadcast %slice3A : vector<256x1xf32> to vector<256x1024xf32>
    %mul3A_6 = arith.mulf %mul3A, %get3A_5 : vector<256x1024xf32>
    %get3A_7 = arith.constant 0 : index
    %get3A_8 = arith.constant 0 : index
    %get3A_9 = vector.load %arg2[%get3A_7, %get3A_8] : memref<256x1024xf32, #tpu.memory_space<vmem>>, vector<256x1024xf32>
    %mul3A_10 = vector.broadcast %slice3A_2 : vector<256x1xf32> to vector<256x1024xf32>
    %mul3A_11 = arith.mulf %mul3A_10, %get3A_9 : vector<256x1024xf32>
    %add3A = arith.addf %mul3A_6, %mul3A_11 : vector<256x1024xf32>
    %convert_element_type3A = arith.truncf %add3A : vector<256x1024xf32> to vector<256x1024xbf16>
    %get3A_12 = arith.constant 0 : index
    %get3A_13 = arith.constant 0 : index
    %get3A_14 = vector.load %arg4[%get3A_12, %get3A_13] : memref<1024x1024xf32, #tpu.memory_space<vmem>>, vector<1024x1024xf32>
    %convert_element_type3A_15 = arith.truncf %get3A_14 : vector<1024x1024xf32> to vector<1024x1024xbf16>
    %dot_general3A = arith.constant dense<0.000000e+00> : vector<256x1024xf32>
    %dot_general3A_16 = tpu.matmul %convert_element_type3A, %convert_element_type3A_15, %dot_general3A {dimension_numbers = #tpu.dot_dimension_numbers<[1], [0], [0], [1], [0, 0, 1, 1], [], []>, transpose_lhs_hint = false} : vector<256x1024xbf16>, vector<1024x1024xbf16>, vector<256x1024xf32> -> vector<256x1024xf32>
    %get3A_17 = arith.constant 0 : index
    %get3A_18 = arith.constant 0 : index
    %get3A_19 = vector.load %arg5[%get3A_17, %get3A_18] : memref<1x1024xf32, #tpu.memory_space<vmem>>, vector<1x1024xf32>
    %add3A_20 = vector.broadcast %get3A_19 : vector<1x1024xf32> to vector<256x1024xf32>
    %add3A_21 = arith.addf %dot_general3A_16, %add3A_20 : vector<256x1024xf32>
    %swap3A = arith.constant 0 : index
    %swap3A_22 = arith.constant 0 : index
    %swap3A_23 = vector.load %arg6[%swap3A, %swap3A_22] : memref<256x1024xf32, #tpu.memory_space<vmem>>, vector<256x1024xf32>
    tpu.vector_store %arg6[%swap3A, %swap3A_22], %add3A_21 {strides = array<i32>} : memref<256x1024xf32, #tpu.memory_space<vmem>>, vector<256x1024xf32>,
    return
  }
  func.func @transform_0(%arg0: i32) -> (i32, i32) {
    %c0_i32 = arith.constant 0 : i32
    %c0_i32_0 = arith.constant 0 : i32
    return %arg0, %c0_i32 : i32, i32
  }
  func.func @transform_1(%arg0: i32) -> (i32, i32) {
    %add3A = arith.constant 8 : i32
    %add3A_0 = arith.addi %add3A, %arg0 : i32
    %c0_i32 = arith.constant 0 : i32
    %c0_i32_1 = arith.constant 0 : i32
    return %add3A_0, %c0_i32 : i32, i32
  }
  func.func @transform_2(%arg0: i32) -> (i32, i32) {
    %c0_i32 = arith.constant 0 : i32
    %c0_i32_0 = arith.constant 0 : i32
    return %arg0, %c0_i32 : i32, i32
  }
  func.func @transform_3(%arg0: i32) -> (i32, i32) {
    %c0_i32 = arith.constant 0 : i32
    %c0_i32_0 = arith.constant 0 : i32
    %c0_i32_1 = arith.constant 0 : i32
    return %c0_i32, %c0_i32_0 : i32, i32
  }
  func.func @transform_4(%arg0: i32) -> (i32, i32) {
    %c0_i32 = arith.constant 0 : i32
    %c0_i32_0 = arith.constant 0 : i32
    %c0_i32_1 = arith.constant 0 : i32
    return %c0_i32, %c0_i32_0 : i32, i32
  }
  func.func @transform_5(%arg0: i32) -> (i32, i32) {
    %c0_i32 = arith.constant 0 : i32
    %c0_i32_0 = arith.constant 0 : i32
    return %arg0, %c0_i32 : i32, i32
  }
}

</mosaic_0001>

<sc_bundles>
// kernel: kernel.11.cloned.1.call-start
scs
__scs_entry_jumppad:
0x0: {  	(pc) =	sbr.rel $0x88, $3  }
0x1: {  	(tag) =	ssettag $0x0;
	lr =	simm.s32 $0x1  }
0x2: {  	[smem:$0x3F96] =	sst lr;
	_ =	strace $0xD0000000  }
0x3: {  	_ = 	snop  }
0x4: {  	_ = 	snop  }
0x5: {  	_ = 	snop  }
0x6: {  	_ = 	snop  }
0x7: {  	_ = 	snop  }
__scs_overlays_trampoline_lowered:
0x8: {  	[smem:$0x3FA5] =	sst s0  }
0x9: {  	[smem:$0x3FA6] =	sst s1  }
0xa: {  	[smem:$0x3FA7] =	sst s2  }
0xb: {  	[smem:$0x3FA8] =	sst s3  }
0xc: {  	[smem:$0x3FA9] =	sst s4  }
0xd: {  	[smem:$0x3FAA] =	sst s5  }
0xe: {  	[smem:$0x3FAB] =	sst s6  }
0xf: {  	[smem:$0x3FAC] =	sst s7  }
0x10: {  	[smem:$0x3FAD] =	sst s8  }
0x11: {  	[smem:$0x3FAE] =	sst s9;
	s0 =	simm.s32 @!p0 $0x0  }
0x12: {  	s1 =	sld [smem:$0x3F94];
	s0 =	simm.s32 @p0 $0x1  }
0x13: {  	[smem:$0x3FAF] =	sst s0;
	s0 =	simm.s32 @!p1 $0x0  }
0x14: {  	s2 =	sld [smem:$0x3F93];
	s0 =	simm.s32 @p1 $0x1  }
0x15: {  	[smem:$0x3FB0] =	sst s0;
	s0 =	simm.s32 @!p2 $0x0  }
0x16: {  	s3 =	sld [smem:$0x3FDB];
	s0 =	simm.s32 @p2 $0x1  }
0x17: {  	s4 =	simm.s32 $0x1BF5;
	[smem:$0x3FB2] =	sst s0  }
0x18: {  	s0 =	sld [smem:$0x3F95];
	_ =	swait.ge [sflag:s4], $0x0  }
0x19: {  	s7 =	sld [smem:$0x3F96]  }
0x1a: {  	s8 =	sadd.s32 $0xFFFFE003, lr  }
0x1b: {  	s9 =	sadd.s32 $0xFFFFFEF7, lr;
	s5 =	simm.s32 $0xFFFFFFFF;
	p2 =	slt.u32 s8, $0xFFFFF086  }
0x1c: {  	p1 =	slt.u32 s9, $0xF7A;
	s5 =	simm.s32 @!p2 $0x0  }
0x1d: {  	s5 =	simm.s32 @p1 $0x1;
	p0 =	seq.s32 s7, s2  }
0x1e: {  	s7 =	smul.u32 @!p0 $0xF7A, s2;
	p2 =	seq.s32 @!p0 s5, $0x0  }
0x1f: {  	s9 =	smul.u32 $0xF7A, s1;
	s8 =	simm.s32 @!p0 $0x1BF5;
	p2 =	por !p2, p0  }
0x20: {  	[sflag:s8] =	ssyncset.s32 @!p0 $0xFFFFF086;
	s6 =	sadd.s32 @!p0 s3, s7;
	s7 =	simm.s32 @!p0 $0x108  }
0x21: {  	s3 =	sadd.s32 s3, s9;
	s6 =	sadd.s32 @!p0 $0x88, s6;
	s7 =	simm.s32 @p2 $0x1082  }
0x22: {  	[simem:s7], [sflag:s8] =	dma.local @!p0 [hbm:s6], $0xF7A  }
0x23: {  	s9 =	sor.u32 $0xD0000000, s2;
	s6 =	simm.s32 $0x108;
	_ =	swait.ge @!p0 [sflag:s8], $0x0  }
0x24: {  	s3 =	sadd.s32 $0x88, s3;
	s6 =	simm.s32 @!p1 $0x1082;
	[sflag:s4] =	ssyncset.s32 $0xFFFFF086  }
0x25: {  	[simem:s6], [sflag:s4] =	dma.local [hbm:s3], $0xF7A  }
0x26: {  	[smem:$0x3F96] =	sst s1;
	(tag) =	ssettag s2;
	_ =	strace s9  }
0x27: {  	s1 =	sld [smem:$0x3FA6]  }
0x28: {  	s2 =	sld [smem:$0x3FA7]  }
0x29: {  	s4 =	sld [smem:$0x3FA9]  }
0x2a: {  	p0 =	seq.s32 s5, $0x0;
	s5 =	sld [smem:$0x3FAA]  }
0x2b: {  	s6 =	sld [smem:$0x3FAB]  }
0x2c: {  	s7 =	sld [smem:$0x3FAC]  }
0x2d: {  	s3 =	simm.s32 $0x108;
	s8 =	sld [smem:$0x3FAD]  }
0x2e: {  	s3 =	simm.s32 @!p0 $0x1082;
	s9 =	sld [smem:$0x3FAE]  }
0x2f: {  	lr =	sadd.s32 s0, s3;
	s0 =	sld [smem:$0x3FA5]  }
0x30: {  	s3 =	sld [smem:$0x3FA8]  }
0x31: {  	[smem:$0x3FB1] =	sst s10  }
0x32: {  	s10 =	sld [smem:$0x3FAF];
	_ =	sdelay $0x3  }
0x33: {  	p0 =	seq.s32 s10, $0x1;
	s10 =	sld [smem:$0x3FB1];
	_ =	sdelay $0x3  }
0x34: {  	[smem:$0x3FB1] =	sst s10  }
0x35: {  	s10 =	sld [smem:$0x3FB0];
	_ =	sdelay $0x3  }
0x36: {  	p1 =	seq.s32 s10, $0x1;
	s10 =	sld [smem:$0x3FB1];
	_ =	sdelay $0x3  }
0x37: {  	[smem:$0x3FB1] =	sst s10  }
0x38: {  	s10 =	sld [smem:$0x3FB2]  }
0x39: {  	_ = 	snop;
	(pc) =	sbr.ind lr, $3  }
0x3a: {  	_ = 	snop  }
0x3b: {  	_ = 	snop  }
0x3c: {  	p2 =	seq.s32 s10, $0x1;
	s10 =	sld [smem:$0x3FB1]  }
0x3d: {  	_ =	shalt  }
0x3e: {  	_ =	shalt  }
0x3f: {  	_ =	shalt  }
0x40: {  	_ =	shalt  }
0x41: {  	_ =	shalt  }
0x42: {  	_ =	shalt  }
0x43: {  	_ =	shalt  }
0x44: {  	_ =	shalt  }
0x45: {  	_ =	shalt  }
0x46: {  	_ =	shalt  }
0x47: {  	_ =	shalt  }
0x48: {  	_ =	shalt  }
0x49: {  	_ =	shalt  }
0x4a: {  	_ =	shalt  }
0x4b: {  	_ =	shalt  }
0x4c: {  	_ =	shalt  }
0x4d: {  	_ =	shalt  }
0x4e: {  	_ =	shalt  }
0x4f: {  	_ =	shalt  }
0x50: {  	_ =	shalt  }
0x51: {  	_ =	shalt  }
0x52: {  	_ =	shalt  }
0x53: {  	_ =	shalt  }
0x54: {  	_ =	shalt  }
0x55: {  	_ =	shalt  }
0x56: {  	_ =	shalt  }
0x57: {  	_ =	shalt  }
0x58: {  	_ =	shalt  }
0x59: {  	_ =	shalt  }
0x5a: {  	_ =	shalt  }
0x5b: {  	_ =	shalt  }
0x5c: {  	_ =	shalt  }
0x5d: {  	_ =	shalt  }
0x5e: {  	_ =	shalt  }
0x5f: {  	_ =	shalt  }
0x60: {  	_ =	shalt  }
0x61: {  	_ =	shalt  }
0x62: {  	_ =	shalt  }
0x63: {  	_ =	shalt  }
0x64: {  	_ =	shalt  }
0x65: {  	_ =	shalt  }
0x66: {  	_ =	shalt  }
0x67: {  	_ =	shalt  }
0x68: {  	_ =	shalt  }
0x69: {  	_ =	shalt  }
0x6a: {  	_ =	shalt  }
0x6b: {  	_ =	shalt  }
0x6c: {  	_ =	shalt  }
0x6d: {  	_ =	shalt  }
0x6e: {  	_ =	shalt  }
0x6f: {  	_ =	shalt  }
0x70: {  	_ =	shalt  }
0x71: {  	_ =	shalt  }
0x72: {  	_ =	shalt  }
0x73: {  	_ =	shalt  }
0x74: {  	_ =	shalt  }
0x75: {  	_ =	shalt  }
0x76: {  	_ =	shalt  }
0x77: {  	_ =	shalt  }
0x78: {  	_ =	shalt  }
0x79: {  	_ =	shalt  }
0x7a: {  	_ =	shalt  }
0x7b: {  	_ =	shalt  }
0x7c: {  	_ =	shalt  }
0x7d: {  	_ =	shalt  }
0x7e: {  	_ =	shalt  }
0x7f: {  	_ =	shalt  }
0x80: {  	_ =	shalt  }
0x81: {  	_ =	shalt  }
0x82: {  	_ =	shalt  }
0x83: {  	_ =	shalt  }
0x84: {  	_ =	shalt  }
0x85: {  	_ =	shalt  }
0x86: {  	_ =	shalt  }
0x87: {  	_ =	shalt  }
.Lfunc_end0:
.L_simem_size_0:
called_computation.1_lowered:
.L_overlay_start_0:
0x88: {  	s2 =	sld [smem:$0x3FD9]  }
0x89: {  	s3 =	sld [smem:$0x3FFE];
	_ =	sdelay $0x1  }
0x8a: {  	s1 =	srdreg.scid  }
0x8b: {  	s0 =	sand.u32 $0x1, s1  }
0x8c: {  	s16 =	sshll.u32 s0, $0xA;
	s2 =	sadd.s32 s3, s2  }
0x8d: {  	s2 =	sadd.s32 s2, s16  }
0x8e: {  	[smem:$0x3FBD] =	sst s2  }
0x8f: {  	_ = 	snop  }
0x90: {  	(tm) =	ssettm $0x1  }
0x91: {  	s17 =	sld [smem:$0x3FFB];
	_ =	sdelay $0x3  }
0x92: {  	_ =	strace s17  }
0x93: {  	s2 =	sld [smem:$0x3FFC];
	_ =	sdelay $0x3  }
0x94: {  	_ =	strace s2  }
0x95: {  	s2 =	sld [smem:$0x3FFD];
	_ =	sdelay $0x3  }
0x96: {  	_ =	strace s2  }
0x97: {  	_ =	strace $0x8FFFFFFF  }
0x98: {  	s18 =	sld [smem:$0x3FDB];
	_ =	sdelay $0x1  }
0x99: {  	s19 =	simm.s32 $_scs_section_size  }
0x9a: {  	s4 =	simm.s32 $_size__tile_overlayer_lowered;
	s5 =	simm.s32 $_tile_overlayer_lowered  }
0x9b: {  	s22 =	simm.s32 $0x1BFF;
	s21 =	sshll.u32 s5, $0x1;
	s2 =	sadd.s32 s19, s18  }
0x9c: {  	s6 =	simm.s32 $0x0;
	s20 =	sshll.u32 s4, $0x1;
	s4 =	sadd.s32 s21, s2  }
0x9d: {  	[timem:s6], [sflag:s22] =	dma.local [hbm:s4], s20  }
0x9e: {  	_ =	swait.ge [sflag:s22], s20  }
0x9f: {  	s3 =	ssub.s32 $0x0, s20;
	[sflag:s22] =	ssyncset.done $0x0  }
0xa0: {  	[sflag:s22] =	ssyncadd.s32 s3;
	_ =	sdelay $0x1  }
0xa1: {  	s23 =	simm.s32 $0x1B8B  }
0xa2: {  	_ =	swait.ge [sflag:s23], $0x1  }
0xa3: {  	[sflag:s23] =	ssyncset.done $0x0  }
0xa4: {  	s25 =	simm.s32 $0x1B8E;
	s24 =	sld [smem:$0x3FFE];
	[sflag:s23] =	ssyncadd.s32 $0xFFFFFFFF  }
0xa5: {  	s26 =	simm.s32 $execute0_lowered;
	[smem:$0x3FD2] =	sst s25  }
0xa6: {  	s4 =	sshll.u32 s26, $0x1;
	_ =	strace $0x80000049;
	[dreg:$0x1] =	wrdreg $0xFFFFFFFF  }
0xa7: {  	s28 =	simm.s32 $_size_execute0_lowered;
	s2 =	sadd.s32 s2, s4;
	[dreg:$0x0] =	wrdreg $0x0  }
0xa8: {  	s4 =	sshll.u32 s28, $0x1;
	[dreg:$0x2] =	wrdreg s2  }
0xa9: {  	[dreg:$0x3] =	wrdreg s4  }
0xaa: {  	[dreg:$0x4] =	wrdreg $0xC0  }
0xab: {  	_ =	task [dreg:s6], $0x5FFFF  }
0xac: {  	[dreg:$0x1] =	wrdreg $0xFFFFFFFF  }
0xad: {  	[dreg:$0x0] =	wrdreg $0x60  }
0xae: {  	[dreg:$0x2] =	wrdreg s24  }
0xaf: {  	[dreg:$0x3] =	wrdreg $0x9  }
0xb0: {  	_ =	task.clear_ibuf [dreg:s6], $0x4FFFF;
	_ =	strace $0x90000049  }
0xb1: {  	s29 =	simm.s32 $0x9;
	_ =	strace $0x8000004B  }
0xb2: {  	_ =	swait.ge [sflag:s29], $0x1  }
0xb3: {  	[sflag:s29] =	ssyncadd.s32 $0xFFFFFFFF  }
0xb4: {  	_ =	strace $0x9000004B  }
0xb5: {  	_ =	sfence  }
0xb6: {  	s30 =	sld [smem:$0x0];
	_ =	sdelay $0x2  }
0xb7: {  	s31 =	sshll.u32 s1, $0xD;
	s1 =	sshrl.u32 s1, $0x2  }
0xb8: {  	s3 =	sand.u32 $0x4000, s31;
	s1 =	sadd.s32 s1, s30  }
0xb9: {  	s0 =	sor.u32 s3, s0;
	s1 =	sshll.u32 s1, $0x11  }
0xba: {  	s0 =	sor.u32 s1, s0  }
0xbb: {  	s0 =	sadd.s32 $0x8F2B, s0  }
0xbc: {  	[sflag:s0] =	ssyncadd.remote.s32 $0x1  }
0xbd: {  	_ =	sfence.sel $0xFFFF  }
0xbe: {  	[dreg:$0x0] =	wrdreg $0xFFFFFFFF;
	(pc) =	sbr.abs _section_cstart, $3  }
0xbf: {  	[dreg:$0x1] =	wrdreg $0xFFFFFFFF  }
0xc0: {  	_ =	task.clear_ibuf [dreg:s6], $0x2FFFF;
	_ =	strace $0x9FFFFFFF  }
0xc1: {  	(tm) =	ssettm $0x7FFFFFFF  }
tec
execute0_lowered:
.L_overlay_start_1:
0x0: {  	(tag) =	ssettag $0x1  }
0x1: {  	s0 =	srdreg.scid;
	s8 =	stileid.u32  }
0x2: {  	s1 =	rddreg [dreg:$0x0];
	s2 =	simm.s32 $0x0;
	s26 =	simm.s32 $0x80  }
0x3: {  	s18 =	simm.s32 $0x1;
	s21 =	simm.s32 $0x1100;
	s22 =	simm.s32 $0x1900  }
0x4: {  	s23 =	simm.s32 $0x2100;
	s24 =	simm.s32 $0x2900;
	s28 =	simm.s32 $0x4100  }
0x5: {  	s29 =	simm.s32 $0x4900;
	s30 =	simm.s32 $0x5100;
	s31 =	simm.s32 $0x5900  }
0x6: {  	s10 =	simm.s32 $0x7100;
	s11 =	simm.s32 $0x7900;
	s12 =	simm.s32 $0x8100  }
0x7: {  	s13 =	simm.s32 $0x8900;
	s14 =	simm.s32 $0x9100;
	s15 =	simm.s32 $0x9900  }
0x8: {  	s16 =	simm.s32 $0xA100;
	s17 =	simm.s32 $0xA900;
	s0 =	sand.u32 $0x1, s0  }
0x9: {  	s3 =	sshll.u32 s8, $0x1;
	[smem:$0x7FF] =	sst s2;
	p0 =	slt.u32 s8, $0x8  }
0xa: {  	s4 =	sor.u32 s0, s3;
	_ =	strace $0x8000004A;
	s3 =	sadd.s32 $0x101A00, s1  }
0xb: {  	s0 =	ssub.s32 $0x2, s0;
	[dreg:$0x6] =	wrdreg s26;
	s26 =	simm.s32 $0x3900  }
0xc: {  	s5 =	sshll.u32 s4, $0x4;
	s4 =	sshll.u32 s4, $0xE;
	s7 =	sshrl.u32 s0, $0x1  }
0xd: {  	s6 =	sadd.s32 s5, s1;
	s5 =	sand.u32 $0xF0, s5;
	s4 =	sadd.s32 s4, s1  }
0xe: {  	s0 =	ssub.s32 s0, s7;
	s5 =	sadd.s32 s5, s1;
	s9 =	sadd.s32 $0x1A00, s4  }
0xf: {  	s25 =	sadd.s32 $0x3A00, s4;
	s4 =	sadd.s32 $0x101B00, s1;
	s7 =	sadd.s32 $0x1600, s5  }
0x10: {  	s8 =	sadd.s32 $0x1608, s5;
	s5 =	sadd.s32 $0x1800, s6;
	[dreg:$0x2] =	wrdreg s9  }
0x11: {  	s6 =	sadd.s32 $0x1808, s6;
	[dreg:$0x3] =	wrdreg s25;
	s7 =	smov.u32 @p0 s5  }
0x12: {  	v2 =	vlaneseq.u32;
	s25 =	simm.s32 $0x3100;
	s8 =	smov.u32 @p0 s6;
	[dreg:$0x5] =	wrdreg s7  }
0x13: {  	vm0 =	vmmov $0xffff;
	v1 =	vshrl.u32 v2, $0x3;
	s5 =	sadd.s32 $0x101C00, s1;
	s6 =	sadd.s32 $0x101D00, s1;
	[dreg:$0x4] =	wrdreg s8  }
0x14: {  	v0 =	vand.u32 $0x7, v2;
	v2 =	vor.u32 $0x8, v2;
	v1 =	vmul.u32 $0x8, v1;
	s7 =	smax.u32 s0, $0x1;
	s8 =	simm.s32 $0x2;
	s0 =	simm.s32 $0x100  }
.LBB2_1:
0x15: {  	s19 =	rddreg [dreg:$0x5]  }
0x16: {  	[tilespmem:s2], [sflag:$0x2] =	stream.linear.gather [hbm4b:s19+s2], $0x40, $0x38;
	[tilespmem:$0x10100] =	vst v63  }
0x17: {  	_ =	swait.ge [sflag:s8], $0x40  }
0x18: {  	s9 =	rddreg [dreg:$0x4];
	[sflag:s8] =	ssyncset.done $0x0  }
0x19: {  	s20 =	rddreg [dreg:$0x6];
	[sflag:s8] =	ssyncadd.s32 $0xFFFFFFC0  }
0x1a: {  	[tilespmem:s20], [sflag:$0x2] =	stream.linear.gather [hbm4b:s9+s2], $0x40, $0x38;
	[tilespmem:$0x10100] =	vst v63  }
0x1b: {  	_ =	swait.ge [sflag:s8], $0x40  }
0x1c: {  	[sflag:s8] =	ssyncset.done $0x0  }
0x1d: {  	[sflag:s8] =	ssyncadd.s32 $0xFFFFFFC0  }
0x1e: {  	v3 =	vld [tilespmem:$0x0];
	_ =	sdelay $0x4  }
0x1f: {  	v4 =	vshll.u32 v3, $0x3  }
0x20: {  	v3 =	vand.u32 $0x7, v3;
	v4 =	vand.u32 $0xFFFFFFC0, v4  }
0x21: {  	v3 =	vor.u32 v3, v4  }
0x22: {  	v4 =	vperm.xlane v3, v0;
	_ =	sdelay $0x1  }
0x23: {  	v4 =	vadd.s32 v1, v4;
	_ =	sdelay $0x4  }
0x24: {  	[tilespmem:s0], [sflag:$0x1] =	stream.indirect_vreg.gather [hbm4b:s3+s2], $0x80, v4, vm0, $0xb8;
	[tilespmem:$0x10100] =	vst v63  }
0x25: {  	s20 =	simm.s32 $0x900;
	v3 =	vperm.xlane v3, v2  }
0x26: {  	[tilespmem:s20], [sflag:$0x1] =	stream.indirect_vreg.gather [hbm4b:s4+s2], $0x80, v4, vm0, $0xb8;
	[tilespmem:$0x10100] =	vst v63  }
0x27: {  	v3 =	vadd.s32 v1, v3  }
0x28: {  	[tilespmem:s21], [sflag:$0x1] =	stream.indirect_vreg.gather [hbm4b:s5+s2], $0x80, v4, vm0, $0xb8;
	[tilespmem:$0x10100] =	vst v63  }
0x29: {  	_ = 	snop  }
0x2a: {  	[tilespmem:s22], [sflag:$0x1] =	stream.indirect_vreg.gather [hbm4b:s6+s2], $0x80, v4, vm0, $0xb8;
	[tilespmem:$0x10100] =	vst v63  }
0x2b: {  	_ = 	snop  }
0x2c: {  	[tilespmem:s23], [sflag:$0x1] =	stream.indirect_vreg.gather [hbm4b:s3+s2], $0x80, v3, vm0, $0xb8;
	[tilespmem:$0x10100] =	vst v63  }
0x2d: {  	_ = 	snop  }
0x2e: {  	[tilespmem:s24], [sflag:$0x1] =	stream.indirect_vreg.gather [hbm4b:s4+s2], $0x80, v3, vm0, $0xb8;
	[tilespmem:$0x10100] =	vst v63  }
0x2f: {  	_ = 	snop  }
0x30: {  	[tilespmem:s25], [sflag:$0x1] =	stream.indirect_vreg.gather [hbm4b:s5+s2], $0x80, v3, vm0, $0xb8;
	[tilespmem:$0x10100] =	vst v63  }
0x31: {  	_ = 	snop  }
0x32: {  	[tilespmem:s26], [sflag:$0x1] =	stream.indirect_vreg.gather [hbm4b:s6+s2], $0x80, v3, vm0, $0xb8;
	[tilespmem:$0x10100] =	vst v63  }
0x33: {  	v3 =	vld [tilespmem:$0x10];
	_ =	sdelay $0x4  }
0x34: {  	v57 =	vshll.u32 v3, $0x3  }
0x35: {  	v3 =	vand.u32 $0x7, v3;
	v4 =	vand.u32 $0xFFFFFFC0, v57  }
0x36: {  	v3 =	vor.u32 v3, v4  }
0x37: {  	v4 =	vperm.xlane v3, v0;
	_ =	sdelay $0x1  }
0x38: {  	v4 =	vadd.s32 v1, v4;
	_ =	sdelay $0x4  }
0x39: {  	[tilespmem:s28], [sflag:$0x1] =	stream.indirect_vreg.gather [hbm4b:s3+s2], $0x80, v4, vm0, $0xb8;
	[tilespmem:$0x10100] =	vst v63  }
0x3a: {  	v3 =	vperm.xlane v3, v2  }
0x3b: {  	[tilespmem:s29], [sflag:$0x1] =	stream.indirect_vreg.gather [hbm4b:s4+s2], $0x80, v4, vm0, $0xb8;
	[tilespmem:$0x10100] =	vst v63  }
0x3c: {  	v3 =	vadd.s32 v1, v3  }
0x3d: {  	[tilespmem:s30], [sflag:$0x1] =	stream.indirect_vreg.gather [hbm4b:s5+s2], $0x80, v4, vm0, $0xb8;
	[tilespmem:$0x10100] =	vst v63  }
0x3e: {  	_ = 	snop  }
0x3f: {  	[tilespmem:s31], [sflag:$0x1] =	stream.indirect_vreg.gather [hbm4b:s6+s2], $0x80, v4, vm0, $0xb8;
	[tilespmem:$0x10100] =	vst v63  }
0x40: {  	s1 =	simm.s32 $0x6100  }
0x41: {  	[tilespmem:s1], [sflag:$0x1] =	stream.indirect_vreg.gather [hbm4b:s3+s2], $0x80, v3, vm0, $0xb8;
	[tilespmem:$0x10100] =	vst v63  }
0x42: {  	s9 =	simm.s32 $0x6900  }
0x43: {  	[tilespmem:s9], [sflag:$0x1] =	stream.indirect_vreg.gather [hbm4b:s4+s2], $0x80, v3, vm0, $0xb8;
	[tilespmem:$0x10100] =	vst v63  }
0x44: {  	_ = 	snop  }
0x45: {  	[tilespmem:s10], [sflag:$0x1] =	stream.indirect_vreg.gather [hbm4b:s5+s2], $0x80, v3, vm0, $0xb8;
	[tilespmem:$0x10100] =	vst v63  }
0x46: {  	_ = 	snop  }
0x47: {  	[tilespmem:s11], [sflag:$0x1] =	stream.indirect_vreg.gather [hbm4b:s6+s2], $0x80, v3, vm0, $0xb8;
	[tilespmem:$0x10100] =	vst v63  }
0x48: {  	v3 =	vld [tilespmem:$0x20];
	_ =	sdelay $0x4  }
0x49: {  	v58 =	vshll.u32 v3, $0x3  }
0x4a: {  	v3 =	vand.u32 $0x7, v3;
	v4 =	vand.u32 $0xFFFFFFC0, v58  }
0x4b: {  	v3 =	vor.u32 v3, v4  }
0x4c: {  	v4 =	vperm.xlane v3, v0;
	_ =	sdelay $0x1  }
0x4d: {  	v4 =	vadd.s32 v1, v4;
	_ =	sdelay $0x4  }
0x4e: {  	[tilespmem:s12], [sflag:$0x1] =	stream.indirect_vreg.gather [hbm4b:s3+s2], $0x80, v4, vm0, $0xb8;
	[tilespmem:$0x10100] =	vst v63  }
0x4f: {  	v3 =	vperm.xlane v3, v2  }
0x50: {  	[tilespmem:s13], [sflag:$0x1] =	stream.indirect_vreg.gather [hbm4b:s4+s2], $0x80, v4, vm0, $0xb8;
	[tilespmem:$0x10100] =	vst v63  }
0x51: {  	v3 =	vadd.s32 v1, v3  }
0x52: {  	[tilespmem:s14], [sflag:$0x1] =	stream.indirect_vreg.gather [hbm4b:s5+s2], $0x80, v4, vm0, $0xb8;
	[tilespmem:$0x10100] =	vst v63  }
0x53: {  	_ = 	snop  }
0x54: {  	[tilespmem:s15], [sflag:$0x1] =	stream.indirect_vreg.gather [hbm4b:s6+s2], $0x80, v4, vm0, $0xb8;
	[tilespmem:$0x10100] =	vst v63  }
0x55: {  	_ = 	snop  }
0x56: {  	[tilespmem:s16], [sflag:$0x1] =	stream.indirect_vreg.gather [hbm4b:s3+s2], $0x80, v3, vm0, $0xb8;
	[tilespmem:$0x10100] =	vst v63  }
0x57: {  	_ = 	snop  }
0x58: {  	[tilespmem:s17], [sflag:$0x1] =	stream.indirect_vreg.gather [hbm4b:s4+s2], $0x80, v3, vm0, $0xb8;
	[tilespmem:$0x10100] =	vst v63  }
0x59: {  	s9 =	simm.s32 $0xB100  }
0x5a: {  	[tilespmem:s9], [sflag:$0x1] =	stream.indirect_vreg.gather [hbm4b:s5+s2], $0x80, v3, vm0, $0xb8;
	[tilespmem:$0x10100] =	vst v63  }
0x5b: {  	s19 =	simm.s32 $0xB900  }
0x5c: {  	[tilespmem:s19], [sflag:$0x1] =	stream.indirect_vreg.gather [hbm4b:s6+s2], $0x80, v3, vm0, $0xb8;
	[tilespmem:$0x10100] =	vst v63  }
0x5d: {  	v3 =	vld [tilespmem:$0x30];
	_ =	sdelay $0x4  }
0x5e: {  	v59 =	vshll.u32 v3, $0x3  }
0x5f: {  	v3 =	vand.u32 $0x7, v3;
	v4 =	vand.u32 $0xFFFFFFC0, v59  }
0x60: {  	v3 =	vor.u32 v3, v4  }
0x61: {  	v4 =	vperm.xlane v3, v0;
	_ =	sdelay $0x1  }
0x62: {  	v4 =	vadd.s32 v1, v4;
	_ =	sdelay $0x3  }
0x63: {  	s19 =	simm.s32 $0xC100  }
0x64: {  	[tilespmem:s19], [sflag:$0x1] =	stream.indirect_vreg.gather [hbm4b:s3+s2], $0x80, v4, vm0, $0xb8;
	[tilespmem:$0x10100] =	vst v63  }
0x65: {  	v3 =	vperm.xlane v3, v2;
	s19 =	simm.s32 $0xC900  }
0x66: {  	[tilespmem:s19], [sflag:$0x1] =	stream.indirect_vreg.gather [hbm4b:s4+s2], $0x80, v4, vm0, $0xb8;
	[tilespmem:$0x10100] =	vst v63  }
0x67: {  	v3 =	vadd.s32 v1, v3;
	s19 =	simm.s32 $0xD100  }
0x68: {  	[tilespmem:s19], [sflag:$0x1] =	stream.indirect_vreg.gather [hbm4b:s5+s2], $0x80, v4, vm0, $0xb8;
	[tilespmem:$0x10100] =	vst v63  }
0x69: {  	s19 =	simm.s32 $0xD900  }
0x6a: {  	[tilespmem:s19], [sflag:$0x1] =	stream.indirect_vreg.gather [hbm4b:s6+s2], $0x80, v4, vm0, $0xb8;
	[tilespmem:$0x10100] =	vst v63  }
0x6b: {  	s19 =	simm.s32 $0xE100  }
0x6c: {  	[tilespmem:s19], [sflag:$0x1] =	stream.indirect_vreg.gather [hbm4b:s3+s2], $0x80, v3, vm0, $0xb8;
	[tilespmem:$0x10100] =	vst v63  }
0x6d: {  	s19 =	simm.s32 $0xE900  }
0x6e: {  	[tilespmem:s19], [sflag:$0x1] =	stream.indirect_vreg.gather [hbm4b:s4+s2], $0x80, v3, vm0, $0xb8;
	[tilespmem:$0x10100] =	vst v63  }
0x6f: {  	s19 =	simm.s32 $0xF100  }
0x70: {  	[tilespmem:s19], [sflag:$0x1] =	stream.indirect_vreg.gather [hbm4b:s5+s2], $0x80, v3, vm0, $0xb8;
	[tilespmem:$0x10100] =	vst v63  }
0x71: {  	s19 =	simm.s32 $0xF900  }
0x72: {  	[tilespmem:s19], [sflag:$0x1] =	stream.indirect_vreg.gather [hbm4b:s6+s2], $0x80, v3, vm0, $0xb8;
	[tilespmem:$0x10100] =	vst v63  }
0x73: {  	_ =	swait.ge [sflag:s18], $0x10000  }
0x74: {  	[sflag:s18] =	ssyncset.done $0x0  }
0x75: {  	s19 =	rddreg [dreg:$0x2];
	[sflag:s18] =	ssyncadd.s32 $0xFFFF0000  }
0x76: {  	[hbm4b:s19+s2] =	stream.linear.scatter [tilespmem:s0], [sflag:$0x2], $0x10000, $0x38;
	[tilespmem:$0x10100] =	vst v63  }
0x77: {  	_ =	swait.ge [sflag:s8], $0x10000  }
0x78: {  	[sflag:s8] =	ssyncset.done $0x0  }
0x79: {  	[sflag:s8] =	ssyncadd.s32 $0xFFFF0000  }
0x7a: {  	v3 =	vld [tilespmem:$0x80];
	_ =	sdelay $0x4  }
0x7b: {  	v60 =	vshll.u32 v3, $0x3  }
0x7c: {  	v3 =	vand.u32 $0x7, v3;
	v4 =	vand.u32 $0xFFFFFFC0, v60  }
0x7d: {  	v3 =	vor.u32 v3, v4  }
0x7e: {  	v4 =	vperm.xlane v3, v0;
	_ =	sdelay $0x1  }
0x7f: {  	v4 =	vadd.s32 v1, v4;
	_ =	sdelay $0x4  }
0x80: {  	[tilespmem:s0], [sflag:$0x1] =	stream.indirect_vreg.gather [hbm4b:s3+s2], $0x80, v4, vm0, $0xb8;
	[tilespmem:$0x10100] =	vst v63  }
0x81: {  	v3 =	vperm.xlane v3, v2  }
0x82: {  	[tilespmem:s20], [sflag:$0x1] =	stream.indirect_vreg.gather [hbm4b:s4+s2], $0x80, v4, vm0, $0xb8;
	[tilespmem:$0x10100] =	vst v63  }
0x83: {  	v3 =	vadd.s32 v1, v3  }
0x84: {  	[tilespmem:s21], [sflag:$0x1] =	stream.indirect_vreg.gather [hbm4b:s5+s2], $0x80, v4, vm0, $0xb8;
	[tilespmem:$0x10100] =	vst v63  }
0x85: {  	_ = 	snop  }
0x86: {  	[tilespmem:s22], [sflag:$0x1] =	stream.indirect_vreg.gather [hbm4b:s6+s2], $0x80, v4, vm0, $0xb8;
	[tilespmem:$0x10100] =	vst v63  }
0x87: {  	_ = 	snop  }
0x88: {  	[tilespmem:s23], [sflag:$0x1] =	stream.indirect_vreg.gather [hbm4b:s3+s2], $0x80, v3, vm0, $0xb8;
	[tilespmem:$0x10100] =	vst v63  }
0x89: {  	_ = 	snop  }
0x8a: {  	[tilespmem:s24], [sflag:$0x1] =	stream.indirect_vreg.gather [hbm4b:s4+s2], $0x80, v3, vm0, $0xb8;
	[tilespmem:$0x10100] =	vst v63  }
0x8b: {  	_ = 	snop  }
0x8c: {  	[tilespmem:s25], [sflag:$0x1] =	stream.indirect_vreg.gather [hbm4b:s5+s2], $0x80, v3, vm0, $0xb8;
	[tilespmem:$0x10100] =	vst v63  }
0x8d: {  	_ = 	snop  }
0x8e: {  	[tilespmem:s26], [sflag:$0x1] =	stream.indirect_vreg.gather [hbm4b:s6+s2], $0x80, v3, vm0, $0xb8;
	[tilespmem:$0x10100] =	vst v63  }
0x8f: {  	v3 =	vld [tilespmem:$0x90];
	_ =	sdelay $0x4  }
0x90: {  	v61 =	vshll.u32 v3, $0x3  }
0x91: {  	v3 =	vand.u32 $0x7, v3;
	v4 =	vand.u32 $0xFFFFFFC0, v61  }
0x92: {  	v3 =	vor.u32 v3, v4  }
0x93: {  	v4 =	vperm.xlane v3, v0;
	_ =	sdelay $0x1  }
0x94: {  	v4 =	vadd.s32 v1, v4;
	_ =	sdelay $0x4  }
0x95: {  	[tilespmem:s28], [sflag:$0x1] =	stream.indirect_vreg.gather [hbm4b:s3+s2], $0x80, v4, vm0, $0xb8;
	[tilespmem:$0x10100] =	vst v63  }
0x96: {  	v3 =	vperm.xlane v3, v2  }
0x97: {  	[tilespmem:s29], [sflag:$0x1] =	stream.indirect_vreg.gather [hbm4b:s4+s2], $0x80, v4, vm0, $0xb8;
	[tilespmem:$0x10100] =	vst v63  }
0x98: {  	v3 =	vadd.s32 v1, v3  }
0x99: {  	[tilespmem:s30], [sflag:$0x1] =	stream.indirect_vreg.gather [hbm4b:s5+s2], $0x80, v4, vm0, $0xb8;
	[tilespmem:$0x10100] =	vst v63  }
0x9a: {  	_ = 	snop  }
0x9b: {  	[tilespmem:s31], [sflag:$0x1] =	stream.indirect_vreg.gather [hbm4b:s6+s2], $0x80, v4, vm0, $0xb8;
	[tilespmem:$0x10100] =	vst v63  }
0x9c: {  	_ = 	snop  }
0x9d: {  	[tilespmem:s1], [sflag:$0x1] =	stream.indirect_vreg.gather [hbm4b:s3+s2], $0x80, v3, vm0, $0xb8;
	[tilespmem:$0x10100] =	vst v63  }
0x9e: {  	s19 =	simm.s32 $0x6900  }
0x9f: {  	[tilespmem:s19], [sflag:$0x1] =	stream.indirect_vreg.gather [hbm4b:s4+s2], $0x80, v3, vm0, $0xb8;
	[tilespmem:$0x10100] =	vst v63  }
0xa0: {  	_ = 	snop  }
0xa1: {  	[tilespmem:s10], [sflag:$0x1] =	stream.indirect_vreg.gather [hbm4b:s5+s2], $0x80, v3, vm0, $0xb8;
	[tilespmem:$0x10100] =	vst v63  }
0xa2: {  	_ = 	snop  }
0xa3: {  	[tilespmem:s11], [sflag:$0x1] =	stream.indirect_vreg.gather [hbm4b:s6+s2], $0x80, v3, vm0, $0xb8;
	[tilespmem:$0x10100] =	vst v63  }
0xa4: {  	v3 =	vld [tilespmem:$0xA0];
	_ =	sdelay $0x4  }
0xa5: {  	v62 =	vshll.u32 v3, $0x3  }
0xa6: {  	v3 =	vand.u32 $0x7, v3;
	v4 =	vand.u32 $0xFFFFFFC0, v62  }
0xa7: {  	v3 =	vor.u32 v3, v4  }
0xa8: {  	v4 =	vperm.xlane v3, v0;
	_ =	sdelay $0x1  }
0xa9: {  	v4 =	vadd.s32 v1, v4;
	_ =	sdelay $0x4  }
0xaa: {  	[tilespmem:s12], [sflag:$0x1] =	stream.indirect_vreg.gather [hbm4b:s3+s2], $0x80, v4, vm0, $0xb8;
	[tilespmem:$0x10100] =	vst v63  }
0xab: {  	v3 =	vperm.xlane v3, v2  }
0xac: {  	[tilespmem:s13], [sflag:$0x1] =	stream.indirect_vreg.gather [hbm4b:s4+s2], $0x80, v4, vm0, $0xb8;
	[tilespmem:$0x10100] =	vst v63  }
0xad: {  	v3 =	vadd.s32 v1, v3  }
0xae: {  	[tilespmem:s14], [sflag:$0x1] =	stream.indirect_vreg.gather [hbm4b:s5+s2], $0x80, v4, vm0, $0xb8;
	[tilespmem:$0x10100] =	vst v63  }
0xaf: {  	_ = 	snop  }
0xb0: {  	[tilespmem:s15], [sflag:$0x1] =	stream.indirect_vreg.gather [hbm4b:s6+s2], $0x80, v4, vm0, $0xb8;
	[tilespmem:$0x10100] =	vst v63  }
0xb1: {  	_ = 	snop  }
0xb2: {  	[tilespmem:s16], [sflag:$0x1] =	stream.indirect_vreg.gather [hbm4b:s3+s2], $0x80, v3, vm0, $0xb8;
	[tilespmem:$0x10100] =	vst v63  }
0xb3: {  	_ = 	snop  }
0xb4: {  	[tilespmem:s17], [sflag:$0x1] =	stream.indirect_vreg.gather [hbm4b:s4+s2], $0x80, v3, vm0, $0xb8;
	[tilespmem:$0x10100] =	vst v63  }
0xb5: {  	_ = 	snop  }
0xb6: {  	[tilespmem:s9], [sflag:$0x1] =	stream.indirect_vreg.gather [hbm4b:s5+s2], $0x80, v3, vm0, $0xb8;
	[tilespmem:$0x10100] =	vst v63  }
0xb7: {  	s20 =	simm.s32 $0xB900  }
0xb8: {  	[tilespmem:s20], [sflag:$0x1] =	stream.indirect_vreg.gather [hbm4b:s6+s2], $0x80, v3, vm0, $0xb8;
	[tilespmem:$0x10100] =	vst v63  }
0xb9: {  	v3 =	vld [tilespmem:$0xB0];
	_ =	sdelay $0x4  }
0xba: {  	v63 =	vshll.u32 v3, $0x3  }
0xbb: {  	v3 =	vand.u32 $0x7, v3;
	v4 =	vand.u32 $0xFFFFFFC0, v63  }
0xbc: {  	v3 =	vor.u32 v3, v4  }
0xbd: {  	v4 =	vperm.xlane v3, v0;
	_ =	sdelay $0x1  }
0xbe: {  	v4 =	vadd.s32 v1, v4;
	_ =	sdelay $0x3  }
0xbf: {  	s9 =	simm.s32 $0xC100  }
0xc0: {  	[tilespmem:s9], [sflag:$0x1] =	stream.indirect_vreg.gather [hbm4b:s3+s2], $0x80, v4, vm0, $0xb8;
	[tilespmem:$0x10100] =	vst v63  }
0xc1: {  	s19 =	simm.s32 $0xC900;
	v3 =	vperm.xlane v3, v2  }
0xc2: {  	[tilespmem:s19], [sflag:$0x1] =	stream.indirect_vreg.gather [hbm4b:s4+s2], $0x80, v4, vm0, $0xb8;
	[tilespmem:$0x10100] =	vst v63  }
0xc3: {  	s20 =	simm.s32 $0xD100;
	v3 =	vadd.s32 v1, v3  }
0xc4: {  	[tilespmem:s20], [sflag:$0x1] =	stream.indirect_vreg.gather [hbm4b:s5+s2], $0x80, v4, vm0, $0xb8;
	[tilespmem:$0x10100] =	vst v63  }
0xc5: {  	s9 =	simm.s32 $0xD900  }
0xc6: {  	[tilespmem:s9], [sflag:$0x1] =	stream.indirect_vreg.gather [hbm4b:s6+s2], $0x80, v4, vm0, $0xb8;
	[tilespmem:$0x10100] =	vst v63  }
0xc7: {  	s19 =	simm.s32 $0xE100  }
0xc8: {  	[tilespmem:s19], [sflag:$0x1] =	stream.indirect_vreg.gather [hbm4b:s3+s2], $0x80, v3, vm0, $0xb8;
	[tilespmem:$0x10100] =	vst v63  }
0xc9: {  	s20 =	simm.s32 $0xE900  }
0xca: {  	[tilespmem:s20], [sflag:$0x1] =	stream.indirect_vreg.gather [hbm4b:s4+s2], $0x80, v3, vm0, $0xb8;
	[tilespmem:$0x10100] =	vst v63  }
0xcb: {  	s9 =	simm.s32 $0xF100  }
0xcc: {  	[tilespmem:s9], [sflag:$0x1] =	stream.indirect_vreg.gather [hbm4b:s5+s2], $0x80, v3, vm0, $0xb8;
	[tilespmem:$0x10100] =	vst v63  }
0xcd: {  	s19 =	simm.s32 $0xF900  }
0xce: {  	[tilespmem:s19], [sflag:$0x1] =	stream.indirect_vreg.gather [hbm4b:s6+s2], $0x80, v3, vm0, $0xb8;
	[tilespmem:$0x10100] =	vst v63  }
0xcf: {  	_ =	swait.ge [sflag:s18], $0x10000  }
0xd0: {  	p0 =	sne.s32 s7, $0x1;
	[sflag:s18] =	ssyncset.done $0x0  }
.Ltmp0:
0xd1: {  	s20 =	rddreg [dreg:$0x3];
	[sflag:s18] =	ssyncadd.s32 $0xFFFF0000;
	(pc) =	sbr.rel @p0 .LBB2_1-.Ltmp0, $4  }
0xd2: {  	[hbm4b:s20+s2] =	stream.linear.scatter [tilespmem:s0], [sflag:$0x2], $0x10000, $0x38;
	[tilespmem:$0x10100] =	vst v63  }
0xd3: {  	_ =	swait.ge [sflag:s8], $0x10000  }
0xd4: {  	[sflag:s8] =	ssyncset.done $0x0  }
0xd5: {  	s7 =	sadd.s32 $0xFFFFFFFF, s7;
	[sflag:s8] =	ssyncadd.s32 $0xFFFF0000  }
0xd6: {  	_ =	sfence.sel $0x180000  }
0xd7: {  	[bflag:$0x0] =	sbarrier.arrive $0xFFFF  }
0xd8: {  	_ =	strace $0x9000004A  }
0xd9: {  	s0 =	stileid.u32;
	[bflag:$0x2] =	sbarrier.arrive $0xFFFF  }
0xda: {  	p0 =	sne.s32 s0, $0x0;
	s0 =	rddreg [dreg:$0x1]  }
0xdb: {  	s0 =	sadd.s32 @!p0 $0x100000, s0  }
0xdc: {  	[sflag:s0] =	ssyncadd.tile.s32 @!p0 $0x1;
	_ =	shalt  }
.Lfunc_end2:
_tile_overlayer_lowered:
.L_overlay_start_2:
0xdd: {  	(tag) =	ssettag $0x2  }
0xde: {  	s0 =	rddreg [dreg:$0x0];
	s2 =	stileid.u32  }
0xdf: {  	s1 =	rddreg [dreg:$0x1];
	p0 =	sne.s32 s2, $0x0  }
0xe0: {  	s3 =	rddreg [dreg:$0x2];
	[bflag:$0x3] =	sbarrier.arrive $0xFFFF;
	s2 =	simm.s32 @!p0 $0x1C02  }
0xe1: {  	[timem:s3], [sflag:s2] =	dma.local @!p0 [hbm:s0], s1  }
0xe2: {  	s0 =	simm.s32 @!p0 $0x2  }
0xe3: {  	_ =	swait.ge @!p0 [sflag:s0], s1  }
0xe4: {  	s1 =	ssub.s32 @!p0 $0x0, s1;
	[sflag:s0] =	ssyncset.done @!p0 $0x0  }
0xe5: {  	[sflag:s0] =	ssyncadd.s32 @!p0 s1  }
0xe6: {  	[bflag:$0x3] =	sbarrier.arrive $0xFFFF  }
0xe7: {  	_ =	shalt  }

// kernel: kernel.8.cloned.1.call-start
scs
__scs_entry_jumppad:
0x0: {  	(pc) =	sbr.rel $0x88, $3  }
0x1: {  	(tag) =	ssettag $0x0;
	lr =	simm.s32 $0x1  }
0x2: {  	[smem:$0x3F96] =	sst lr;
	_ =	strace $0xD0000000  }
0x3: {  	_ = 	snop  }
0x4: {  	_ = 	snop  }
0x5: {  	_ = 	snop  }
0x6: {  	_ = 	snop  }
0x7: {  	_ = 	snop  }
__scs_overlays_trampoline_lowered:
0x8: {  	[smem:$0x3FA5] =	sst s0  }
0x9: {  	[smem:$0x3FA6] =	sst s1  }
0xa: {  	[smem:$0x3FA7] =	sst s2  }
0xb: {  	[smem:$0x3FA8] =	sst s3  }
0xc: {  	[smem:$0x3FA9] =	sst s4  }
0xd: {  	[smem:$0x3FAA] =	sst s5  }
0xe: {  	[smem:$0x3FAB] =	sst s6  }
0xf: {  	[smem:$0x3FAC] =	sst s7  }
0x10: {  	[smem:$0x3FAD] =	sst s8  }
0x11: {  	[smem:$0x3FAE] =	sst s9;
	s0 =	simm.s32 @!p0 $0x0  }
0x12: {  	s1 =	sld [smem:$0x3F94];
	s0 =	simm.s32 @p0 $0x1  }
0x13: {  	[smem:$0x3FAF] =	sst s0;
	s0 =	simm.s32 @!p1 $0x0  }
0x14: {  	s2 =	sld [smem:$0x3F93];
	s0 =	simm.s32 @p1 $0x1  }
0x15: {  	[smem:$0x3FB0] =	sst s0;
	s0 =	simm.s32 @!p2 $0x0  }
0x16: {  	s3 =	sld [smem:$0x3FDB];
	s0 =	simm.s32 @p2 $0x1  }
0x17: {  	s4 =	simm.s32 $0x1BF5;
	[smem:$0x3FB2] =	sst s0  }
0x18: {  	s0 =	sld [smem:$0x3F95];
	_ =	swait.ge [sflag:s4], $0x0  }
0x19: {  	s7 =	sld [smem:$0x3F96]  }
0x1a: {  	s8 =	sadd.s32 $0xFFFFE003, lr  }
0x1b: {  	s9 =	sadd.s32 $0xFFFFFEF7, lr;
	s5 =	simm.s32 $0xFFFFFFFF;
	p2 =	slt.u32 s8, $0xFFFFF086  }
0x1c: {  	p1 =	slt.u32 s9, $0xF7A;
	s5 =	simm.s32 @!p2 $0x0  }
0x1d: {  	s5 =	simm.s32 @p1 $0x1;
	p0 =	seq.s32 s7, s2  }
0x1e: {  	s7 =	smul.u32 @!p0 $0xF7A, s2;
	p2 =	seq.s32 @!p0 s5, $0x0  }
0x1f: {  	s9 =	smul.u32 $0xF7A, s1;
	s8 =	simm.s32 @!p0 $0x1BF5;
	p2 =	por !p2, p0  }
0x20: {  	[sflag:s8] =	ssyncset.s32 @!p0 $0xFFFFF086;
	s6 =	sadd.s32 @!p0 s3, s7;
	s7 =	simm.s32 @!p0 $0x108  }
0x21: {  	s3 =	sadd.s32 s3, s9;
	s6 =	sadd.s32 @!p0 $0x88, s6;
	s7 =	simm.s32 @p2 $0x1082  }
0x22: {  	[simem:s7], [sflag:s8] =	dma.local @!p0 [hbm:s6], $0xF7A  }
0x23: {  	s9 =	sor.u32 $0xD0000000, s2;
	s6 =	simm.s32 $0x108;
	_ =	swait.ge @!p0 [sflag:s8], $0x0  }
0x24: {  	s3 =	sadd.s32 $0x88, s3;
	s6 =	simm.s32 @!p1 $0x1082;
	[sflag:s4] =	ssyncset.s32 $0xFFFFF086  }
0x25: {  	[simem:s6], [sflag:s4] =	dma.local [hbm:s3], $0xF7A  }
0x26: {  	[smem:$0x3F96] =	sst s1;
	(tag) =	ssettag s2;
	_ =	strace s9  }
0x27: {  	s1 =	sld [smem:$0x3FA6]  }
0x28: {  	s2 =	sld [smem:$0x3FA7]  }
0x29: {  	s4 =	sld [smem:$0x3FA9]  }
0x2a: {  	p0 =	seq.s32 s5, $0x0;
	s5 =	sld [smem:$0x3FAA]  }
0x2b: {  	s6 =	sld [smem:$0x3FAB]  }
0x2c: {  	s7 =	sld [smem:$0x3FAC]  }
0x2d: {  	s3 =	simm.s32 $0x108;
	s8 =	sld [smem:$0x3FAD]  }
0x2e: {  	s3 =	simm.s32 @!p0 $0x1082;
	s9 =	sld [smem:$0x3FAE]  }
0x2f: {  	lr =	sadd.s32 s0, s3;
	s0 =	sld [smem:$0x3FA5]  }
0x30: {  	s3 =	sld [smem:$0x3FA8]  }
0x31: {  	[smem:$0x3FB1] =	sst s10  }
0x32: {  	s10 =	sld [smem:$0x3FAF];
	_ =	sdelay $0x3  }
0x33: {  	p0 =	seq.s32 s10, $0x1;
	s10 =	sld [smem:$0x3FB1];
	_ =	sdelay $0x3  }
0x34: {  	[smem:$0x3FB1] =	sst s10  }
0x35: {  	s10 =	sld [smem:$0x3FB0];
	_ =	sdelay $0x3  }
0x36: {  	p1 =	seq.s32 s10, $0x1;
	s10 =	sld [smem:$0x3FB1];
	_ =	sdelay $0x3  }
0x37: {  	[smem:$0x3FB1] =	sst s10  }
0x38: {  	s10 =	sld [smem:$0x3FB2]  }
0x39: {  	_ = 	snop;
	(pc) =	sbr.ind lr, $3  }
0x3a: {  	_ = 	snop  }
0x3b: {  	_ = 	snop  }
0x3c: {  	p2 =	seq.s32 s10, $0x1;
	s10 =	sld [smem:$0x3FB1]  }
0x3d: {  	_ =	shalt  }
0x3e: {  	_ =	shalt  }
0x3f: {  	_ =	shalt  }
0x40: {  	_ =	shalt  }
0x41: {  	_ =	shalt  }
0x42: {  	_ =	shalt  }
0x43: {  	_ =	shalt  }
0x44: {  	_ =	shalt  }
0x45: {  	_ =	shalt  }
0x46: {  	_ =	shalt  }
0x47: {  	_ =	shalt  }
0x48: {  	_ =	shalt  }
0x49: {  	_ =	shalt  }
0x4a: {  	_ =	shalt  }
0x4b: {  	_ =	shalt  }
0x4c: {  	_ =	shalt  }
0x4d: {  	_ =	shalt  }
0x4e: {  	_ =	shalt  }
0x4f: {  	_ =	shalt  }
0x50: {  	_ =	shalt  }
0x51: {  	_ =	shalt  }
0x52: {  	_ =	shalt  }
0x53: {  	_ =	shalt  }
0x54: {  	_ =	shalt  }
0x55: {  	_ =	shalt  }
0x56: {  	_ =	shalt  }
0x57: {  	_ =	shalt  }
0x58: {  	_ =	shalt  }
0x59: {  	_ =	shalt  }
0x5a: {  	_ =	shalt  }
0x5b: {  	_ =	shalt  }
0x5c: {  	_ =	shalt  }
0x5d: {  	_ =	shalt  }
0x5e: {  	_ =	shalt  }
0x5f: {  	_ =	shalt  }
0x60: {  	_ =	shalt  }
0x61: {  	_ =	shalt  }
0x62: {  	_ =	shalt  }
0x63: {  	_ =	shalt  }
0x64: {  	_ =	shalt  }
0x65: {  	_ =	shalt  }
0x66: {  	_ =	shalt  }
0x67: {  	_ =	shalt  }
0x68: {  	_ =	shalt  }
0x69: {  	_ =	shalt  }
0x6a: {  	_ =	shalt  }
0x6b: {  	_ =	shalt  }
0x6c: {  	_ =	shalt  }
0x6d: {  	_ =	shalt  }
0x6e: {  	_ =	shalt  }
0x6f: {  	_ =	shalt  }
0x70: {  	_ =	shalt  }
0x71: {  	_ =	shalt  }
0x72: {  	_ =	shalt  }
0x73: {  	_ =	shalt  }
0x74: {  	_ =	shalt  }
0x75: {  	_ =	shalt  }
0x76: {  	_ =	shalt  }
0x77: {  	_ =	shalt  }
0x78: {  	_ =	shalt  }
0x79: {  	_ =	shalt  }
0x7a: {  	_ =	shalt  }
0x7b: {  	_ =	shalt  }
0x7c: {  	_ =	shalt  }
0x7d: {  	_ =	shalt  }
0x7e: {  	_ =	shalt  }
0x7f: {  	_ =	shalt  }
0x80: {  	_ =	shalt  }
0x81: {  	_ =	shalt  }
0x82: {  	_ =	shalt  }
0x83: {  	_ =	shalt  }
0x84: {  	_ =	shalt  }
0x85: {  	_ =	shalt  }
0x86: {  	_ =	shalt  }
0x87: {  	_ =	shalt  }
.Lfunc_end0:
.L_simem_size_0:
called_computation_lowered:
.L_overlay_start_0:
0x88: {  	s2 =	sld [smem:$0x3FD9]  }
0x89: {  	s3 =	sld [smem:$0x3FFE];
	_ =	sdelay $0x1  }
0x8a: {  	s1 =	srdreg.scid  }
0x8b: {  	s0 =	sand.u32 $0x1, s1  }
0x8c: {  	s17 =	sshll.u32 s0, $0xA;
	s2 =	sadd.s32 s3, s2  }
0x8d: {  	s2 =	sadd.s32 s2, s17  }
0x8e: {  	[smem:$0x3FBD] =	sst s2  }
0x8f: {  	_ = 	snop  }
0x90: {  	s2 =	sld [smem:$0x3FD0];
	(tm) =	ssettm $0x1  }
0x91: {  	s18 =	sld [smem:$0x3FFB];
	_ =	sdelay $0x3  }
0x92: {  	_ =	strace s18  }
0x93: {  	s3 =	sld [smem:$0x3FFC];
	_ =	sdelay $0x3  }
0x94: {  	_ =	strace s3  }
0x95: {  	s3 =	sld [smem:$0x3FFD];
	_ =	sdelay $0x3  }
0x96: {  	_ =	strace s3  }
0x97: {  	_ =	strace $0x8FFFFFFF  }
0x98: {  	s19 =	sld [smem:$0x3FDB];
	_ =	sdelay $0x1  }
0x99: {  	s4 =	simm.s32 $_scs_section_size  }
0x9a: {  	s5 =	simm.s32 $_size__tile_overlayer_lowered;
	s6 =	simm.s32 $_tile_overlayer_lowered  }
0x9b: {  	s22 =	simm.s32 $0x1BFF;
	s21 =	sshll.u32 s6, $0x1;
	s3 =	sadd.s32 s4, s19  }
0x9c: {  	s7 =	simm.s32 $0x0;
	s20 =	sshll.u32 s5, $0x1;
	s5 =	sadd.s32 s21, s3  }
0x9d: {  	[timem:s7], [sflag:s22] =	dma.local [hbm:s5], s20  }
0x9e: {  	_ =	swait.ge [sflag:s22], s20  }
0x9f: {  	s4 =	ssub.s32 $0x0, s20;
	[sflag:s22] =	ssyncset.done $0x0  }
0xa0: {  	[sflag:s22] =	ssyncadd.s32 s4;
	_ =	sdelay $0x1  }
0xa1: {  	s23 =	simm.s32 $0x1B8B  }
0xa2: {  	_ =	swait.ge [sflag:s23], $0x1  }
0xa3: {  	[sflag:s23] =	ssyncset.done $0x0  }
0xa4: {  	s25 =	simm.s32 $0x1B8E;
	s24 =	sld [smem:$0x3FFE];
	[sflag:s23] =	ssyncadd.s32 $0xFFFFFFFF  }
0xa5: {  	s26 =	simm.s32 $execute0_lowered;
	[smem:$0x3FD2] =	sst s25  }
0xa6: {  	s5 =	sshll.u32 s26, $0x1;
	_ =	strace $0x80000046;
	[dreg:$0x1] =	wrdreg $0xFFFFFFFF  }
0xa7: {  	s28 =	simm.s32 $_size_execute0_lowered;
	s3 =	sadd.s32 s3, s5;
	[dreg:$0x0] =	wrdreg $0x0  }
0xa8: {  	s5 =	sshll.u32 s28, $0x1;
	[dreg:$0x2] =	wrdreg s3  }
0xa9: {  	[dreg:$0x3] =	wrdreg s5  }
0xaa: {  	[dreg:$0x4] =	wrdreg $0xC0  }
0xab: {  	_ =	task [dreg:s7], $0x5FFFF  }
0xac: {  	[dreg:$0x1] =	wrdreg $0xFFFFFFFF  }
0xad: {  	[dreg:$0x0] =	wrdreg $0x60  }
0xae: {  	[dreg:$0x2] =	wrdreg s2  }
0xaf: {  	[dreg:$0x3] =	wrdreg s24  }
0xb0: {  	[dreg:$0x4] =	wrdreg $0x9  }
0xb1: {  	_ =	task.clear_ibuf [dreg:s7], $0x5FFFF;
	_ =	strace $0x90000046  }
0xb2: {  	s29 =	simm.s32 $0x9;
	_ =	strace $0x80000048  }
0xb3: {  	_ =	swait.ge [sflag:s29], $0x1  }
0xb4: {  	[sflag:s29] =	ssyncadd.s32 $0xFFFFFFFF  }
0xb5: {  	_ =	strace $0x90000048  }
0xb6: {  	_ =	sfence  }
0xb7: {  	s30 =	sld [smem:$0x0];
	_ =	sdelay $0x2  }
0xb8: {  	s31 =	sshll.u32 s1, $0xD;
	s1 =	sshrl.u32 s1, $0x2  }
0xb9: {  	s3 =	sand.u32 $0x4000, s31;
	s1 =	sadd.s32 s1, s30  }
0xba: {  	s0 =	sor.u32 s3, s0;
	s1 =	sshll.u32 s1, $0x11  }
0xbb: {  	s0 =	sor.u32 s1, s0  }
0xbc: {  	s0 =	sadd.s32 $0x8F2B, s0  }
0xbd: {  	[sflag:s0] =	ssyncadd.remote.s32 $0x1  }
0xbe: {  	_ =	sfence.sel $0xFFFF  }
0xbf: {  	[dreg:$0x0] =	wrdreg $0xFFFFFFFF;
	(pc) =	sbr.abs _section_cstart, $3  }
0xc0: {  	[dreg:$0x1] =	wrdreg $0xFFFFFFFF  }
0xc1: {  	_ =	task.clear_ibuf [dreg:s7], $0x2FFFF;
	_ =	strace $0x9FFFFFFF  }
0xc2: {  	(tm) =	ssettm $0x7FFFFFFF  }
0xc3: {  	_ =	shalt  }
tec
execute0_lowered:
.L_overlay_start_1:
0x0: {  	(tag) =	ssettag $0x1  }
0x1: {  	s0 =	srdreg.scid  }
0x2: {  	s1 =	rddreg [dreg:$0x0];
	s2 =	stileid.u32  }
0x3: {  	s6 =	rddreg [dreg:$0x1];
	s26 =	simm.s32 $0x80;
	s8 =	simm.s32 $0x2  }
0x4: {  	s18 =	simm.s32 $0x100;
	s21 =	simm.s32 $0x1900;
	s22 =	simm.s32 $0x2100  }
0x5: {  	s23 =	simm.s32 $0x2900;
	s24 =	simm.s32 $0x3100;
	s28 =	simm.s32 $0x4900  }
0x6: {  	s29 =	simm.s32 $0x5100;
	s30 =	simm.s32 $0x5900;
	s31 =	simm.s32 $0x6100  }
0x7: {  	s10 =	simm.s32 $0x7900;
	s11 =	simm.s32 $0x8100;
	s12 =	simm.s32 $0x8900  }
0x8: {  	s13 =	simm.s32 $0x9100;
	s14 =	simm.s32 $0x9900;
	s15 =	simm.s32 $0xA100  }
0x9: {  	s16 =	simm.s32 $0xA900;
	s17 =	simm.s32 $0xB100;
	s9 =	simm.s32 $0xB900  }
0xa: {  	s0 =	sand.u32 $0x1, s0;
	s3 =	sshll.u32 s2, $0x7;
	s2 =	simm.s32 $0x0  }
0xb: {  	s4 =	sshll.u32 s0, $0x6;
	[smem:$0x7FF] =	sst s2;
	s0 =	ssub.s32 $0x2, s0  }
0xc: {  	s4 =	sor.u32 s4, s3;
	_ =	strace $0x80000047;
	s25 =	sshrl.u32 s0, $0x1  }
0xd: {  	[dreg:$0x6] =	wrdreg s26;
	s3 =	sshrl.u32 s4, $0x3;
	s4 =	sshll.u32 s4, $0x7  }
0xe: {  	s26 =	simm.s32 $0x4100;
	s5 =	sadd.s32 s3, s6;
	s1 =	sadd.s32 s1, s4  }
0xf: {  	s0 =	ssub.s32 s0, s25;
	s7 =	sadd.s32 $0x1800, s5;
	[dreg:$0x5] =	wrdreg s1  }
0x10: {  	v2 =	vlaneseq.u32;
	s25 =	simm.s32 $0x3900;
	s5 =	sadd.s32 $0x1600, s5;
	[dreg:$0x3] =	wrdreg s7  }
0x11: {  	vm0 =	vmmov $0xffff;
	v1 =	vshrl.u32 v2, $0x3;
	s3 =	sadd.s32 $0x1A00, s6;
	s4 =	sadd.s32 $0x1B00, s6;
	[dreg:$0x4] =	wrdreg s5  }
0x12: {  	v0 =	vand.u32 $0x7, v2;
	v2 =	vor.u32 $0x8, v2;
	v1 =	vmul.u32 $0x8, v1;
	s5 =	sadd.s32 $0x1C00, s6;
	s6 =	sadd.s32 $0x1D00, s6;
	s7 =	smax.u32 s0, $0x1  }
.LBB2_1:
0x13: {  	s19 =	rddreg [dreg:$0x3]  }
0x14: {  	[tilespmem:s2], [sflag:$0x2] =	stream.linear.gather [hbm4b:s19+s2], $0x40, $0x38;
	[tilespmem:$0x10100] =	vst v63  }
0x15: {  	_ =	swait.ge [sflag:s8], $0x40  }
0x16: {  	s0 =	rddreg [dreg:$0x4];
	[sflag:s8] =	ssyncset.done $0x0  }
0x17: {  	s20 =	rddreg [dreg:$0x6];
	[sflag:s8] =	ssyncadd.s32 $0xFFFFFFC0  }
0x18: {  	[tilespmem:s20], [sflag:$0x2] =	stream.linear.gather [hbm4b:s0+s2], $0x40, $0x38;
	[tilespmem:$0x10100] =	vst v63  }
0x19: {  	_ =	swait.ge [sflag:s8], $0x40  }
0x1a: {  	[sflag:s8] =	ssyncset.done $0x0  }
0x1b: {  	s1 =	rddreg [dreg:$0x5];
	[sflag:s8] =	ssyncadd.s32 $0xFFFFFFC0  }
0x1c: {  	[tilespmem:s18], [sflag:$0x2] =	stream.linear.gather [hbm4b:s1+s2], $0x10000, $0x38;
	[tilespmem:$0x10100] =	vst v63  }
0x1d: {  	_ =	swait.ge [sflag:s8], $0x10000  }
0x1e: {  	[sflag:s8] =	ssyncset.done $0x0  }
0x1f: {  	[sflag:s8] =	ssyncadd.s32 $0xFFFF0000  }
0x20: {  	v3 =	vld [tilespmem:$0x0];
	_ =	sdelay $0x4  }
0x21: {  	v4 =	vshll.u32 v3, $0x3  }
0x22: {  	v3 =	vand.u32 $0x7, v3;
	v4 =	vand.u32 $0xFFFFFFC0, v4  }
0x23: {  	v3 =	vor.u32 v3, v4  }
0x24: {  	v4 =	vperm.xlane v3, v0;
	_ =	sdelay $0x1  }
0x25: {  	v4 =	vadd.s32 v1, v4;
	_ =	sdelay $0x4  }
0x26: {  	[hbm4b:s3+s2] =	stream.indirect_vreg.scatter [tilespmem:s18], [sflag:$0x1], $0x80, v4, vm0, $0xb8;
	[tilespmem:$0x10100] =	vst v63  }
0x27: {  	s19 =	simm.s32 $0x900;
	v3 =	vperm.xlane v3, v2  }
0x28: {  	[hbm4b:s4+s2] =	stream.indirect_vreg.scatter [tilespmem:s19], [sflag:$0x1], $0x80, v4, vm0, $0xb8;
	[tilespmem:$0x10100] =	vst v63  }
0x29: {  	s20 =	simm.s32 $0x1100;
	v3 =	vadd.s32 v1, v3  }
0x2a: {  	[hbm4b:s5+s2] =	stream.indirect_vreg.scatter [tilespmem:s20], [sflag:$0x1], $0x80, v4, vm0, $0xb8;
	[tilespmem:$0x10100] =	vst v63  }
0x2b: {  	_ = 	snop  }
0x2c: {  	[hbm4b:s6+s2] =	stream.indirect_vreg.scatter [tilespmem:s21], [sflag:$0x1], $0x80, v4, vm0, $0xb8;
	[tilespmem:$0x10100] =	vst v63  }
0x2d: {  	_ = 	snop  }
0x2e: {  	[hbm4b:s3+s2] =	stream.indirect_vreg.scatter [tilespmem:s22], [sflag:$0x1], $0x80, v3, vm0, $0xb8;
	[tilespmem:$0x10100] =	vst v63  }
0x2f: {  	_ = 	snop  }
0x30: {  	[hbm4b:s4+s2] =	stream.indirect_vreg.scatter [tilespmem:s23], [sflag:$0x1], $0x80, v3, vm0, $0xb8;
	[tilespmem:$0x10100] =	vst v63  }
0x31: {  	_ = 	snop  }
0x32: {  	[hbm4b:s5+s2] =	stream.indirect_vreg.scatter [tilespmem:s24], [sflag:$0x1], $0x80, v3, vm0, $0xb8;
	[tilespmem:$0x10100] =	vst v63  }
0x33: {  	_ = 	snop  }
0x34: {  	[hbm4b:s6+s2] =	stream.indirect_vreg.scatter [tilespmem:s25], [sflag:$0x1], $0x80, v3, vm0, $0xb8;
	[tilespmem:$0x10100] =	vst v63  }
0x35: {  	v3 =	vld [tilespmem:$0x10];
	_ =	sdelay $0x4  }
0x36: {  	v57 =	vshll.u32 v3, $0x3  }
0x37: {  	v3 =	vand.u32 $0x7, v3;
	v4 =	vand.u32 $0xFFFFFFC0, v57  }
0x38: {  	v3 =	vor.u32 v3, v4  }
0x39: {  	v4 =	vperm.xlane v3, v0;
	_ =	sdelay $0x1  }
0x3a: {  	v4 =	vadd.s32 v1, v4;
	_ =	sdelay $0x4  }
0x3b: {  	[hbm4b:s3+s2] =	stream.indirect_vreg.scatter [tilespmem:s26], [sflag:$0x1], $0x80, v4, vm0, $0xb8;
	[tilespmem:$0x10100] =	vst v63  }
0x3c: {  	v3 =	vperm.xlane v3, v2  }
0x3d: {  	[hbm4b:s4+s2] =	stream.indirect_vreg.scatter [tilespmem:s28], [sflag:$0x1], $0x80, v4, vm0, $0xb8;
	[tilespmem:$0x10100] =	vst v63  }
0x3e: {  	v3 =	vadd.s32 v1, v3  }
0x3f: {  	[hbm4b:s5+s2] =	stream.indirect_vreg.scatter [tilespmem:s29], [sflag:$0x1], $0x80, v4, vm0, $0xb8;
	[tilespmem:$0x10100] =	vst v63  }
0x40: {  	_ = 	snop  }
0x41: {  	[hbm4b:s6+s2] =	stream.indirect_vreg.scatter [tilespmem:s30], [sflag:$0x1], $0x80, v4, vm0, $0xb8;
	[tilespmem:$0x10100] =	vst v63  }
0x42: {  	_ = 	snop  }
0x43: {  	[hbm4b:s3+s2] =	stream.indirect_vreg.scatter [tilespmem:s31], [sflag:$0x1], $0x80, v3, vm0, $0xb8;
	[tilespmem:$0x10100] =	vst v63  }
0x44: {  	s1 =	simm.s32 $0x6900  }
0x45: {  	[hbm4b:s4+s2] =	stream.indirect_vreg.scatter [tilespmem:s1], [sflag:$0x1], $0x80, v3, vm0, $0xb8;
	[tilespmem:$0x10100] =	vst v63  }
0x46: {  	s0 =	simm.s32 $0x7100  }
0x47: {  	[hbm4b:s5+s2] =	stream.indirect_vreg.scatter [tilespmem:s0], [sflag:$0x1], $0x80, v3, vm0, $0xb8;
	[tilespmem:$0x10100] =	vst v63  }
0x48: {  	_ = 	snop  }
0x49: {  	[hbm4b:s6+s2] =	stream.indirect_vreg.scatter [tilespmem:s10], [sflag:$0x1], $0x80, v3, vm0, $0xb8;
	[tilespmem:$0x10100] =	vst v63  }
0x4a: {  	v3 =	vld [tilespmem:$0x20];
	_ =	sdelay $0x4  }
0x4b: {  	v58 =	vshll.u32 v3, $0x3  }
0x4c: {  	v3 =	vand.u32 $0x7, v3;
	v4 =	vand.u32 $0xFFFFFFC0, v58  }
0x4d: {  	v3 =	vor.u32 v3, v4  }
0x4e: {  	v4 =	vperm.xlane v3, v0;
	_ =	sdelay $0x1  }
0x4f: {  	v4 =	vadd.s32 v1, v4;
	_ =	sdelay $0x4  }
0x50: {  	[hbm4b:s3+s2] =	stream.indirect_vreg.scatter [tilespmem:s11], [sflag:$0x1], $0x80, v4, vm0, $0xb8;
	[tilespmem:$0x10100] =	vst v63  }
0x51: {  	v3 =	vperm.xlane v3, v2  }
0x52: {  	[hbm4b:s4+s2] =	stream.indirect_vreg.scatter [tilespmem:s12], [sflag:$0x1], $0x80, v4, vm0, $0xb8;
	[tilespmem:$0x10100] =	vst v63  }
0x53: {  	v3 =	vadd.s32 v1, v3  }
0x54: {  	[hbm4b:s5+s2] =	stream.indirect_vreg.scatter [tilespmem:s13], [sflag:$0x1], $0x80, v4, vm0, $0xb8;
	[tilespmem:$0x10100] =	vst v63  }
0x55: {  	_ = 	snop  }
0x56: {  	[hbm4b:s6+s2] =	stream.indirect_vreg.scatter [tilespmem:s14], [sflag:$0x1], $0x80, v4, vm0, $0xb8;
	[tilespmem:$0x10100] =	vst v63  }
0x57: {  	_ = 	snop  }
0x58: {  	[hbm4b:s3+s2] =	stream.indirect_vreg.scatter [tilespmem:s15], [sflag:$0x1], $0x80, v3, vm0, $0xb8;
	[tilespmem:$0x10100] =	vst v63  }
0x59: {  	_ = 	snop  }
0x5a: {  	[hbm4b:s4+s2] =	stream.indirect_vreg.scatter [tilespmem:s16], [sflag:$0x1], $0x80, v3, vm0, $0xb8;
	[tilespmem:$0x10100] =	vst v63  }
0x5b: {  	_ = 	snop  }
0x5c: {  	[hbm4b:s5+s2] =	stream.indirect_vreg.scatter [tilespmem:s17], [sflag:$0x1], $0x80, v3, vm0, $0xb8;
	[tilespmem:$0x10100] =	vst v63  }
0x5d: {  	_ = 	snop  }
0x5e: {  	[hbm4b:s6+s2] =	stream.indirect_vreg.scatter [tilespmem:s9], [sflag:$0x1], $0x80, v3, vm0, $0xb8;
	[tilespmem:$0x10100] =	vst v63  }
0x5f: {  	v3 =	vld [tilespmem:$0x30];
	_ =	sdelay $0x4  }
0x60: {  	v59 =	vshll.u32 v3, $0x3  }
0x61: {  	v3 =	vand.u32 $0x7, v3;
	v4 =	vand.u32 $0xFFFFFFC0, v59  }
0x62: {  	v3 =	vor.u32 v3, v4  }
0x63: {  	v4 =	vperm.xlane v3, v0;
	_ =	sdelay $0x1  }
0x64: {  	v4 =	vadd.s32 v1, v4;
	_ =	sdelay $0x3  }
0x65: {  	s0 =	simm.s32 $0xC100  }
0x66: {  	[hbm4b:s3+s2] =	stream.indirect_vreg.scatter [tilespmem:s0], [sflag:$0x1], $0x80, v4, vm0, $0xb8;
	[tilespmem:$0x10100] =	vst v63  }
0x67: {  	v3 =	vperm.xlane v3, v2;
	s0 =	simm.s32 $0xC900  }
0x68: {  	[hbm4b:s4+s2] =	stream.indirect_vreg.scatter [tilespmem:s0], [sflag:$0x1], $0x80, v4, vm0, $0xb8;
	[tilespmem:$0x10100] =	vst v63  }
0x69: {  	v3 =	vadd.s32 v1, v3;
	s0 =	simm.s32 $0xD100  }
0x6a: {  	[hbm4b:s5+s2] =	stream.indirect_vreg.scatter [tilespmem:s0], [sflag:$0x1], $0x80, v4, vm0, $0xb8;
	[tilespmem:$0x10100] =	vst v63  }
0x6b: {  	s0 =	simm.s32 $0xD900  }
0x6c: {  	[hbm4b:s6+s2] =	stream.indirect_vreg.scatter [tilespmem:s0], [sflag:$0x1], $0x80, v4, vm0, $0xb8;
	[tilespmem:$0x10100] =	vst v63  }
0x6d: {  	s0 =	simm.s32 $0xE100  }
0x6e: {  	[hbm4b:s3+s2] =	stream.indirect_vreg.scatter [tilespmem:s0], [sflag:$0x1], $0x80, v3, vm0, $0xb8;
	[tilespmem:$0x10100] =	vst v63  }
0x6f: {  	s0 =	simm.s32 $0xE900  }
0x70: {  	[hbm4b:s4+s2] =	stream.indirect_vreg.scatter [tilespmem:s0], [sflag:$0x1], $0x80, v3, vm0, $0xb8;
	[tilespmem:$0x10100] =	vst v63  }
0x71: {  	s0 =	simm.s32 $0xF100  }
0x72: {  	[hbm4b:s5+s2] =	stream.indirect_vreg.scatter [tilespmem:s0], [sflag:$0x1], $0x80, v3, vm0, $0xb8;
	[tilespmem:$0x10100] =	vst v63  }
0x73: {  	s0 =	simm.s32 $0xF900  }
0x74: {  	[hbm4b:s6+s2] =	stream.indirect_vreg.scatter [tilespmem:s0], [sflag:$0x1], $0x80, v3, vm0, $0xb8;
	[tilespmem:$0x10100] =	vst v63  }
0x75: {  	v3 =	vld [tilespmem:$0x80];
	_ =	sdelay $0x4  }
0x76: {  	v60 =	vshll.u32 v3, $0x3  }
0x77: {  	v3 =	vand.u32 $0x7, v3;
	v4 =	vand.u32 $0xFFFFFFC0, v60  }
0x78: {  	v3 =	vor.u32 v3, v4  }
0x79: {  	v4 =	vperm.xlane v3, v0;
	_ =	sdelay $0x1  }
0x7a: {  	v4 =	vadd.s32 v1, v4;
	_ =	sdelay $0x4  }
0x7b: {  	[hbm4b:s3+s2] =	stream.indirect_vreg.scatter [tilespmem:s18], [sflag:$0x1], $0x80, v4, vm0, $0xb8;
	[tilespmem:$0x10100] =	vst v63  }
0x7c: {  	v3 =	vperm.xlane v3, v2  }
0x7d: {  	[hbm4b:s4+s2] =	stream.indirect_vreg.scatter [tilespmem:s19], [sflag:$0x1], $0x80, v4, vm0, $0xb8;
	[tilespmem:$0x10100] =	vst v63  }
0x7e: {  	v3 =	vadd.s32 v1, v3  }
0x7f: {  	[hbm4b:s5+s2] =	stream.indirect_vreg.scatter [tilespmem:s20], [sflag:$0x1], $0x80, v4, vm0, $0xb8;
	[tilespmem:$0x10100] =	vst v63  }
0x80: {  	_ = 	snop  }
0x81: {  	[hbm4b:s6+s2] =	stream.indirect_vreg.scatter [tilespmem:s21], [sflag:$0x1], $0x80, v4, vm0, $0xb8;
	[tilespmem:$0x10100] =	vst v63  }
0x82: {  	_ = 	snop  }
0x83: {  	[hbm4b:s3+s2] =	stream.indirect_vreg.scatter [tilespmem:s22], [sflag:$0x1], $0x80, v3, vm0, $0xb8;
	[tilespmem:$0x10100] =	vst v63  }
0x84: {  	_ = 	snop  }
0x85: {  	[hbm4b:s4+s2] =	stream.indirect_vreg.scatter [tilespmem:s23], [sflag:$0x1], $0x80, v3, vm0, $0xb8;
	[tilespmem:$0x10100] =	vst v63  }
0x86: {  	_ = 	snop  }
0x87: {  	[hbm4b:s5+s2] =	stream.indirect_vreg.scatter [tilespmem:s24], [sflag:$0x1], $0x80, v3, vm0, $0xb8;
	[tilespmem:$0x10100] =	vst v63  }
0x88: {  	_ = 	snop  }
0x89: {  	[hbm4b:s6+s2] =	stream.indirect_vreg.scatter [tilespmem:s25], [sflag:$0x1], $0x80, v3, vm0, $0xb8;
	[tilespmem:$0x10100] =	vst v63  }
0x8a: {  	v3 =	vld [tilespmem:$0x90];
	_ =	sdelay $0x4  }
0x8b: {  	v61 =	vshll.u32 v3, $0x3  }
0x8c: {  	v3 =	vand.u32 $0x7, v3;
	v4 =	vand.u32 $0xFFFFFFC0, v61  }
0x8d: {  	v3 =	vor.u32 v3, v4  }
0x8e: {  	v4 =	vperm.xlane v3, v0;
	_ =	sdelay $0x1  }
0x8f: {  	v4 =	vadd.s32 v1, v4;
	_ =	sdelay $0x4  }
0x90: {  	[hbm4b:s3+s2] =	stream.indirect_vreg.scatter [tilespmem:s26], [sflag:$0x1], $0x80, v4, vm0, $0xb8;
	[tilespmem:$0x10100] =	vst v63  }
0x91: {  	v3 =	vperm.xlane v3, v2  }
0x92: {  	[hbm4b:s4+s2] =	stream.indirect_vreg.scatter [tilespmem:s28], [sflag:$0x1], $0x80, v4, vm0, $0xb8;
	[tilespmem:$0x10100] =	vst v63  }
0x93: {  	v3 =	vadd.s32 v1, v3  }
0x94: {  	[hbm4b:s5+s2] =	stream.indirect_vreg.scatter [tilespmem:s29], [sflag:$0x1], $0x80, v4, vm0, $0xb8;
	[tilespmem:$0x10100] =	vst v63  }
0x95: {  	_ = 	snop  }
0x96: {  	[hbm4b:s6+s2] =	stream.indirect_vreg.scatter [tilespmem:s30], [sflag:$0x1], $0x80, v4, vm0, $0xb8;
	[tilespmem:$0x10100] =	vst v63  }
0x97: {  	_ = 	snop  }
0x98: {  	[hbm4b:s3+s2] =	stream.indirect_vreg.scatter [tilespmem:s31], [sflag:$0x1], $0x80, v3, vm0, $0xb8;
	[tilespmem:$0x10100] =	vst v63  }
0x99: {  	_ = 	snop  }
0x9a: {  	[hbm4b:s4+s2] =	stream.indirect_vreg.scatter [tilespmem:s1], [sflag:$0x1], $0x80, v3, vm0, $0xb8;
	[tilespmem:$0x10100] =	vst v63  }
0x9b: {  	s20 =	simm.s32 $0x7100  }
0x9c: {  	[hbm4b:s5+s2] =	stream.indirect_vreg.scatter [tilespmem:s20], [sflag:$0x1], $0x80, v3, vm0, $0xb8;
	[tilespmem:$0x10100] =	vst v63  }
0x9d: {  	_ = 	snop  }
0x9e: {  	[hbm4b:s6+s2] =	stream.indirect_vreg.scatter [tilespmem:s10], [sflag:$0x1], $0x80, v3, vm0, $0xb8;
	[tilespmem:$0x10100] =	vst v63  }
0x9f: {  	v3 =	vld [tilespmem:$0xA0];
	_ =	sdelay $0x4  }
0xa0: {  	v62 =	vshll.u32 v3, $0x3  }
0xa1: {  	v3 =	vand.u32 $0x7, v3;
	v4 =	vand.u32 $0xFFFFFFC0, v62  }
0xa2: {  	v3 =	vor.u32 v3, v4  }
0xa3: {  	v4 =	vperm.xlane v3, v0;
	_ =	sdelay $0x1  }
0xa4: {  	v4 =	vadd.s32 v1, v4;
	_ =	sdelay $0x4  }
0xa5: {  	[hbm4b:s3+s2] =	stream.indirect_vreg.scatter [tilespmem:s11], [sflag:$0x1], $0x80, v4, vm0, $0xb8;
	[tilespmem:$0x10100] =	vst v63  }
0xa6: {  	v3 =	vperm.xlane v3, v2  }
0xa7: {  	[hbm4b:s4+s2] =	stream.indirect_vreg.scatter [tilespmem:s12], [sflag:$0x1], $0x80, v4, vm0, $0xb8;
	[tilespmem:$0x10100] =	vst v63  }
0xa8: {  	v3 =	vadd.s32 v1, v3  }
0xa9: {  	[hbm4b:s5+s2] =	stream.indirect_vreg.scatter [tilespmem:s13], [sflag:$0x1], $0x80, v4, vm0, $0xb8;
	[tilespmem:$0x10100] =	vst v63  }
0xaa: {  	_ = 	snop  }
0xab: {  	[hbm4b:s6+s2] =	stream.indirect_vreg.scatter [tilespmem:s14], [sflag:$0x1], $0x80, v4, vm0, $0xb8;
	[tilespmem:$0x10100] =	vst v63  }
0xac: {  	_ = 	snop  }
0xad: {  	[hbm4b:s3+s2] =	stream.indirect_vreg.scatter [tilespmem:s15], [sflag:$0x1], $0x80, v3, vm0, $0xb8;
	[tilespmem:$0x10100] =	vst v63  }
0xae: {  	_ = 	snop  }
0xaf: {  	[hbm4b:s4+s2] =	stream.indirect_vreg.scatter [tilespmem:s16], [sflag:$0x1], $0x80, v3, vm0, $0xb8;
	[tilespmem:$0x10100] =	vst v63  }
0xb0: {  	_ = 	snop  }
0xb1: {  	[hbm4b:s5+s2] =	stream.indirect_vreg.scatter [tilespmem:s17], [sflag:$0x1], $0x80, v3, vm0, $0xb8;
	[tilespmem:$0x10100] =	vst v63  }
0xb2: {  	_ = 	snop  }
0xb3: {  	[hbm4b:s6+s2] =	stream.indirect_vreg.scatter [tilespmem:s9], [sflag:$0x1], $0x80, v3, vm0, $0xb8;
	[tilespmem:$0x10100] =	vst v63  }
0xb4: {  	v3 =	vld [tilespmem:$0xB0];
	_ =	sdelay $0x4  }
0xb5: {  	v63 =	vshll.u32 v3, $0x3  }
0xb6: {  	v3 =	vand.u32 $0x7, v3;
	v4 =	vand.u32 $0xFFFFFFC0, v63  }
0xb7: {  	v3 =	vor.u32 v3, v4  }
0xb8: {  	v4 =	vperm.xlane v3, v0;
	_ =	sdelay $0x1  }
0xb9: {  	v4 =	vadd.s32 v1, v4;
	_ =	sdelay $0x3  }
0xba: {  	s19 =	simm.s32 $0xC100  }
0xbb: {  	[hbm4b:s3+s2] =	stream.indirect_vreg.scatter [tilespmem:s19], [sflag:$0x1], $0x80, v4, vm0, $0xb8;
	[tilespmem:$0x10100] =	vst v63  }
0xbc: {  	s20 =	simm.s32 $0xC900;
	v3 =	vperm.xlane v3, v2  }
0xbd: {  	[hbm4b:s4+s2] =	stream.indirect_vreg.scatter [tilespmem:s20], [sflag:$0x1], $0x80, v4, vm0, $0xb8;
	[tilespmem:$0x10100] =	vst v63  }
0xbe: {  	v3 =	vadd.s32 v1, v3;
	s19 =	simm.s32 $0xD100  }
0xbf: {  	[hbm4b:s5+s2] =	stream.indirect_vreg.scatter [tilespmem:s19], [sflag:$0x1], $0x80, v4, vm0, $0xb8;
	[tilespmem:$0x10100] =	vst v63  }
0xc0: {  	s20 =	simm.s32 $0xD900  }
0xc1: {  	[hbm4b:s6+s2] =	stream.indirect_vreg.scatter [tilespmem:s20], [sflag:$0x1], $0x80, v4, vm0, $0xb8;
	[tilespmem:$0x10100] =	vst v63  }
0xc2: {  	s19 =	simm.s32 $0xE100  }
0xc3: {  	[hbm4b:s3+s2] =	stream.indirect_vreg.scatter [tilespmem:s19], [sflag:$0x1], $0x80, v3, vm0, $0xb8;
	[tilespmem:$0x10100] =	vst v63  }
0xc4: {  	s20 =	simm.s32 $0xE900  }
0xc5: {  	[hbm4b:s4+s2] =	stream.indirect_vreg.scatter [tilespmem:s20], [sflag:$0x1], $0x80, v3, vm0, $0xb8;
	[tilespmem:$0x10100] =	vst v63  }
0xc6: {  	s19 =	simm.s32 $0xF100  }
0xc7: {  	[hbm4b:s5+s2] =	stream.indirect_vreg.scatter [tilespmem:s19], [sflag:$0x1], $0x80, v3, vm0, $0xb8;
	[tilespmem:$0x10100] =	vst v63  }
0xc8: {  	s20 =	simm.s32 $0x1  }
0xc9: {  	[hbm4b:s6+s2] =	stream.indirect_vreg.scatter [tilespmem:s0], [sflag:$0x1], $0x80, v3, vm0, $0xb8;
	[tilespmem:$0x10100] =	vst v63  }
0xca: {  	p0 =	sne.s32 s7, $0x1;
	_ =	swait.ge [sflag:s20], $0x10000  }
.Ltmp0:
0xcb: {  	[sflag:s20] =	ssyncset.done $0x0;
	(pc) =	sbr.rel @p0 .LBB2_1-.Ltmp0, $4  }
0xcc: {  	[sflag:s20] =	ssyncadd.s32 $0xFFFF0000  }
0xcd: {  	_ =	swait.ge [sflag:s20], $0x10000  }
0xce: {  	[sflag:s20] =	ssyncset.done $0x0  }
0xcf: {  	s7 =	sadd.s32 $0xFFFFFFFF, s7;
	[sflag:s20] =	ssyncadd.s32 $0xFFFF0000  }
0xd0: {  	_ =	sfence.sel $0x180000  }
0xd1: {  	[bflag:$0x0] =	sbarrier.arrive $0xFFFF  }
0xd2: {  	_ =	strace $0x90000047  }
0xd3: {  	s0 =	stileid.u32;
	[bflag:$0x2] =	sbarrier.arrive $0xFFFF  }
0xd4: {  	p0 =	sne.s32 s0, $0x0;
	s0 =	rddreg [dreg:$0x2]  }
0xd5: {  	s0 =	sadd.s32 @!p0 $0x100000, s0  }
0xd6: {  	[sflag:s0] =	ssyncadd.tile.s32 @!p0 $0x1;
	_ =	shalt  }
.Lfunc_end2:
_tile_overlayer_lowered:
.L_overlay_start_2:
0xd7: {  	(tag) =	ssettag $0x2  }
0xd8: {  	s0 =	rddreg [dreg:$0x0];
	s2 =	stileid.u32  }
0xd9: {  	s1 =	rddreg [dreg:$0x1];
	p0 =	sne.s32 s2, $0x0  }
0xda: {  	s3 =	rddreg [dreg:$0x2];
	[bflag:$0x3] =	sbarrier.arrive $0xFFFF;
	s2 =	simm.s32 @!p0 $0x1C02  }
0xdb: {  	[timem:s3], [sflag:s2] =	dma.local @!p0 [hbm:s0], s1  }
0xdc: {  	s0 =	simm.s32 @!p0 $0x2  }
0xdd: {  	_ =	swait.ge @!p0 [sflag:s0], s1  }
0xde: {  	s1 =	ssub.s32 @!p0 $0x0, s1;
	[sflag:s0] =	ssyncset.done @!p0 $0x0  }
0xdf: {  	[sflag:s0] =	ssyncadd.s32 @!p0 s1  }
0xe0: {  	[bflag:$0x3] =	sbarrier.arrive $0xFFFF  }
0xe1: {  	_ =	shalt  }

</sc_bundles>
